<compile_context>
chip_gen: v7x
topology: tpu7x:2x2x1
jax: 0.10.2.dev20260603
libtpu: 0.0.44.dev20260713+nightly
codegen_flags: <defaults>
</compile_context>

<pallas_src>
import functools

import jax
import jax.numpy as jnp
from jax import lax
from jax.experimental import pallas as pl
from jax.experimental.pallas import tpu as pltpu
from jax.experimental.pallas import tpu_sc as plsc

N_STUDENTS = 100000
N_QUESTIONS = 100000
N_PARAMS = N_STUDENTS + N_QUESTIONS
BATCH = 4096
NSUB = 16
LANES = 16
ROWS_PER_TILE = 2
ROW = 128
CHUNKS = ROW // LANES

_LN2 = 0.6931471805599453
_INV_B = 1.0 / BATCH


def _softplus16(d):
    x = jnp.float32(1.0) + jnp.exp(d)
    xi = lax.bitcast_convert_type(x, jnp.int32)
    e = lax.shift_right_arithmetic(xi, jnp.int32(23)) - jnp.int32(127)
    m_bits = lax.bitwise_or(
        lax.bitwise_and(xi, jnp.int32(0x007FFFFF)), jnp.int32(0x3F800000)
    )
    m = lax.bitcast_convert_type(m_bits, jnp.float32)
    t = (m - jnp.float32(1.0)) / (m + jnp.float32(1.0))
    t2 = t * t
    p = jnp.float32(1.0 / 9.0)
    p = p * t2 + jnp.float32(1.0 / 7.0)
    p = p * t2 + jnp.float32(1.0 / 5.0)
    p = p * t2 + jnp.float32(1.0 / 3.0)
    p = p * t2 + jnp.float32(1.0)
    log_m = jnp.float32(2.0) * t * p
    return e.astype(jnp.float32) * jnp.float32(_LN2) + log_m


@functools.partial(
    pl.kernel,
    out_type=jax.ShapeDtypeStruct((LANES,), jnp.float32),
    mesh=plsc.VectorSubcoreMesh(core_axis_name="c", subcore_axis_name="s",
                                num_cores=1),
    scratch_types=[
        pltpu.VMEM((ROWS_PER_TILE, ROW), jnp.int32),
        pltpu.VMEM((ROWS_PER_TILE, ROW), jnp.int32),
        pltpu.VMEM((ROWS_PER_TILE, ROW), jnp.float32),
        pltpu.VMEM((ROWS_PER_TILE, ROW), jnp.float32),
        pltpu.VMEM((ROWS_PER_TILE, ROW), jnp.float32),
        pltpu.VMEM((4, LANES), jnp.float32),
        pltpu.VMEM((NSUB, 4, LANES), jnp.float32),
        pltpu.HBM((NSUB, 4, LANES), jnp.float32),
        pltpu.VMEM((LANES,), jnp.float32),
        pltpu.SemaphoreType.DMA,
        pltpu.SemaphoreType.DMA,
    ],
)
def _rasch_sc(params_hbm, sids_hbm, qids_hbm, resp_hbm,
              out_hbm,
              sidx, qidx, srows, qrows, resp, accbuf, gath, stage_hbm,
              outbuf, sem, isem):
    cid = lax.axis_index("c")
    sid = lax.axis_index("s")

    @pl.when(cid == 0)
    def _():
        c1 = pltpu.async_copy(sids_hbm.at[sid], sidx, isem)
        c2 = pltpu.async_copy(qids_hbm.at[sid], qidx, isem)
        c3 = pltpu.async_copy(resp_hbm.at[sid], resp, isem)
        c1.wait()
        c2.wait()

        for r in range(ROWS_PER_TILE):
            for c in range(CHUNKS):
                sl = pl.ds(c * LANES, LANES)
                qidx[r, sl] = qidx[r, sl] + jnp.int32(N_STUDENTS)

        copies = []
        for r in range(ROWS_PER_TILE):
            copies.append(
                pltpu.async_copy(params_hbm.at[sidx.at[r]], srows.at[r], sem))
            copies.append(
                pltpu.async_copy(params_hbm.at[qidx.at[r]], qrows.at[r], sem))
        c3.wait()

        acc_sp = jnp.zeros((LANES,), jnp.float32)
        acc_d = jnp.zeros((LANES,), jnp.float32)
        acc_r = jnp.zeros((LANES,), jnp.float32)
        for r in range(ROWS_PER_TILE):
            copies[2 * r].wait()
            copies[2 * r + 1].wait()
            for c in range(CHUNKS):
                sl = pl.ds(c * LANES, LANES)
                d = srows[r, sl] - qrows[r, sl]
                acc_sp = acc_sp + _softplus16(d)
                acc_d = acc_d + d
                acc_r = acc_r + resp[r, sl]

        accbuf[0, :] = acc_sp
        accbuf[1, :] = acc_d
        accbuf[2, :] = acc_r
        accbuf[3, :] = jnp.zeros((LANES,), jnp.float32)

        pltpu.sync_copy(accbuf, stage_hbm.at[sid])
        plsc.subcore_barrier()

        @pl.when(sid == 0)
        def _():
            pltpu.sync_copy(stage_hbm, gath)
            tsp = jnp.zeros((LANES,), jnp.float32)
            td = jnp.zeros((LANES,), jnp.float32)
            tr = jnp.zeros((LANES,), jnp.float32)
            for i in range(NSUB):
                tsp = tsp + gath[i, 0, :]
                td = td + gath[i, 1, :]
                tr = tr + gath[i, 2, :]
            ssp = jnp.float32(0.0)
            sd = jnp.float32(0.0)
            sr = jnp.float32(0.0)
            for k in range(LANES):
                ssp = ssp + tsp[k]
                sd = sd + td[k]
                sr = sr + tr[k]
            res = ssp * jnp.float32(_INV_B) - (
                sr * jnp.float32(_INV_B)) * (sd * jnp.float32(_INV_B))
            outbuf[...] = res * jnp.ones((LANES,), jnp.float32)
            pltpu.sync_copy(outbuf, out_hbm)


def kernel(stud_ids, ques_ids, responses, params):
    sids = stud_ids.astype(jnp.int32).reshape(NSUB, ROWS_PER_TILE, ROW)
    qids = ques_ids.astype(jnp.int32).reshape(NSUB, ROWS_PER_TILE, ROW)
    resp = responses.astype(jnp.float32).reshape(NSUB, ROWS_PER_TILE, ROW)
    table = params.reshape(-1)
    out = _rasch_sc(table, sids, qids, resp)
    return out[0]

# --- scband reference (transcript-rebuilt; emitter-appended) ---
"""Pipeline reference for scband-rasch-20779051778599 (READ-ONLY COPY).

The authoritative reference and input builder live on the scoring server;
editing this copy changes nothing except your own understanding.
"""

import jax, jax.numpy as jnp
import numpy as np

N_STUD = 100000
N_QUES = 100000
B = 4096

def setup_inputs(seed: int = 0) -> dict:
    key = jax.random.key(seed)
    k1, k2, k3, k4 = jax.random.split(key, 4)
    stud_ids = jax.random.randint(k1, (B,), 0, N_STUD)
    ques_ids = jax.random.randint(k2, (B,), 0, N_QUES)
    responses = jax.random.uniform(k3, (B,), dtype=jnp.float32)
    params = jax.random.normal(k4, (N_STUD + N_QUES, 1), dtype=jnp.float32)
    return {"stud_ids": stud_ids, "ques_ids": ques_ids, "responses": responses, "params": params}

def reference(stud_ids, ques_ids, responses, params):
    # Faithful translation of Rasch.forward(batch):
    #   stud_param = self.params(batch[0])                      -> gather [B, 1]
    #   ques_param = self.params(len(students) + batch[1])      -> offset gather [B, 1]
    #   loglike = batch[2] * (stud_param - ques_param)          -> [B] * [B,1] broadcasts to [B,B]
    #   loglike -= log(1 + exp(stud_param - ques_param))        -> [B,1] broadcasts
    #   return -loglike.mean()
    stud_param = jnp.take(params, stud_ids, axis=0)
    ques_param = jnp.take(params, N_STUD + ques_ids, axis=0)
    diff = stud_param - ques_param
    loglike = responses * diff
    loglike = loglike - jnp.log(1.0 + jnp.exp(diff))
    return -loglike.mean()

if __name__ == "__main__":
    import jax
    _d = setup_inputs()
    print(jax.jit(kernel)(*tuple(_d.values())))

</pallas_src>

<mosaic_0001>
#map = affine_map<(d0, d1) -> (0)>
#map1 = affine_map<(d0, d1) -> (0, 0, 0)>
module attributes {stable_mosaic.version = 14 : i64} {
  func.func @_rasch_sc(%arg0: i32, %arg1: i32, %arg2: memref<200000xf32, #tpu.memory_space<hbm>>, %arg3: memref<16x2x128xi32, #tpu.memory_space<hbm>>, %arg4: memref<16x2x128xi32, #tpu.memory_space<hbm>>, %arg5: memref<16x2x128xf32, #tpu.memory_space<hbm>>, %arg6: memref<16xf32, #tpu.memory_space<hbm>>, %arg7: memref<2x128xi32, #tpu.memory_space<vmem>>, %arg8: memref<2x128xi32, #tpu.memory_space<vmem>>, %arg9: memref<2x128xf32, #tpu.memory_space<vmem>>, %arg10: memref<2x128xf32, #tpu.memory_space<vmem>>, %arg11: memref<2x128xf32, #tpu.memory_space<vmem>>, %arg12: memref<4x16xf32, #tpu.memory_space<vmem>>, %arg13: memref<16x4x16xf32, #tpu.memory_space<vmem>>, %arg14: memref<16x4x16xf32, #tpu.memory_space<hbm>>, %arg15: memref<16xf32, #tpu.memory_space<vmem>>, %arg16: memref<!tpu.dma_semaphore, #tpu.memory_space<semaphore_mem>>, %arg17: memref<!tpu.dma_semaphore, #tpu.memory_space<semaphore_mem>>) attributes {dimension_semantics = [#tpu.dimension_semantics<core_parallel>, #tpu.dimension_semantics<subcore_parallel>], iteration_bounds = array<i64: 1, 16>, scalar_prefetch = 0 : i64, scratch_operands = 11 : i64, tpu.core_type = #tpu.core_type<sc_vector_subcore>, window_params = [{transform_indices = #map}, {transform_indices = #map1}, {transform_indices = #map1}, {transform_indices = #map1}, {transform_indices = #map}]} {
    %eq3A = arith.constant 0 : i32
    %eq3A_0 = arith.cmpi eq, %arg0, %eq3A : i32
    %convert_element_type3A = arith.extui %eq3A_0 : i1 to i32
    %cond3A = arith.constant 0 : i32
    %cond3A_1 = arith.cmpi ne, %convert_element_type3A, %cond3A : i32
    scf.if %cond3A_1 {
      %dma_start3A = arith.constant 0 : i32
      %dma_start3A_2 = arith.constant 0 : i32
      %dma_start3A_3 = tpu.memref_slice %arg3[%arg1, %dma_start3A, %dma_start3A_2] : memref<16x2x128xi32, #tpu.memory_space<hbm>> -> memref<1x2x128xi32, #tpu.memory_space<hbm>>
      %dma_start3A_4 = tpu.memref_squeeze %dma_start3A_3 : memref<1x2x128xi32, #tpu.memory_space<hbm>> -> memref<2x128xi32, #tpu.memory_space<hbm>>
      %dma_start3A_5 = arith.constant 0 : i32
      %dma_start3A_6 = arith.constant 0 : i32
      %dma_start3A_7 = tpu.memref_slice %arg3[%arg1, %dma_start3A_5, %dma_start3A_6] : memref<16x2x128xi32, #tpu.memory_space<hbm>> -> memref<1x2x128xi32, #tpu.memory_space<hbm>>
      %dma_start3A_8 = tpu.memref_squeeze %dma_start3A_7 : memref<1x2x128xi32, #tpu.memory_space<hbm>> -> memref<2x128xi32, #tpu.memory_space<hbm>>
      tpu.enqueue_dma source(%dma_start3A_8 : memref<2x128xi32, #tpu.memory_space<hbm>>) target(%arg7 : memref<2x128xi32, #tpu.memory_space<vmem>>) target_semaphore(%arg17 : memref<!tpu.dma_semaphore, #tpu.memory_space<semaphore_mem>>)
      %dma_start3A_9 = arith.constant 0 : i32
      %dma_start3A_10 = arith.constant 0 : i32
      %dma_start3A_11 = tpu.memref_slice %arg4[%arg1, %dma_start3A_9, %dma_start3A_10] : memref<16x2x128xi32, #tpu.memory_space<hbm>> -> memref<1x2x128xi32, #tpu.memory_space<hbm>>
      %dma_start3A_12 = tpu.memref_squeeze %dma_start3A_11 : memref<1x2x128xi32, #tpu.memory_space<hbm>> -> memref<2x128xi32, #tpu.memory_space<hbm>>
      %dma_start3A_13 = arith.constant 0 : i32
      %dma_start3A_14 = arith.constant 0 : i32
      %dma_start3A_15 = tpu.memref_slice %arg4[%arg1, %dma_start3A_13, %dma_start3A_14] : memref<16x2x128xi32, #tpu.memory_space<hbm>> -> memref<1x2x128xi32, #tpu.memory_space<hbm>>
      %dma_start3A_16 = tpu.memref_squeeze %dma_start3A_15 : memref<1x2x128xi32, #tpu.memory_space<hbm>> -> memref<2x128xi32, #tpu.memory_space<hbm>>
      tpu.enqueue_dma source(%dma_start3A_16 : memref<2x128xi32, #tpu.memory_space<hbm>>) target(%arg8 : memref<2x128xi32, #tpu.memory_space<vmem>>) target_semaphore(%arg17 : memref<!tpu.dma_semaphore, #tpu.memory_space<semaphore_mem>>)
      %dma_start3A_17 = arith.constant 0 : i32
      %dma_start3A_18 = arith.constant 0 : i32
      %dma_start3A_19 = tpu.memref_slice %arg5[%arg1, %dma_start3A_17, %dma_start3A_18] : memref<16x2x128xf32, #tpu.memory_space<hbm>> -> memref<1x2x128xf32, #tpu.memory_space<hbm>>
      %dma_start3A_20 = tpu.memref_squeeze %dma_start3A_19 : memref<1x2x128xf32, #tpu.memory_space<hbm>> -> memref<2x128xf32, #tpu.memory_space<hbm>>
      %dma_start3A_21 = arith.constant 0 : i32
      %dma_start3A_22 = arith.constant 0 : i32
      %dma_start3A_23 = tpu.memref_slice %arg5[%arg1, %dma_start3A_21, %dma_start3A_22] : memref<16x2x128xf32, #tpu.memory_space<hbm>> -> memref<1x2x128xf32, #tpu.memory_space<hbm>>
      %dma_start3A_24 = tpu.memref_squeeze %dma_start3A_23 : memref<1x2x128xf32, #tpu.memory_space<hbm>> -> memref<2x128xf32, #tpu.memory_space<hbm>>
      tpu.enqueue_dma source(%dma_start3A_24 : memref<2x128xf32, #tpu.memory_space<hbm>>) target(%arg11 : memref<2x128xf32, #tpu.memory_space<vmem>>) target_semaphore(%arg17 : memref<!tpu.dma_semaphore, #tpu.memory_space<semaphore_mem>>)
      %dma_wait3A = arith.constant 0 : i32
      %dma_wait3A_25 = arith.constant 0 : i32
      %dma_wait3A_26 = tpu.memref_slice %arg3[%arg1, %dma_wait3A, %dma_wait3A_25] : memref<16x2x128xi32, #tpu.memory_space<hbm>> -> memref<1x2x128xi32, #tpu.memory_space<hbm>>
      %dma_wait3A_27 = tpu.memref_squeeze %dma_wait3A_26 : memref<1x2x128xi32, #tpu.memory_space<hbm>> -> memref<2x128xi32, #tpu.memory_space<hbm>>
      %dma_wait3A_28 = arith.constant 0 : i32
      %dma_wait3A_29 = arith.constant 0 : i32
      %dma_wait3A_30 = tpu.memref_slice %arg3[%arg1, %dma_wait3A_28, %dma_wait3A_29] : memref<16x2x128xi32, #tpu.memory_space<hbm>> -> memref<1x2x128xi32, #tpu.memory_space<hbm>>
      %dma_wait3A_31 = tpu.memref_squeeze %dma_wait3A_30 : memref<1x2x128xi32, #tpu.memory_space<hbm>> -> memref<2x128xi32, #tpu.memory_space<hbm>>
      tpu.wait_dma2 semaphore(%arg17 : memref<!tpu.dma_semaphore, #tpu.memory_space<semaphore_mem>>) src(%dma_wait3A_31 : memref<2x128xi32, #tpu.memory_space<hbm>>) dst(%arg7 : memref<2x128xi32, #tpu.memory_space<vmem>>)
      %dma_wait3A_32 = arith.constant 0 : i32
      %dma_wait3A_33 = arith.constant 0 : i32
      %dma_wait3A_34 = tpu.memref_slice %arg4[%arg1, %dma_wait3A_32, %dma_wait3A_33] : memref<16x2x128xi32, #tpu.memory_space<hbm>> -> memref<1x2x128xi32, #tpu.memory_space<hbm>>
      %dma_wait3A_35 = tpu.memref_squeeze %dma_wait3A_34 : memref<1x2x128xi32, #tpu.memory_space<hbm>> -> memref<2x128xi32, #tpu.memory_space<hbm>>
      %dma_wait3A_36 = arith.constant 0 : i32
      %dma_wait3A_37 = arith.constant 0 : i32
      %dma_wait3A_38 = tpu.memref_slice %arg4[%arg1, %dma_wait3A_36, %dma_wait3A_37] : memref<16x2x128xi32, #tpu.memory_space<hbm>> -> memref<1x2x128xi32, #tpu.memory_space<hbm>>
      %dma_wait3A_39 = tpu.memref_squeeze %dma_wait3A_38 : memref<1x2x128xi32, #tpu.memory_space<hbm>> -> memref<2x128xi32, #tpu.memory_space<hbm>>
      tpu.wait_dma2 semaphore(%arg17 : memref<!tpu.dma_semaphore, #tpu.memory_space<semaphore_mem>>) src(%dma_wait3A_39 : memref<2x128xi32, #tpu.memory_space<hbm>>) dst(%arg8 : memref<2x128xi32, #tpu.memory_space<vmem>>)
      %get3A = arith.constant 0 : i32
      %get3A_40 = arith.index_cast %get3A : i32 to index
      %get3A_41 = arith.constant 0 : index
      %get3A_42 = tpu.vector_load %arg8[%get3A_40, %get3A_41] {strides = array<i32>} : memref<2x128xi32, #tpu.memory_space<vmem>>, vector<1x16xi32>,
      %get3A_43 = vector.shape_cast %get3A_42 : vector<1x16xi32> to vector<16xi32>
      %add3A = arith.constant 100000 : i32
      %add3A_44 = vector.broadcast %add3A : i32 to vector<16xi32>
      %add3A_45 = arith.addi %get3A_43, %add3A_44 : vector<16xi32>
      %swap3A = arith.constant 0 : i32
      %swap3A_46 = arith.index_cast %swap3A : i32 to index
      %swap3A_47 = arith.constant 0 : index
      %swap3A_48 = tpu.vector_load %arg8[%swap3A_46, %swap3A_47] {strides = array<i32>} : memref<2x128xi32, #tpu.memory_space<vmem>>, vector<1x16xi32>,
      %swap3A_49 = vector.shape_cast %swap3A_48 : vector<1x16xi32> to vector<16xi32>
      %swap3A_50 = vector.shape_cast %add3A_45 : vector<16xi32> to vector<1x16xi32>
      tpu.vector_store %arg8[%swap3A_46, %swap3A_47], %swap3A_50 {strides = array<i32>} : memref<2x128xi32, #tpu.memory_space<vmem>>, vector<1x16xi32>,
      %get3A_51 = arith.constant 0 : i32
      %get3A_52 = arith.index_cast %get3A_51 : i32 to index
      %get3A_53 = arith.constant 16 : index
      %get3A_54 = tpu.vector_load %arg8[%get3A_52, %get3A_53] {strides = array<i32>} : memref<2x128xi32, #tpu.memory_space<vmem>>, vector<1x16xi32>,
      %get3A_55 = vector.shape_cast %get3A_54 : vector<1x16xi32> to vector<16xi32>
      %add3A_56 = arith.constant 100000 : i32
      %add3A_57 = vector.broadcast %add3A_56 : i32 to vector<16xi32>
      %add3A_58 = arith.addi %get3A_55, %add3A_57 : vector<16xi32>
      %swap3A_59 = arith.constant 0 : i32
      %swap3A_60 = arith.index_cast %swap3A_59 : i32 to index
      %swap3A_61 = arith.constant 16 : index
      %swap3A_62 = tpu.vector_load %arg8[%swap3A_60, %swap3A_61] {strides = array<i32>} : memref<2x128xi32, #tpu.memory_space<vmem>>, vector<1x16xi32>,
      %swap3A_63 = vector.shape_cast %swap3A_62 : vector<1x16xi32> to vector<16xi32>
      %swap3A_64 = vector.shape_cast %add3A_58 : vector<16xi32> to vector<1x16xi32>
      tpu.vector_store %arg8[%swap3A_60, %swap3A_61], %swap3A_64 {strides = array<i32>} : memref<2x128xi32, #tpu.memory_space<vmem>>, vector<1x16xi32>,
      %get3A_65 = arith.constant 0 : i32
      %get3A_66 = arith.index_cast %get3A_65 : i32 to index
      %get3A_67 = arith.constant 32 : index
      %get3A_68 = tpu.vector_load %arg8[%get3A_66, %get3A_67] {strides = array<i32>} : memref<2x128xi32, #tpu.memory_space<vmem>>, vector<1x16xi32>,
      %get3A_69 = vector.shape_cast %get3A_68 : vector<1x16xi32> to vector<16xi32>
      %add3A_70 = arith.constant 100000 : i32
      %add3A_71 = vector.broadcast %add3A_70 : i32 to vector<16xi32>
      %add3A_72 = arith.addi %get3A_69, %add3A_71 : vector<16xi32>
      %swap3A_73 = arith.constant 0 : i32
      %swap3A_74 = arith.index_cast %swap3A_73 : i32 to index
      %swap3A_75 = arith.constant 32 : index
      %swap3A_76 = tpu.vector_load %arg8[%swap3A_74, %swap3A_75] {strides = array<i32>} : memref<2x128xi32, #tpu.memory_space<vmem>>, vector<1x16xi32>,
      %swap3A_77 = vector.shape_cast %swap3A_76 : vector<1x16xi32> to vector<16xi32>
      %swap3A_78 = vector.shape_cast %add3A_72 : vector<16xi32> to vector<1x16xi32>
      tpu.vector_store %arg8[%swap3A_74, %swap3A_75], %swap3A_78 {strides = array<i32>} : memref<2x128xi32, #tpu.memory_space<vmem>>, vector<1x16xi32>,
      %get3A_79 = arith.constant 0 : i32
      %get3A_80 = arith.index_cast %get3A_79 : i32 to index
      %get3A_81 = arith.constant 48 : index
      %get3A_82 = tpu.vector_load %arg8[%get3A_80, %get3A_81] {strides = array<i32>} : memref<2x128xi32, #tpu.memory_space<vmem>>, vector<1x16xi32>,
      %get3A_83 = vector.shape_cast %get3A_82 : vector<1x16xi32> to vector<16xi32>
      %add3A_84 = arith.constant 100000 : i32
      %add3A_85 = vector.broadcast %add3A_84 : i32 to vector<16xi32>
      %add3A_86 = arith.addi %get3A_83, %add3A_85 : vector<16xi32>
      %swap3A_87 = arith.constant 0 : i32
      %swap3A_88 = arith.index_cast %swap3A_87 : i32 to index
      %swap3A_89 = arith.constant 48 : index
      %swap3A_90 = tpu.vector_load %arg8[%swap3A_88, %swap3A_89] {strides = array<i32>} : memref<2x128xi32, #tpu.memory_space<vmem>>, vector<1x16xi32>,
      %swap3A_91 = vector.shape_cast %swap3A_90 : vector<1x16xi32> to vector<16xi32>
      %swap3A_92 = vector.shape_cast %add3A_86 : vector<16xi32> to vector<1x16xi32>
      tpu.vector_store %arg8[%swap3A_88, %swap3A_89], %swap3A_92 {strides = array<i32>} : memref<2x128xi32, #tpu.memory_space<vmem>>, vector<1x16xi32>,
      %get3A_93 = arith.constant 0 : i32
      %get3A_94 = arith.index_cast %get3A_93 : i32 to index
      %get3A_95 = arith.constant 64 : index
      %get3A_96 = tpu.vector_load %arg8[%get3A_94, %get3A_95] {strides = array<i32>} : memref<2x128xi32, #tpu.memory_space<vmem>>, vector<1x16xi32>,
      %get3A_97 = vector.shape_cast %get3A_96 : vector<1x16xi32> to vector<16xi32>
      %add3A_98 = arith.constant 100000 : i32
      %add3A_99 = vector.broadcast %add3A_98 : i32 to vector<16xi32>
      %add3A_100 = arith.addi %get3A_97, %add3A_99 : vector<16xi32>
      %swap3A_101 = arith.constant 0 : i32
      %swap3A_102 = arith.index_cast %swap3A_101 : i32 to index
      %swap3A_103 = arith.constant 64 : index
      %swap3A_104 = tpu.vector_load %arg8[%swap3A_102, %swap3A_103] {strides = array<i32>} : memref<2x128xi32, #tpu.memory_space<vmem>>, vector<1x16xi32>,
      %swap3A_105 = vector.shape_cast %swap3A_104 : vector<1x16xi32> to vector<16xi32>
      %swap3A_106 = vector.shape_cast %add3A_100 : vector<16xi32> to vector<1x16xi32>
      tpu.vector_store %arg8[%swap3A_102, %swap3A_103], %swap3A_106 {strides = array<i32>} : memref<2x128xi32, #tpu.memory_space<vmem>>, vector<1x16xi32>,
      %get3A_107 = arith.constant 0 : i32
      %get3A_108 = arith.index_cast %get3A_107 : i32 to index
      %get3A_109 = arith.constant 80 : index
      %get3A_110 = tpu.vector_load %arg8[%get3A_108, %get3A_109] {strides = array<i32>} : memref<2x128xi32, #tpu.memory_space<vmem>>, vector<1x16xi32>,
      %get3A_111 = vector.shape_cast %get3A_110 : vector<1x16xi32> to vector<16xi32>
      %add3A_112 = arith.constant 100000 : i32
      %add3A_113 = vector.broadcast %add3A_112 : i32 to vector<16xi32>
      %add3A_114 = arith.addi %get3A_111, %add3A_113 : vector<16xi32>
      %swap3A_115 = arith.constant 0 : i32
      %swap3A_116 = arith.index_cast %swap3A_115 : i32 to index
      %swap3A_117 = arith.constant 80 : index
      %swap3A_118 = tpu.vector_load %arg8[%swap3A_116, %swap3A_117] {strides = array<i32>} : memref<2x128xi32, #tpu.memory_space<vmem>>, vector<1x16xi32>,
      %swap3A_119 = vector.shape_cast %swap3A_118 : vector<1x16xi32> to vector<16xi32>
      %swap3A_120 = vector.shape_cast %add3A_114 : vector<16xi32> to vector<1x16xi32>
      tpu.vector_store %arg8[%swap3A_116, %swap3A_117], %swap3A_120 {strides = array<i32>} : memref<2x128xi32, #tpu.memory_space<vmem>>, vector<1x16xi32>,
      %get3A_121 = arith.constant 0 : i32
      %get3A_122 = arith.index_cast %get3A_121 : i32 to index
      %get3A_123 = arith.constant 96 : index
      %get3A_124 = tpu.vector_load %arg8[%get3A_122, %get3A_123] {strides = array<i32>} : memref<2x128xi32, #tpu.memory_space<vmem>>, vector<1x16xi32>,
      %get3A_125 = vector.shape_cast %get3A_124 : vector<1x16xi32> to vector<16xi32>
      %add3A_126 = arith.constant 100000 : i32
      %add3A_127 = vector.broadcast %add3A_126 : i32 to vector<16xi32>
      %add3A_128 = arith.addi %get3A_125, %add3A_127 : vector<16xi32>
      %swap3A_129 = arith.constant 0 : i32
      %swap3A_130 = arith.index_cast %swap3A_129 : i32 to index
      %swap3A_131 = arith.constant 96 : index
      %swap3A_132 = tpu.vector_load %arg8[%swap3A_130, %swap3A_131] {strides = array<i32>} : memref<2x128xi32, #tpu.memory_space<vmem>>, vector<1x16xi32>,
      %swap3A_133 = vector.shape_cast %swap3A_132 : vector<1x16xi32> to vector<16xi32>
      %swap3A_134 = vector.shape_cast %add3A_128 : vector<16xi32> to vector<1x16xi32>
      tpu.vector_store %arg8[%swap3A_130, %swap3A_131], %swap3A_134 {strides = array<i32>} : memref<2x128xi32, #tpu.memory_space<vmem>>, vector<1x16xi32>,
      %get3A_135 = arith.constant 0 : i32
      %get3A_136 = arith.index_cast %get3A_135 : i32 to index
      %get3A_137 = arith.constant 112 : index
      %get3A_138 = tpu.vector_load %arg8[%get3A_136, %get3A_137] {strides = array<i32>} : memref<2x128xi32, #tpu.memory_space<vmem>>, vector<1x16xi32>,
      %get3A_139 = vector.shape_cast %get3A_138 : vector<1x16xi32> to vector<16xi32>
      %add3A_140 = arith.constant 100000 : i32
      %add3A_141 = vector.broadcast %add3A_140 : i32 to vector<16xi32>
      %add3A_142 = arith.addi %get3A_139, %add3A_141 : vector<16xi32>
      %swap3A_143 = arith.constant 0 : i32
      %swap3A_144 = arith.index_cast %swap3A_143 : i32 to index
      %swap3A_145 = arith.constant 112 : index
      %swap3A_146 = tpu.vector_load %arg8[%swap3A_144, %swap3A_145] {strides = array<i32>} : memref<2x128xi32, #tpu.memory_space<vmem>>, vector<1x16xi32>,
      %swap3A_147 = vector.shape_cast %swap3A_146 : vector<1x16xi32> to vector<16xi32>
      %swap3A_148 = vector.shape_cast %add3A_142 : vector<16xi32> to vector<1x16xi32>
      tpu.vector_store %arg8[%swap3A_144, %swap3A_145], %swap3A_148 {strides = array<i32>} : memref<2x128xi32, #tpu.memory_space<vmem>>, vector<1x16xi32>,
      %get3A_149 = arith.constant 1 : i32
      %get3A_150 = arith.index_cast %get3A_149 : i32 to index
      %get3A_151 = arith.constant 0 : index
      %get3A_152 = tpu.vector_load %arg8[%get3A_150, %get3A_151] {strides = array<i32>} : memref<2x128xi32, #tpu.memory_space<vmem>>, vector<1x16xi32>,
      %get3A_153 = vector.shape_cast %get3A_152 : vector<1x16xi32> to vector<16xi32>
      %add3A_154 = arith.constant 100000 : i32
      %add3A_155 = vector.broadcast %add3A_154 : i32 to vector<16xi32>
      %add3A_156 = arith.addi %get3A_153, %add3A_155 : vector<16xi32>
      %swap3A_157 = arith.constant 1 : i32
      %swap3A_158 = arith.index_cast %swap3A_157 : i32 to index
      %swap3A_159 = arith.constant 0 : index
      %swap3A_160 = tpu.vector_load %arg8[%swap3A_158, %swap3A_159] {strides = array<i32>} : memref<2x128xi32, #tpu.memory_space<vmem>>, vector<1x16xi32>,
      %swap3A_161 = vector.shape_cast %swap3A_160 : vector<1x16xi32> to vector<16xi32>
      %swap3A_162 = vector.shape_cast %add3A_156 : vector<16xi32> to vector<1x16xi32>
      tpu.vector_store %arg8[%swap3A_158, %swap3A_159], %swap3A_162 {strides = array<i32>} : memref<2x128xi32, #tpu.memory_space<vmem>>, vector<1x16xi32>,
      %get3A_163 = arith.constant 1 : i32
      %get3A_164 = arith.index_cast %get3A_163 : i32 to index
      %get3A_165 = arith.constant 16 : index
      %get3A_166 = tpu.vector_load %arg8[%get3A_164, %get3A_165] {strides = array<i32>} : memref<2x128xi32, #tpu.memory_space<vmem>>, vector<1x16xi32>,
      %get3A_167 = vector.shape_cast %get3A_166 : vector<1x16xi32> to vector<16xi32>
      %add3A_168 = arith.constant 100000 : i32
      %add3A_169 = vector.broadcast %add3A_168 : i32 to vector<16xi32>
      %add3A_170 = arith.addi %get3A_167, %add3A_169 : vector<16xi32>
      %swap3A_171 = arith.constant 1 : i32
      %swap3A_172 = arith.index_cast %swap3A_171 : i32 to index
      %swap3A_173 = arith.constant 16 : index
      %swap3A_174 = tpu.vector_load %arg8[%swap3A_172, %swap3A_173] {strides = array<i32>} : memref<2x128xi32, #tpu.memory_space<vmem>>, vector<1x16xi32>,
      %swap3A_175 = vector.shape_cast %swap3A_174 : vector<1x16xi32> to vector<16xi32>
      %swap3A_176 = vector.shape_cast %add3A_170 : vector<16xi32> to vector<1x16xi32>
      tpu.vector_store %arg8[%swap3A_172, %swap3A_173], %swap3A_176 {strides = array<i32>} : memref<2x128xi32, #tpu.memory_space<vmem>>, vector<1x16xi32>,
      %get3A_177 = arith.constant 1 : i32
      %get3A_178 = arith.index_cast %get3A_177 : i32 to index
      %get3A_179 = arith.constant 32 : index
      %get3A_180 = tpu.vector_load %arg8[%get3A_178, %get3A_179] {strides = array<i32>} : memref<2x128xi32, #tpu.memory_space<vmem>>, vector<1x16xi32>,
      %get3A_181 = vector.shape_cast %get3A_180 : vector<1x16xi32> to vector<16xi32>
      %add3A_182 = arith.constant 100000 : i32
      %add3A_183 = vector.broadcast %add3A_182 : i32 to vector<16xi32>
      %add3A_184 = arith.addi %get3A_181, %add3A_183 : vector<16xi32>
      %swap3A_185 = arith.constant 1 : i32
      %swap3A_186 = arith.index_cast %swap3A_185 : i32 to index
      %swap3A_187 = arith.constant 32 : index
      %swap3A_188 = tpu.vector_load %arg8[%swap3A_186, %swap3A_187] {strides = array<i32>} : memref<2x128xi32, #tpu.memory_space<vmem>>, vector<1x16xi32>,
      %swap3A_189 = vector.shape_cast %swap3A_188 : vector<1x16xi32> to vector<16xi32>
      %swap3A_190 = vector.shape_cast %add3A_184 : vector<16xi32> to vector<1x16xi32>
      tpu.vector_store %arg8[%swap3A_186, %swap3A_187], %swap3A_190 {strides = array<i32>} : memref<2x128xi32, #tpu.memory_space<vmem>>, vector<1x16xi32>,
      %get3A_191 = arith.constant 1 : i32
      %get3A_192 = arith.index_cast %get3A_191 : i32 to index
      %get3A_193 = arith.constant 48 : index
      %get3A_194 = tpu.vector_load %arg8[%get3A_192, %get3A_193] {strides = array<i32>} : memref<2x128xi32, #tpu.memory_space<vmem>>, vector<1x16xi32>,
      %get3A_195 = vector.shape_cast %get3A_194 : vector<1x16xi32> to vector<16xi32>
      %add3A_196 = arith.constant 100000 : i32
      %add3A_197 = vector.broadcast %add3A_196 : i32 to vector<16xi32>
      %add3A_198 = arith.addi %get3A_195, %add3A_197 : vector<16xi32>
      %swap3A_199 = arith.constant 1 : i32
      %swap3A_200 = arith.index_cast %swap3A_199 : i32 to index
      %swap3A_201 = arith.constant 48 : index
      %swap3A_202 = tpu.vector_load %arg8[%swap3A_200, %swap3A_201] {strides = array<i32>} : memref<2x128xi32, #tpu.memory_space<vmem>>, vector<1x16xi32>,
      %swap3A_203 = vector.shape_cast %swap3A_202 : vector<1x16xi32> to vector<16xi32>
      %swap3A_204 = vector.shape_cast %add3A_198 : vector<16xi32> to vector<1x16xi32>
      tpu.vector_store %arg8[%swap3A_200, %swap3A_201], %swap3A_204 {strides = array<i32>} : memref<2x128xi32, #tpu.memory_space<vmem>>, vector<1x16xi32>,
      %get3A_205 = arith.constant 1 : i32
      %get3A_206 = arith.index_cast %get3A_205 : i32 to index
      %get3A_207 = arith.constant 64 : index
      %get3A_208 = tpu.vector_load %arg8[%get3A_206, %get3A_207] {strides = array<i32>} : memref<2x128xi32, #tpu.memory_space<vmem>>, vector<1x16xi32>,
      %get3A_209 = vector.shape_cast %get3A_208 : vector<1x16xi32> to vector<16xi32>
      %add3A_210 = arith.constant 100000 : i32
      %add3A_211 = vector.broadcast %add3A_210 : i32 to vector<16xi32>
      %add3A_212 = arith.addi %get3A_209, %add3A_211 : vector<16xi32>
      %swap3A_213 = arith.constant 1 : i32
      %swap3A_214 = arith.index_cast %swap3A_213 : i32 to index
      %swap3A_215 = arith.constant 64 : index
      %swap3A_216 = tpu.vector_load %arg8[%swap3A_214, %swap3A_215] {strides = array<i32>} : memref<2x128xi32, #tpu.memory_space<vmem>>, vector<1x16xi32>,
      %swap3A_217 = vector.shape_cast %swap3A_216 : vector<1x16xi32> to vector<16xi32>
      %swap3A_218 = vector.shape_cast %add3A_212 : vector<16xi32> to vector<1x16xi32>
      tpu.vector_store %arg8[%swap3A_214, %swap3A_215], %swap3A_218 {strides = array<i32>} : memref<2x128xi32, #tpu.memory_space<vmem>>, vector<1x16xi32>,
      %get3A_219 = arith.constant 1 : i32
      %get3A_220 = arith.index_cast %get3A_219 : i32 to index
      %get3A_221 = arith.constant 80 : index
      %get3A_222 = tpu.vector_load %arg8[%get3A_220, %get3A_221] {strides = array<i32>} : memref<2x128xi32, #tpu.memory_space<vmem>>, vector<1x16xi32>,
      %get3A_223 = vector.shape_cast %get3A_222 : vector<1x16xi32> to vector<16xi32>
      %add3A_224 = arith.constant 100000 : i32
      %add3A_225 = vector.broadcast %add3A_224 : i32 to vector<16xi32>
      %add3A_226 = arith.addi %get3A_223, %add3A_225 : vector<16xi32>
      %swap3A_227 = arith.constant 1 : i32
      %swap3A_228 = arith.index_cast %swap3A_227 : i32 to index
      %swap3A_229 = arith.constant 80 : index
      %swap3A_230 = tpu.vector_load %arg8[%swap3A_228, %swap3A_229] {strides = array<i32>} : memref<2x128xi32, #tpu.memory_space<vmem>>, vector<1x16xi32>,
      %swap3A_231 = vector.shape_cast %swap3A_230 : vector<1x16xi32> to vector<16xi32>
      %swap3A_232 = vector.shape_cast %add3A_226 : vector<16xi32> to vector<1x16xi32>
      tpu.vector_store %arg8[%swap3A_228, %swap3A_229], %swap3A_232 {strides = array<i32>} : memref<2x128xi32, #tpu.memory_space<vmem>>, vector<1x16xi32>,
      %get3A_233 = arith.constant 1 : i32
      %get3A_234 = arith.index_cast %get3A_233 : i32 to index
      %get3A_235 = arith.constant 96 : index
      %get3A_236 = tpu.vector_load %arg8[%get3A_234, %get3A_235] {strides = array<i32>} : memref<2x128xi32, #tpu.memory_space<vmem>>, vector<1x16xi32>,
      %get3A_237 = vector.shape_cast %get3A_236 : vector<1x16xi32> to vector<16xi32>
      %add3A_238 = arith.constant 100000 : i32
      %add3A_239 = vector.broadcast %add3A_238 : i32 to vector<16xi32>
      %add3A_240 = arith.addi %get3A_237, %add3A_239 : vector<16xi32>
      %swap3A_241 = arith.constant 1 : i32
      %swap3A_242 = arith.index_cast %swap3A_241 : i32 to index
      %swap3A_243 = arith.constant 96 : index
      %swap3A_244 = tpu.vector_load %arg8[%swap3A_242, %swap3A_243] {strides = array<i32>} : memref<2x128xi32, #tpu.memory_space<vmem>>, vector<1x16xi32>,
      %swap3A_245 = vector.shape_cast %swap3A_244 : vector<1x16xi32> to vector<16xi32>
      %swap3A_246 = vector.shape_cast %add3A_240 : vector<16xi32> to vector<1x16xi32>
      tpu.vector_store %arg8[%swap3A_242, %swap3A_243], %swap3A_246 {strides = array<i32>} : memref<2x128xi32, #tpu.memory_space<vmem>>, vector<1x16xi32>,
      %get3A_247 = arith.constant 1 : i32
      %get3A_248 = arith.index_cast %get3A_247 : i32 to index
      %get3A_249 = arith.constant 112 : index
      %get3A_250 = tpu.vector_load %arg8[%get3A_248, %get3A_249] {strides = array<i32>} : memref<2x128xi32, #tpu.memory_space<vmem>>, vector<1x16xi32>,
      %get3A_251 = vector.shape_cast %get3A_250 : vector<1x16xi32> to vector<16xi32>
      %add3A_252 = arith.constant 100000 : i32
      %add3A_253 = vector.broadcast %add3A_252 : i32 to vector<16xi32>
      %add3A_254 = arith.addi %get3A_251, %add3A_253 : vector<16xi32>
      %swap3A_255 = arith.constant 1 : i32
      %swap3A_256 = arith.index_cast %swap3A_255 : i32 to index
      %swap3A_257 = arith.constant 112 : index
      %swap3A_258 = tpu.vector_load %arg8[%swap3A_256, %swap3A_257] {strides = array<i32>} : memref<2x128xi32, #tpu.memory_space<vmem>>, vector<1x16xi32>,
      %swap3A_259 = vector.shape_cast %swap3A_258 : vector<1x16xi32> to vector<16xi32>
      %swap3A_260 = vector.shape_cast %add3A_254 : vector<16xi32> to vector<1x16xi32>
      tpu.vector_store %arg8[%swap3A_256, %swap3A_257], %swap3A_260 {strides = array<i32>} : memref<2x128xi32, #tpu.memory_space<vmem>>, vector<1x16xi32>,
      %dma_start3A_261 = arith.constant 0 : i32
      %dma_start3A_262 = arith.constant 0 : i32
      %dma_start3A_263 = arith.constant 0 : i32
      %dma_start3A_264 = tpu.memref_slice %arg9[%dma_start3A_262, %dma_start3A_263] : memref<2x128xf32, #tpu.memory_space<vmem>> -> memref<1x128xf32, #tpu.memory_space<vmem>>
      %dma_start3A_265 = tpu.memref_squeeze %dma_start3A_264 : memref<1x128xf32, #tpu.memory_space<vmem>> -> memref<128xf32, #tpu.memory_space<vmem>>
      %dma_start3A_266 = arith.constant 0 : i32
      %dma_start3A_267 = tpu.memref_slice %arg7[%dma_start3A_261, %dma_start3A_266] : memref<2x128xi32, #tpu.memory_space<vmem>> -> memref<1x128xi32, #tpu.memory_space<vmem>>
      %dma_start3A_268 = tpu.memref_squeeze %dma_start3A_267 : memref<1x128xi32, #tpu.memory_space<vmem>> -> memref<128xi32, #tpu.memory_space<vmem>>
      %dma_start3A_269 = arith.constant 0 : i32
      %dma_start3A_270 = tpu.memref_slice %arg2[%dma_start3A_269] : memref<200000xf32, #tpu.memory_space<hbm>> -> memref<200000xf32, #tpu.memory_space<hbm>>
      tpu.enqueue_indirect_dma source(%dma_start3A_270 : memref<200000xf32, #tpu.memory_space<hbm>>) target(%dma_start3A_265 : memref<128xf32, #tpu.memory_space<vmem>>) offsets(%dma_start3A_268 : memref<128xi32, #tpu.memory_space<vmem>>) semaphore(%arg16 : memref<!tpu.dma_semaphore, #tpu.memory_space<semaphore_mem>>)
      %dma_start3A_271 = arith.constant 0 : i32
      %dma_start3A_272 = arith.constant 0 : i32
      %dma_start3A_273 = arith.constant 0 : i32
      %dma_start3A_274 = tpu.memref_slice %arg10[%dma_start3A_272, %dma_start3A_273] : memref<2x128xf32, #tpu.memory_space<vmem>> -> memref<1x128xf32, #tpu.memory_space<vmem>>
      %dma_start3A_275 = tpu.memref_squeeze %dma_start3A_274 : memref<1x128xf32, #tpu.memory_space<vmem>> -> memref<128xf32, #tpu.memory_space<vmem>>
      %dma_start3A_276 = arith.constant 0 : i32
      %dma_start3A_277 = tpu.memref_slice %arg8[%dma_start3A_271, %dma_start3A_276] : memref<2x128xi32, #tpu.memory_space<vmem>> -> memref<1x128xi32, #tpu.memory_space<vmem>>
      %dma_start3A_278 = tpu.memref_squeeze %dma_start3A_277 : memref<1x128xi32, #tpu.memory_space<vmem>> -> memref<128xi32, #tpu.memory_space<vmem>>
      %dma_start3A_279 = arith.constant 0 : i32
      %dma_start3A_280 = tpu.memref_slice %arg2[%dma_start3A_279] : memref<200000xf32, #tpu.memory_space<hbm>> -> memref<200000xf32, #tpu.memory_space<hbm>>
      tpu.enqueue_indirect_dma source(%dma_start3A_280 : memref<200000xf32, #tpu.memory_space<hbm>>) target(%dma_start3A_275 : memref<128xf32, #tpu.memory_space<vmem>>) offsets(%dma_start3A_278 : memref<128xi32, #tpu.memory_space<vmem>>) semaphore(%arg16 : memref<!tpu.dma_semaphore, #tpu.memory_space<semaphore_mem>>)
      %dma_start3A_281 = arith.constant 1 : i32
      %dma_start3A_282 = arith.constant 1 : i32
      %dma_start3A_283 = arith.constant 0 : i32
      %dma_start3A_284 = tpu.memref_slice %arg9[%dma_start3A_282, %dma_start3A_283] : memref<2x128xf32, #tpu.memory_space<vmem>> -> memref<1x128xf32, #tpu.memory_space<vmem>>
      %dma_start3A_285 = tpu.memref_squeeze %dma_start3A_284 : memref<1x128xf32, #tpu.memory_space<vmem>> -> memref<128xf32, #tpu.memory_space<vmem>>
      %dma_start3A_286 = arith.constant 0 : i32
      %dma_start3A_287 = tpu.memref_slice %arg7[%dma_start3A_281, %dma_start3A_286] : memref<2x128xi32, #tpu.memory_space<vmem>> -> memref<1x128xi32, #tpu.memory_space<vmem>>
      %dma_start3A_288 = tpu.memref_squeeze %dma_start3A_287 : memref<1x128xi32, #tpu.memory_space<vmem>> -> memref<128xi32, #tpu.memory_space<vmem>>
      %dma_start3A_289 = arith.constant 0 : i32
      %dma_start3A_290 = tpu.memref_slice %arg2[%dma_start3A_289] : memref<200000xf32, #tpu.memory_space<hbm>> -> memref<200000xf32, #tpu.memory_space<hbm>>
      tpu.enqueue_indirect_dma source(%dma_start3A_290 : memref<200000xf32, #tpu.memory_space<hbm>>) target(%dma_start3A_285 : memref<128xf32, #tpu.memory_space<vmem>>) offsets(%dma_start3A_288 : memref<128xi32, #tpu.memory_space<vmem>>) semaphore(%arg16 : memref<!tpu.dma_semaphore, #tpu.memory_space<semaphore_mem>>)
      %dma_start3A_291 = arith.constant 1 : i32
      %dma_start3A_292 = arith.constant 1 : i32
      %dma_start3A_293 = arith.constant 0 : i32
      %dma_start3A_294 = tpu.memref_slice %arg10[%dma_start3A_292, %dma_start3A_293] : memref<2x128xf32, #tpu.memory_space<vmem>> -> memref<1x128xf32, #tpu.memory_space<vmem>>
      %dma_start3A_295 = tpu.memref_squeeze %dma_start3A_294 : memref<1x128xf32, #tpu.memory_space<vmem>> -> memref<128xf32, #tpu.memory_space<vmem>>
      %dma_start3A_296 = arith.constant 0 : i32
      %dma_start3A_297 = tpu.memref_slice %arg8[%dma_start3A_291, %dma_start3A_296] : memref<2x128xi32, #tpu.memory_space<vmem>> -> memref<1x128xi32, #tpu.memory_space<vmem>>
      %dma_start3A_298 = tpu.memref_squeeze %dma_start3A_297 : memref<1x128xi32, #tpu.memory_space<vmem>> -> memref<128xi32, #tpu.memory_space<vmem>>
      %dma_start3A_299 = arith.constant 0 : i32
      %dma_start3A_300 = tpu.memref_slice %arg2[%dma_start3A_299] : memref<200000xf32, #tpu.memory_space<hbm>> -> memref<200000xf32, #tpu.memory_space<hbm>>
      tpu.enqueue_indirect_dma source(%dma_start3A_300 : memref<200000xf32, #tpu.memory_space<hbm>>) target(%dma_start3A_295 : memref<128xf32, #tpu.memory_space<vmem>>) offsets(%dma_start3A_298 : memref<128xi32, #tpu.memory_space<vmem>>) semaphore(%arg16 : memref<!tpu.dma_semaphore, #tpu.memory_space<semaphore_mem>>)
      %dma_wait3A_301 = arith.constant 0 : i32
      %dma_wait3A_302 = arith.constant 0 : i32
      %dma_wait3A_303 = tpu.memref_slice %arg5[%arg1, %dma_wait3A_301, %dma_wait3A_302] : memref<16x2x128xf32, #tpu.memory_space<hbm>> -> memref<1x2x128xf32, #tpu.memory_space<hbm>>
      %dma_wait3A_304 = tpu.memref_squeeze %dma_wait3A_303 : memref<1x2x128xf32, #tpu.memory_space<hbm>> -> memref<2x128xf32, #tpu.memory_space<hbm>>
      %dma_wait3A_305 = arith.constant 0 : i32
      %dma_wait3A_306 = arith.constant 0 : i32
      %dma_wait3A_307 = tpu.memref_slice %arg5[%arg1, %dma_wait3A_305, %dma_wait3A_306] : memref<16x2x128xf32, #tpu.memory_space<hbm>> -> memref<1x2x128xf32, #tpu.memory_space<hbm>>
      %dma_wait3A_308 = tpu.memref_squeeze %dma_wait3A_307 : memref<1x2x128xf32, #tpu.memory_space<hbm>> -> memref<2x128xf32, #tpu.memory_space<hbm>>
      tpu.wait_dma2 semaphore(%arg17 : memref<!tpu.dma_semaphore, #tpu.memory_space<semaphore_mem>>) src(%dma_wait3A_308 : memref<2x128xf32, #tpu.memory_space<hbm>>) dst(%arg11 : memref<2x128xf32, #tpu.memory_space<vmem>>)
      %broadcast_in_dim3A = arith.constant 0.000000e+00 : f32
      %broadcast_in_dim3A_309 = vector.broadcast %broadcast_in_dim3A : f32 to vector<16xf32>
      %broadcast_in_dim3A_310 = arith.constant 0.000000e+00 : f32
      %broadcast_in_dim3A_311 = vector.broadcast %broadcast_in_dim3A_310 : f32 to vector<16xf32>
      %broadcast_in_dim3A_312 = arith.constant 0.000000e+00 : f32
      %broadcast_in_dim3A_313 = vector.broadcast %broadcast_in_dim3A_312 : f32 to vector<16xf32>
      %dma_wait3A_314 = arith.constant 0 : i32
      %dma_wait3A_315 = arith.constant 0 : i32
      %dma_wait3A_316 = arith.constant 0 : i32
      %dma_wait3A_317 = tpu.memref_slice %arg9[%dma_wait3A_315, %dma_wait3A_316] : memref<2x128xf32, #tpu.memory_space<vmem>> -> memref<1x128xf32, #tpu.memory_space<vmem>>
      %dma_wait3A_318 = tpu.memref_squeeze %dma_wait3A_317 : memref<1x128xf32, #tpu.memory_space<vmem>> -> memref<128xf32, #tpu.memory_space<vmem>>
      %dma_wait3A_319 = arith.constant 0 : i32
      %dma_wait3A_320 = tpu.memref_slice %arg7[%dma_wait3A_314, %dma_wait3A_319] : memref<2x128xi32, #tpu.memory_space<vmem>> -> memref<1x128xi32, #tpu.memory_space<vmem>>
      %dma_wait3A_321 = tpu.memref_squeeze %dma_wait3A_320 : memref<1x128xi32, #tpu.memory_space<vmem>> -> memref<128xi32, #tpu.memory_space<vmem>>
      %dma_wait3A_322 = arith.constant 0 : i32
      %dma_wait3A_323 = tpu.memref_slice %arg2[%dma_wait3A_322] : memref<200000xf32, #tpu.memory_space<hbm>> -> memref<200000xf32, #tpu.memory_space<hbm>>
      tpu.wait_indirect_dma semaphore(%arg16 : memref<!tpu.dma_semaphore, #tpu.memory_space<semaphore_mem>>) src(%dma_wait3A_323 : memref<200000xf32, #tpu.memory_space<hbm>>) dst(%dma_wait3A_318 : memref<128xf32, #tpu.memory_space<vmem>>)
      %dma_wait3A_324 = arith.constant 0 : i32
      %dma_wait3A_325 = arith.constant 0 : i32
      %dma_wait3A_326 = arith.constant 0 : i32
      %dma_wait3A_327 = tpu.memref_slice %arg10[%dma_wait3A_325, %dma_wait3A_326] : memref<2x128xf32, #tpu.memory_space<vmem>> -> memref<1x128xf32, #tpu.memory_space<vmem>>
      %dma_wait3A_328 = tpu.memref_squeeze %dma_wait3A_327 : memref<1x128xf32, #tpu.memory_space<vmem>> -> memref<128xf32, #tpu.memory_space<vmem>>
      %dma_wait3A_329 = arith.constant 0 : i32
      %dma_wait3A_330 = tpu.memref_slice %arg8[%dma_wait3A_324, %dma_wait3A_329] : memref<2x128xi32, #tpu.memory_space<vmem>> -> memref<1x128xi32, #tpu.memory_space<vmem>>
      %dma_wait3A_331 = tpu.memref_squeeze %dma_wait3A_330 : memref<1x128xi32, #tpu.memory_space<vmem>> -> memref<128xi32, #tpu.memory_space<vmem>>
      %dma_wait3A_332 = arith.constant 0 : i32
      %dma_wait3A_333 = tpu.memref_slice %arg2[%dma_wait3A_332] : memref<200000xf32, #tpu.memory_space<hbm>> -> memref<200000xf32, #tpu.memory_space<hbm>>
      tpu.wait_indirect_dma semaphore(%arg16 : memref<!tpu.dma_semaphore, #tpu.memory_space<semaphore_mem>>) src(%dma_wait3A_333 : memref<200000xf32, #tpu.memory_space<hbm>>) dst(%dma_wait3A_328 : memref<128xf32, #tpu.memory_space<vmem>>)
      %get3A_334 = arith.constant 0 : i32
      %get3A_335 = arith.index_cast %get3A_334 : i32 to index
      %get3A_336 = arith.constant 0 : index
      %get3A_337 = tpu.vector_load %arg9[%get3A_335, %get3A_336] {strides = array<i32>} : memref<2x128xf32, #tpu.memory_space<vmem>>, vector<1x16xf32>,
      %get3A_338 = vector.shape_cast %get3A_337 : vector<1x16xf32> to vector<16xf32>
      %get3A_339 = arith.constant 0 : i32
      %get3A_340 = arith.index_cast %get3A_339 : i32 to index
      %get3A_341 = arith.constant 0 : index
      %get3A_342 = tpu.vector_load %arg10[%get3A_340, %get3A_341] {strides = array<i32>} : memref<2x128xf32, #tpu.memory_space<vmem>>, vector<1x16xf32>,
      %get3A_343 = vector.shape_cast %get3A_342 : vector<1x16xf32> to vector<16xf32>
      %sub3A = arith.subf %get3A_338, %get3A_343 : vector<16xf32>
      %exp3A = math.exp %sub3A : vector<16xf32>
      %add3A_344 = arith.constant 1.000000e+00 : f32
      %add3A_345 = vector.broadcast %add3A_344 : f32 to vector<16xf32>
      %add3A_346 = arith.addf %add3A_345, %exp3A : vector<16xf32>
      %bitcast_convert_type3A = tpu.bitcast %add3A_346 : vector<16xf32> -> vector<16xi32>
      %shift_right_arithmetic3A = arith.constant 23 : i32
      %shift_right_arithmetic3A_347 = vector.broadcast %shift_right_arithmetic3A : i32 to vector<16xi32>
      %shift_right_arithmetic3A_348 = arith.shrsi %bitcast_convert_type3A, %shift_right_arithmetic3A_347 : vector<16xi32>
      %sub3A_349 = arith.constant 127 : i32
      %sub3A_350 = vector.broadcast %sub3A_349 : i32 to vector<16xi32>
      %sub3A_351 = arith.subi %shift_right_arithmetic3A_348, %sub3A_350 : vector<16xi32>
      %and3A = arith.constant 8388607 : i32
      %and3A_352 = vector.broadcast %and3A : i32 to vector<16xi32>
      %and3A_353 = arith.andi %bitcast_convert_type3A, %and3A_352 : vector<16xi32>
      %or3A = arith.constant 1065353216 : i32
      %or3A_354 = vector.broadcast %or3A : i32 to vector<16xi32>
      %or3A_355 = arith.ori %and3A_353, %or3A_354 : vector<16xi32>
      %bitcast_convert_type3A_356 = tpu.bitcast %or3A_355 : vector<16xi32> -> vector<16xf32>
      %sub3A_357 = arith.constant 1.000000e+00 : f32
      %sub3A_358 = vector.broadcast %sub3A_357 : f32 to vector<16xf32>
      %sub3A_359 = arith.subf %bitcast_convert_type3A_356, %sub3A_358 : vector<16xf32>
      %add3A_360 = arith.constant 1.000000e+00 : f32
      %add3A_361 = vector.broadcast %add3A_360 : f32 to vector<16xf32>
      %add3A_362 = arith.addf %bitcast_convert_type3A_356, %add3A_361 : vector<16xf32>
      %div3A = arith.divf %sub3A_359, %add3A_362 : vector<16xf32>
      %mul3A = arith.mulf %div3A, %div3A : vector<16xf32>
      %mul3A_363 = arith.constant 0.111111112 : f32
      %mul3A_364 = vector.broadcast %mul3A_363 : f32 to vector<16xf32>
      %mul3A_365 = arith.mulf %mul3A_364, %mul3A : vector<16xf32>
      %add3A_366 = arith.constant 0.142857149 : f32
      %add3A_367 = vector.broadcast %add3A_366 : f32 to vector<16xf32>
      %add3A_368 = arith.addf %mul3A_365, %add3A_367 : vector<16xf32>
      %mul3A_369 = arith.mulf %add3A_368, %mul3A : vector<16xf32>
      %add3A_370 = arith.constant 2.000000e-01 : f32
      %add3A_371 = vector.broadcast %add3A_370 : f32 to vector<16xf32>
      %add3A_372 = arith.addf %mul3A_369, %add3A_371 : vector<16xf32>
      %mul3A_373 = arith.mulf %add3A_372, %mul3A : vector<16xf32>
      %add3A_374 = arith.constant 0.333333343 : f32
      %add3A_375 = vector.broadcast %add3A_374 : f32 to vector<16xf32>
      %add3A_376 = arith.addf %mul3A_373, %add3A_375 : vector<16xf32>
      %mul3A_377 = arith.mulf %add3A_376, %mul3A : vector<16xf32>
      %add3A_378 = arith.constant 1.000000e+00 : f32
      %add3A_379 = vector.broadcast %add3A_378 : f32 to vector<16xf32>
      %add3A_380 = arith.addf %mul3A_377, %add3A_379 : vector<16xf32>
      %mul3A_381 = arith.constant 2.000000e+00 : f32
      %mul3A_382 = vector.broadcast %mul3A_381 : f32 to vector<16xf32>
      %mul3A_383 = arith.mulf %mul3A_382, %div3A : vector<16xf32>
      %mul3A_384 = arith.mulf %mul3A_383, %add3A_380 : vector<16xf32>
      %convert_element_type3A_385 = arith.sitofp %sub3A_351 : vector<16xi32> to vector<16xf32>
      %mul3A_386 = arith.constant 0.693147182 : f32
      %mul3A_387 = vector.broadcast %mul3A_386 : f32 to vector<16xf32>
      %mul3A_388 = arith.mulf %convert_element_type3A_385, %mul3A_387 : vector<16xf32>
      %add3A_389 = arith.addf %mul3A_388, %mul3A_384 : vector<16xf32>
      %add3A_390 = arith.addf %broadcast_in_dim3A_309, %add3A_389 : vector<16xf32>
      %add3A_391 = arith.addf %broadcast_in_dim3A_311, %sub3A : vector<16xf32>
      %get3A_392 = arith.constant 0 : i32
      %get3A_393 = arith.index_cast %get3A_392 : i32 to index
      %get3A_394 = arith.constant 0 : index
      %get3A_395 = tpu.vector_load %arg11[%get3A_393, %get3A_394] {strides = array<i32>} : memref<2x128xf32, #tpu.memory_space<vmem>>, vector<1x16xf32>,
      %get3A_396 = vector.shape_cast %get3A_395 : vector<1x16xf32> to vector<16xf32>
      %add3A_397 = arith.addf %broadcast_in_dim3A_313, %get3A_396 : vector<16xf32>
      %get3A_398 = arith.constant 0 : i32
      %get3A_399 = arith.index_cast %get3A_398 : i32 to index
      %get3A_400 = arith.constant 16 : index
      %get3A_401 = tpu.vector_load %arg9[%get3A_399, %get3A_400] {strides = array<i32>} : memref<2x128xf32, #tpu.memory_space<vmem>>, vector<1x16xf32>,
      %get3A_402 = vector.shape_cast %get3A_401 : vector<1x16xf32> to vector<16xf32>
      %get3A_403 = arith.constant 0 : i32
      %get3A_404 = arith.index_cast %get3A_403 : i32 to index
      %get3A_405 = arith.constant 16 : index
      %get3A_406 = tpu.vector_load %arg10[%get3A_404, %get3A_405] {strides = array<i32>} : memref<2x128xf32, #tpu.memory_space<vmem>>, vector<1x16xf32>,
      %get3A_407 = vector.shape_cast %get3A_406 : vector<1x16xf32> to vector<16xf32>
      %sub3A_408 = arith.subf %get3A_402, %get3A_407 : vector<16xf32>
      %exp3A_409 = math.exp %sub3A_408 : vector<16xf32>
      %add3A_410 = arith.constant 1.000000e+00 : f32
      %add3A_411 = vector.broadcast %add3A_410 : f32 to vector<16xf32>
      %add3A_412 = arith.addf %add3A_411, %exp3A_409 : vector<16xf32>
      %bitcast_convert_type3A_413 = tpu.bitcast %add3A_412 : vector<16xf32> -> vector<16xi32>
      %shift_right_arithmetic3A_414 = arith.constant 23 : i32
      %shift_right_arithmetic3A_415 = vector.broadcast %shift_right_arithmetic3A_414 : i32 to vector<16xi32>
      %shift_right_arithmetic3A_416 = arith.shrsi %bitcast_convert_type3A_413, %shift_right_arithmetic3A_415 : vector<16xi32>
      %sub3A_417 = arith.constant 127 : i32
      %sub3A_418 = vector.broadcast %sub3A_417 : i32 to vector<16xi32>
      %sub3A_419 = arith.subi %shift_right_arithmetic3A_416, %sub3A_418 : vector<16xi32>
      %and3A_420 = arith.constant 8388607 : i32
      %and3A_421 = vector.broadcast %and3A_420 : i32 to vector<16xi32>
      %and3A_422 = arith.andi %bitcast_convert_type3A_413, %and3A_421 : vector<16xi32>
      %or3A_423 = arith.constant 1065353216 : i32
      %or3A_424 = vector.broadcast %or3A_423 : i32 to vector<16xi32>
      %or3A_425 = arith.ori %and3A_422, %or3A_424 : vector<16xi32>
      %bitcast_convert_type3A_426 = tpu.bitcast %or3A_425 : vector<16xi32> -> vector<16xf32>
      %sub3A_427 = arith.constant 1.000000e+00 : f32
      %sub3A_428 = vector.broadcast %sub3A_427 : f32 to vector<16xf32>
      %sub3A_429 = arith.subf %bitcast_convert_type3A_426, %sub3A_428 : vector<16xf32>
      %add3A_430 = arith.constant 1.000000e+00 : f32
      %add3A_431 = vector.broadcast %add3A_430 : f32 to vector<16xf32>
      %add3A_432 = arith.addf %bitcast_convert_type3A_426, %add3A_431 : vector<16xf32>
      %div3A_433 = arith.divf %sub3A_429, %add3A_432 : vector<16xf32>
      %mul3A_434 = arith.mulf %div3A_433, %div3A_433 : vector<16xf32>
      %mul3A_435 = arith.constant 0.111111112 : f32
      %mul3A_436 = vector.broadcast %mul3A_435 : f32 to vector<16xf32>
      %mul3A_437 = arith.mulf %mul3A_436, %mul3A_434 : vector<16xf32>
      %add3A_438 = arith.constant 0.142857149 : f32
      %add3A_439 = vector.broadcast %add3A_438 : f32 to vector<16xf32>
      %add3A_440 = arith.addf %mul3A_437, %add3A_439 : vector<16xf32>
      %mul3A_441 = arith.mulf %add3A_440, %mul3A_434 : vector<16xf32>
      %add3A_442 = arith.constant 2.000000e-01 : f32
      %add3A_443 = vector.broadcast %add3A_442 : f32 to vector<16xf32>
      %add3A_444 = arith.addf %mul3A_441, %add3A_443 : vector<16xf32>
      %mul3A_445 = arith.mulf %add3A_444, %mul3A_434 : vector<16xf32>
      %add3A_446 = arith.constant 0.333333343 : f32
      %add3A_447 = vector.broadcast %add3A_446 : f32 to vector<16xf32>
      %add3A_448 = arith.addf %mul3A_445, %add3A_447 : vector<16xf32>
      %mul3A_449 = arith.mulf %add3A_448, %mul3A_434 : vector<16xf32>
      %add3A_450 = arith.constant 1.000000e+00 : f32
      %add3A_451 = vector.broadcast %add3A_450 : f32 to vector<16xf32>
      %add3A_452 = arith.addf %mul3A_449, %add3A_451 : vector<16xf32>
      %mul3A_453 = arith.constant 2.000000e+00 : f32
      %mul3A_454 = vector.broadcast %mul3A_453 : f32 to vector<16xf32>
      %mul3A_455 = arith.mulf %mul3A_454, %div3A_433 : vector<16xf32>
      %mul3A_456 = arith.mulf %mul3A_455, %add3A_452 : vector<16xf32>
      %convert_element_type3A_457 = arith.sitofp %sub3A_419 : vector<16xi32> to vector<16xf32>
      %mul3A_458 = arith.constant 0.693147182 : f32
      %mul3A_459 = vector.broadcast %mul3A_458 : f32 to vector<16xf32>
      %mul3A_460 = arith.mulf %convert_element_type3A_457, %mul3A_459 : vector<16xf32>
      %add3A_461 = arith.addf %mul3A_460, %mul3A_456 : vector<16xf32>
      %add3A_462 = arith.addf %add3A_390, %add3A_461 : vector<16xf32>
      %add3A_463 = arith.addf %add3A_391, %sub3A_408 : vector<16xf32>
      %get3A_464 = arith.constant 0 : i32
      %get3A_465 = arith.index_cast %get3A_464 : i32 to index
      %get3A_466 = arith.constant 16 : index
      %get3A_467 = tpu.vector_load %arg11[%get3A_465, %get3A_466] {strides = array<i32>} : memref<2x128xf32, #tpu.memory_space<vmem>>, vector<1x16xf32>,
      %get3A_468 = vector.shape_cast %get3A_467 : vector<1x16xf32> to vector<16xf32>
      %add3A_469 = arith.addf %add3A_397, %get3A_468 : vector<16xf32>
      %get3A_470 = arith.constant 0 : i32
      %get3A_471 = arith.index_cast %get3A_470 : i32 to index
      %get3A_472 = arith.constant 32 : index
      %get3A_473 = tpu.vector_load %arg9[%get3A_471, %get3A_472] {strides = array<i32>} : memref<2x128xf32, #tpu.memory_space<vmem>>, vector<1x16xf32>,
      %get3A_474 = vector.shape_cast %get3A_473 : vector<1x16xf32> to vector<16xf32>
      %get3A_475 = arith.constant 0 : i32
      %get3A_476 = arith.index_cast %get3A_475 : i32 to index
      %get3A_477 = arith.constant 32 : index
      %get3A_478 = tpu.vector_load %arg10[%get3A_476, %get3A_477] {strides = array<i32>} : memref<2x128xf32, #tpu.memory_space<vmem>>, vector<1x16xf32>,
      %get3A_479 = vector.shape_cast %get3A_478 : vector<1x16xf32> to vector<16xf32>
      %sub3A_480 = arith.subf %get3A_474, %get3A_479 : vector<16xf32>
      %exp3A_481 = math.exp %sub3A_480 : vector<16xf32>
      %add3A_482 = arith.constant 1.000000e+00 : f32
      %add3A_483 = vector.broadcast %add3A_482 : f32 to vector<16xf32>
      %add3A_484 = arith.addf %add3A_483, %exp3A_481 : vector<16xf32>
      %bitcast_convert_type3A_485 = tpu.bitcast %add3A_484 : vector<16xf32> -> vector<16xi32>
      %shift_right_arithmetic3A_486 = arith.constant 23 : i32
      %shift_right_arithmetic3A_487 = vector.broadcast %shift_right_arithmetic3A_486 : i32 to vector<16xi32>
      %shift_right_arithmetic3A_488 = arith.shrsi %bitcast_convert_type3A_485, %shift_right_arithmetic3A_487 : vector<16xi32>
      %sub3A_489 = arith.constant 127 : i32
      %sub3A_490 = vector.broadcast %sub3A_489 : i32 to vector<16xi32>
      %sub3A_491 = arith.subi %shift_right_arithmetic3A_488, %sub3A_490 : vector<16xi32>
      %and3A_492 = arith.constant 8388607 : i32
      %and3A_493 = vector.broadcast %and3A_492 : i32 to vector<16xi32>
      %and3A_494 = arith.andi %bitcast_convert_type3A_485, %and3A_493 : vector<16xi32>
      %or3A_495 = arith.constant 1065353216 : i32
      %or3A_496 = vector.broadcast %or3A_495 : i32 to vector<16xi32>
      %or3A_497 = arith.ori %and3A_494, %or3A_496 : vector<16xi32>
      %bitcast_convert_type3A_498 = tpu.bitcast %or3A_497 : vector<16xi32> -> vector<16xf32>
      %sub3A_499 = arith.constant 1.000000e+00 : f32
      %sub3A_500 = vector.broadcast %sub3A_499 : f32 to vector<16xf32>
      %sub3A_501 = arith.subf %bitcast_convert_type3A_498, %sub3A_500 : vector<16xf32>
      %add3A_502 = arith.constant 1.000000e+00 : f32
      %add3A_503 = vector.broadcast %add3A_502 : f32 to vector<16xf32>
      %add3A_504 = arith.addf %bitcast_convert_type3A_498, %add3A_503 : vector<16xf32>
      %div3A_505 = arith.divf %sub3A_501, %add3A_504 : vector<16xf32>
      %mul3A_506 = arith.mulf %div3A_505, %div3A_505 : vector<16xf32>
      %mul3A_507 = arith.constant 0.111111112 : f32
      %mul3A_508 = vector.broadcast %mul3A_507 : f32 to vector<16xf32>
      %mul3A_509 = arith.mulf %mul3A_508, %mul3A_506 : vector<16xf32>
      %add3A_510 = arith.constant 0.142857149 : f32
      %add3A_511 = vector.broadcast %add3A_510 : f32 to vector<16xf32>
      %add3A_512 = arith.addf %mul3A_509, %add3A_511 : vector<16xf32>
      %mul3A_513 = arith.mulf %add3A_512, %mul3A_506 : vector<16xf32>
      %add3A_514 = arith.constant 2.000000e-01 : f32
      %add3A_515 = vector.broadcast %add3A_514 : f32 to vector<16xf32>
      %add3A_516 = arith.addf %mul3A_513, %add3A_515 : vector<16xf32>
      %mul3A_517 = arith.mulf %add3A_516, %mul3A_506 : vector<16xf32>
      %add3A_518 = arith.constant 0.333333343 : f32
      %add3A_519 = vector.broadcast %add3A_518 : f32 to vector<16xf32>
      %add3A_520 = arith.addf %mul3A_517, %add3A_519 : vector<16xf32>
      %mul3A_521 = arith.mulf %add3A_520, %mul3A_506 : vector<16xf32>
      %add3A_522 = arith.constant 1.000000e+00 : f32
      %add3A_523 = vector.broadcast %add3A_522 : f32 to vector<16xf32>
      %add3A_524 = arith.addf %mul3A_521, %add3A_523 : vector<16xf32>
      %mul3A_525 = arith.constant 2.000000e+00 : f32
      %mul3A_526 = vector.broadcast %mul3A_525 : f32 to vector<16xf32>
      %mul3A_527 = arith.mulf %mul3A_526, %div3A_505 : vector<16xf32>
      %mul3A_528 = arith.mulf %mul3A_527, %add3A_524 : vector<16xf32>
      %convert_element_type3A_529 = arith.sitofp %sub3A_491 : vector<16xi32> to vector<16xf32>
      %mul3A_530 = arith.constant 0.693147182 : f32
      %mul3A_531 = vector.broadcast %mul3A_530 : f32 to vector<16xf32>
      %mul3A_532 = arith.mulf %convert_element_type3A_529, %mul3A_531 : vector<16xf32>
      %add3A_533 = arith.addf %mul3A_532, %mul3A_528 : vector<16xf32>
      %add3A_534 = arith.addf %add3A_462, %add3A_533 : vector<16xf32>
      %add3A_535 = arith.addf %add3A_463, %sub3A_480 : vector<16xf32>
      %get3A_536 = arith.constant 0 : i32
      %get3A_537 = arith.index_cast %get3A_536 : i32 to index
      %get3A_538 = arith.constant 32 : index
      %get3A_539 = tpu.vector_load %arg11[%get3A_537, %get3A_538] {strides = array<i32>} : memref<2x128xf32, #tpu.memory_space<vmem>>, vector<1x16xf32>,
      %get3A_540 = vector.shape_cast %get3A_539 : vector<1x16xf32> to vector<16xf32>
      %add3A_541 = arith.addf %add3A_469, %get3A_540 : vector<16xf32>
      %get3A_542 = arith.constant 0 : i32
      %get3A_543 = arith.index_cast %get3A_542 : i32 to index
      %get3A_544 = arith.constant 48 : index
      %get3A_545 = tpu.vector_load %arg9[%get3A_543, %get3A_544] {strides = array<i32>} : memref<2x128xf32, #tpu.memory_space<vmem>>, vector<1x16xf32>,
      %get3A_546 = vector.shape_cast %get3A_545 : vector<1x16xf32> to vector<16xf32>
      %get3A_547 = arith.constant 0 : i32
      %get3A_548 = arith.index_cast %get3A_547 : i32 to index
      %get3A_549 = arith.constant 48 : index
      %get3A_550 = tpu.vector_load %arg10[%get3A_548, %get3A_549] {strides = array<i32>} : memref<2x128xf32, #tpu.memory_space<vmem>>, vector<1x16xf32>,
      %get3A_551 = vector.shape_cast %get3A_550 : vector<1x16xf32> to vector<16xf32>
      %sub3A_552 = arith.subf %get3A_546, %get3A_551 : vector<16xf32>
      %exp3A_553 = math.exp %sub3A_552 : vector<16xf32>
      %add3A_554 = arith.constant 1.000000e+00 : f32
      %add3A_555 = vector.broadcast %add3A_554 : f32 to vector<16xf32>
      %add3A_556 = arith.addf %add3A_555, %exp3A_553 : vector<16xf32>
      %bitcast_convert_type3A_557 = tpu.bitcast %add3A_556 : vector<16xf32> -> vector<16xi32>
      %shift_right_arithmetic3A_558 = arith.constant 23 : i32
      %shift_right_arithmetic3A_559 = vector.broadcast %shift_right_arithmetic3A_558 : i32 to vector<16xi32>
      %shift_right_arithmetic3A_560 = arith.shrsi %bitcast_convert_type3A_557, %shift_right_arithmetic3A_559 : vector<16xi32>
      %sub3A_561 = arith.constant 127 : i32
      %sub3A_562 = vector.broadcast %sub3A_561 : i32 to vector<16xi32>
      %sub3A_563 = arith.subi %shift_right_arithmetic3A_560, %sub3A_562 : vector<16xi32>
      %and3A_564 = arith.constant 8388607 : i32
      %and3A_565 = vector.broadcast %and3A_564 : i32 to vector<16xi32>
      %and3A_566 = arith.andi %bitcast_convert_type3A_557, %and3A_565 : vector<16xi32>
      %or3A_567 = arith.constant 1065353216 : i32
      %or3A_568 = vector.broadcast %or3A_567 : i32 to vector<16xi32>
      %or3A_569 = arith.ori %and3A_566, %or3A_568 : vector<16xi32>
      %bitcast_convert_type3A_570 = tpu.bitcast %or3A_569 : vector<16xi32> -> vector<16xf32>
      %sub3A_571 = arith.constant 1.000000e+00 : f32
      %sub3A_572 = vector.broadcast %sub3A_571 : f32 to vector<16xf32>
      %sub3A_573 = arith.subf %bitcast_convert_type3A_570, %sub3A_572 : vector<16xf32>
      %add3A_574 = arith.constant 1.000000e+00 : f32
      %add3A_575 = vector.broadcast %add3A_574 : f32 to vector<16xf32>
      %add3A_576 = arith.addf %bitcast_convert_type3A_570, %add3A_575 : vector<16xf32>
      %div3A_577 = arith.divf %sub3A_573, %add3A_576 : vector<16xf32>
      %mul3A_578 = arith.mulf %div3A_577, %div3A_577 : vector<16xf32>
      %mul3A_579 = arith.constant 0.111111112 : f32
      %mul3A_580 = vector.broadcast %mul3A_579 : f32 to vector<16xf32>
      %mul3A_581 = arith.mulf %mul3A_580, %mul3A_578 : vector<16xf32>
      %add3A_582 = arith.constant 0.142857149 : f32
      %add3A_583 = vector.broadcast %add3A_582 : f32 to vector<16xf32>
      %add3A_584 = arith.addf %mul3A_581, %add3A_583 : vector<16xf32>
      %mul3A_585 = arith.mulf %add3A_584, %mul3A_578 : vector<16xf32>
      %add3A_586 = arith.constant 2.000000e-01 : f32
      %add3A_587 = vector.broadcast %add3A_586 : f32 to vector<16xf32>
      %add3A_588 = arith.addf %mul3A_585, %add3A_587 : vector<16xf32>
      %mul3A_589 = arith.mulf %add3A_588, %mul3A_578 : vector<16xf32>
      %add3A_590 = arith.constant 0.333333343 : f32
      %add3A_591 = vector.broadcast %add3A_590 : f32 to vector<16xf32>
      %add3A_592 = arith.addf %mul3A_589, %add3A_591 : vector<16xf32>
      %mul3A_593 = arith.mulf %add3A_592, %mul3A_578 : vector<16xf32>
      %add3A_594 = arith.constant 1.000000e+00 : f32
      %add3A_595 = vector.broadcast %add3A_594 : f32 to vector<16xf32>
      %add3A_596 = arith.addf %mul3A_593, %add3A_595 : vector<16xf32>
      %mul3A_597 = arith.constant 2.000000e+00 : f32
      %mul3A_598 = vector.broadcast %mul3A_597 : f32 to vector<16xf32>
      %mul3A_599 = arith.mulf %mul3A_598, %div3A_577 : vector<16xf32>
      %mul3A_600 = arith.mulf %mul3A_599, %add3A_596 : vector<16xf32>
      %convert_element_type3A_601 = arith.sitofp %sub3A_563 : vector<16xi32> to vector<16xf32>
      %mul3A_602 = arith.constant 0.693147182 : f32
      %mul3A_603 = vector.broadcast %mul3A_602 : f32 to vector<16xf32>
      %mul3A_604 = arith.mulf %convert_element_type3A_601, %mul3A_603 : vector<16xf32>
      %add3A_605 = arith.addf %mul3A_604, %mul3A_600 : vector<16xf32>
      %add3A_606 = arith.addf %add3A_534, %add3A_605 : vector<16xf32>
      %add3A_607 = arith.addf %add3A_535, %sub3A_552 : vector<16xf32>
      %get3A_608 = arith.constant 0 : i32
      %get3A_609 = arith.index_cast %get3A_608 : i32 to index
      %get3A_610 = arith.constant 48 : index
      %get3A_611 = tpu.vector_load %arg11[%get3A_609, %get3A_610] {strides = array<i32>} : memref<2x128xf32, #tpu.memory_space<vmem>>, vector<1x16xf32>,
      %get3A_612 = vector.shape_cast %get3A_611 : vector<1x16xf32> to vector<16xf32>
      %add3A_613 = arith.addf %add3A_541, %get3A_612 : vector<16xf32>
      %get3A_614 = arith.constant 0 : i32
      %get3A_615 = arith.index_cast %get3A_614 : i32 to index
      %get3A_616 = arith.constant 64 : index
      %get3A_617 = tpu.vector_load %arg9[%get3A_615, %get3A_616] {strides = array<i32>} : memref<2x128xf32, #tpu.memory_space<vmem>>, vector<1x16xf32>,
      %get3A_618 = vector.shape_cast %get3A_617 : vector<1x16xf32> to vector<16xf32>
      %get3A_619 = arith.constant 0 : i32
      %get3A_620 = arith.index_cast %get3A_619 : i32 to index
      %get3A_621 = arith.constant 64 : index
      %get3A_622 = tpu.vector_load %arg10[%get3A_620, %get3A_621] {strides = array<i32>} : memref<2x128xf32, #tpu.memory_space<vmem>>, vector<1x16xf32>,
      %get3A_623 = vector.shape_cast %get3A_622 : vector<1x16xf32> to vector<16xf32>
      %sub3A_624 = arith.subf %get3A_618, %get3A_623 : vector<16xf32>
      %exp3A_625 = math.exp %sub3A_624 : vector<16xf32>
      %add3A_626 = arith.constant 1.000000e+00 : f32
      %add3A_627 = vector.broadcast %add3A_626 : f32 to vector<16xf32>
      %add3A_628 = arith.addf %add3A_627, %exp3A_625 : vector<16xf32>
      %bitcast_convert_type3A_629 = tpu.bitcast %add3A_628 : vector<16xf32> -> vector<16xi32>
      %shift_right_arithmetic3A_630 = arith.constant 23 : i32
      %shift_right_arithmetic3A_631 = vector.broadcast %shift_right_arithmetic3A_630 : i32 to vector<16xi32>
      %shift_right_arithmetic3A_632 = arith.shrsi %bitcast_convert_type3A_629, %shift_right_arithmetic3A_631 : vector<16xi32>
      %sub3A_633 = arith.constant 127 : i32
      %sub3A_634 = vector.broadcast %sub3A_633 : i32 to vector<16xi32>
      %sub3A_635 = arith.subi %shift_right_arithmetic3A_632, %sub3A_634 : vector<16xi32>
      %and3A_636 = arith.constant 8388607 : i32
      %and3A_637 = vector.broadcast %and3A_636 : i32 to vector<16xi32>
      %and3A_638 = arith.andi %bitcast_convert_type3A_629, %and3A_637 : vector<16xi32>
      %or3A_639 = arith.constant 1065353216 : i32
      %or3A_640 = vector.broadcast %or3A_639 : i32 to vector<16xi32>
      %or3A_641 = arith.ori %and3A_638, %or3A_640 : vector<16xi32>
      %bitcast_convert_type3A_642 = tpu.bitcast %or3A_641 : vector<16xi32> -> vector<16xf32>
      %sub3A_643 = arith.constant 1.000000e+00 : f32
      %sub3A_644 = vector.broadcast %sub3A_643 : f32 to vector<16xf32>
      %sub3A_645 = arith.subf %bitcast_convert_type3A_642, %sub3A_644 : vector<16xf32>
      %add3A_646 = arith.constant 1.000000e+00 : f32
      %add3A_647 = vector.broadcast %add3A_646 : f32 to vector<16xf32>
      %add3A_648 = arith.addf %bitcast_convert_type3A_642, %add3A_647 : vector<16xf32>
      %div3A_649 = arith.divf %sub3A_645, %add3A_648 : vector<16xf32>
      %mul3A_650 = arith.mulf %div3A_649, %div3A_649 : vector<16xf32>
      %mul3A_651 = arith.constant 0.111111112 : f32
      %mul3A_652 = vector.broadcast %mul3A_651 : f32 to vector<16xf32>
      %mul3A_653 = arith.mulf %mul3A_652, %mul3A_650 : vector<16xf32>
      %add3A_654 = arith.constant 0.142857149 : f32
      %add3A_655 = vector.broadcast %add3A_654 : f32 to vector<16xf32>
      %add3A_656 = arith.addf %mul3A_653, %add3A_655 : vector<16xf32>
      %mul3A_657 = arith.mulf %add3A_656, %mul3A_650 : vector<16xf32>
      %add3A_658 = arith.constant 2.000000e-01 : f32
      %add3A_659 = vector.broadcast %add3A_658 : f32 to vector<16xf32>
      %add3A_660 = arith.addf %mul3A_657, %add3A_659 : vector<16xf32>
      %mul3A_661 = arith.mulf %add3A_660, %mul3A_650 : vector<16xf32>
      %add3A_662 = arith.constant 0.333333343 : f32
      %add3A_663 = vector.broadcast %add3A_662 : f32 to vector<16xf32>
      %add3A_664 = arith.addf %mul3A_661, %add3A_663 : vector<16xf32>
      %mul3A_665 = arith.mulf %add3A_664, %mul3A_650 : vector<16xf32>
      %add3A_666 = arith.constant 1.000000e+00 : f32
      %add3A_667 = vector.broadcast %add3A_666 : f32 to vector<16xf32>
      %add3A_668 = arith.addf %mul3A_665, %add3A_667 : vector<16xf32>
      %mul3A_669 = arith.constant 2.000000e+00 : f32
      %mul3A_670 = vector.broadcast %mul3A_669 : f32 to vector<16xf32>
      %mul3A_671 = arith.mulf %mul3A_670, %div3A_649 : vector<16xf32>
      %mul3A_672 = arith.mulf %mul3A_671, %add3A_668 : vector<16xf32>
      %convert_element_type3A_673 = arith.sitofp %sub3A_635 : vector<16xi32> to vector<16xf32>
      %mul3A_674 = arith.constant 0.693147182 : f32
      %mul3A_675 = vector.broadcast %mul3A_674 : f32 to vector<16xf32>
      %mul3A_676 = arith.mulf %convert_element_type3A_673, %mul3A_675 : vector<16xf32>
      %add3A_677 = arith.addf %mul3A_676, %mul3A_672 : vector<16xf32>
      %add3A_678 = arith.addf %add3A_606, %add3A_677 : vector<16xf32>
      %add3A_679 = arith.addf %add3A_607, %sub3A_624 : vector<16xf32>
      %get3A_680 = arith.constant 0 : i32
      %get3A_681 = arith.index_cast %get3A_680 : i32 to index
      %get3A_682 = arith.constant 64 : index
      %get3A_683 = tpu.vector_load %arg11[%get3A_681, %get3A_682] {strides = array<i32>} : memref<2x128xf32, #tpu.memory_space<vmem>>, vector<1x16xf32>,
      %get3A_684 = vector.shape_cast %get3A_683 : vector<1x16xf32> to vector<16xf32>
      %add3A_685 = arith.addf %add3A_613, %get3A_684 : vector<16xf32>
      %get3A_686 = arith.constant 0 : i32
      %get3A_687 = arith.index_cast %get3A_686 : i32 to index
      %get3A_688 = arith.constant 80 : index
      %get3A_689 = tpu.vector_load %arg9[%get3A_687, %get3A_688] {strides = array<i32>} : memref<2x128xf32, #tpu.memory_space<vmem>>, vector<1x16xf32>,
      %get3A_690 = vector.shape_cast %get3A_689 : vector<1x16xf32> to vector<16xf32>
      %get3A_691 = arith.constant 0 : i32
      %get3A_692 = arith.index_cast %get3A_691 : i32 to index
      %get3A_693 = arith.constant 80 : index
      %get3A_694 = tpu.vector_load %arg10[%get3A_692, %get3A_693] {strides = array<i32>} : memref<2x128xf32, #tpu.memory_space<vmem>>, vector<1x16xf32>,
      %get3A_695 = vector.shape_cast %get3A_694 : vector<1x16xf32> to vector<16xf32>
      %sub3A_696 = arith.subf %get3A_690, %get3A_695 : vector<16xf32>
      %exp3A_697 = math.exp %sub3A_696 : vector<16xf32>
      %add3A_698 = arith.constant 1.000000e+00 : f32
      %add3A_699 = vector.broadcast %add3A_698 : f32 to vector<16xf32>
      %add3A_700 = arith.addf %add3A_699, %exp3A_697 : vector<16xf32>
      %bitcast_convert_type3A_701 = tpu.bitcast %add3A_700 : vector<16xf32> -> vector<16xi32>
      %shift_right_arithmetic3A_702 = arith.constant 23 : i32
      %shift_right_arithmetic3A_703 = vector.broadcast %shift_right_arithmetic3A_702 : i32 to vector<16xi32>
      %shift_right_arithmetic3A_704 = arith.shrsi %bitcast_convert_type3A_701, %shift_right_arithmetic3A_703 : vector<16xi32>
      %sub3A_705 = arith.constant 127 : i32
      %sub3A_706 = vector.broadcast %sub3A_705 : i32 to vector<16xi32>
      %sub3A_707 = arith.subi %shift_right_arithmetic3A_704, %sub3A_706 : vector<16xi32>
      %and3A_708 = arith.constant 8388607 : i32
      %and3A_709 = vector.broadcast %and3A_708 : i32 to vector<16xi32>
      %and3A_710 = arith.andi %bitcast_convert_type3A_701, %and3A_709 : vector<16xi32>
      %or3A_711 = arith.constant 1065353216 : i32
      %or3A_712 = vector.broadcast %or3A_711 : i32 to vector<16xi32>
      %or3A_713 = arith.ori %and3A_710, %or3A_712 : vector<16xi32>
      %bitcast_convert_type3A_714 = tpu.bitcast %or3A_713 : vector<16xi32> -> vector<16xf32>
      %sub3A_715 = arith.constant 1.000000e+00 : f32
      %sub3A_716 = vector.broadcast %sub3A_715 : f32 to vector<16xf32>
      %sub3A_717 = arith.subf %bitcast_convert_type3A_714, %sub3A_716 : vector<16xf32>
      %add3A_718 = arith.constant 1.000000e+00 : f32
      %add3A_719 = vector.broadcast %add3A_718 : f32 to vector<16xf32>
      %add3A_720 = arith.addf %bitcast_convert_type3A_714, %add3A_719 : vector<16xf32>
      %div3A_721 = arith.divf %sub3A_717, %add3A_720 : vector<16xf32>
      %mul3A_722 = arith.mulf %div3A_721, %div3A_721 : vector<16xf32>
      %mul3A_723 = arith.constant 0.111111112 : f32
      %mul3A_724 = vector.broadcast %mul3A_723 : f32 to vector<16xf32>
      %mul3A_725 = arith.mulf %mul3A_724, %mul3A_722 : vector<16xf32>
      %add3A_726 = arith.constant 0.142857149 : f32
      %add3A_727 = vector.broadcast %add3A_726 : f32 to vector<16xf32>
      %add3A_728 = arith.addf %mul3A_725, %add3A_727 : vector<16xf32>
      %mul3A_729 = arith.mulf %add3A_728, %mul3A_722 : vector<16xf32>
      %add3A_730 = arith.constant 2.000000e-01 : f32
      %add3A_731 = vector.broadcast %add3A_730 : f32 to vector<16xf32>
      %add3A_732 = arith.addf %mul3A_729, %add3A_731 : vector<16xf32>
      %mul3A_733 = arith.mulf %add3A_732, %mul3A_722 : vector<16xf32>
      %add3A_734 = arith.constant 0.333333343 : f32
      %add3A_735 = vector.broadcast %add3A_734 : f32 to vector<16xf32>
      %add3A_736 = arith.addf %mul3A_733, %add3A_735 : vector<16xf32>
      %mul3A_737 = arith.mulf %add3A_736, %mul3A_722 : vector<16xf32>
      %add3A_738 = arith.constant 1.000000e+00 : f32
      %add3A_739 = vector.broadcast %add3A_738 : f32 to vector<16xf32>
      %add3A_740 = arith.addf %mul3A_737, %add3A_739 : vector<16xf32>
      %mul3A_741 = arith.constant 2.000000e+00 : f32
      %mul3A_742 = vector.broadcast %mul3A_741 : f32 to vector<16xf32>
      %mul3A_743 = arith.mulf %mul3A_742, %div3A_721 : vector<16xf32>
      %mul3A_744 = arith.mulf %mul3A_743, %add3A_740 : vector<16xf32>
      %convert_element_type3A_745 = arith.sitofp %sub3A_707 : vector<16xi32> to vector<16xf32>
      %mul3A_746 = arith.constant 0.693147182 : f32
      %mul3A_747 = vector.broadcast %mul3A_746 : f32 to vector<16xf32>
      %mul3A_748 = arith.mulf %convert_element_type3A_745, %mul3A_747 : vector<16xf32>
      %add3A_749 = arith.addf %mul3A_748, %mul3A_744 : vector<16xf32>
      %add3A_750 = arith.addf %add3A_678, %add3A_749 : vector<16xf32>
      %add3A_751 = arith.addf %add3A_679, %sub3A_696 : vector<16xf32>
      %get3A_752 = arith.constant 0 : i32
      %get3A_753 = arith.index_cast %get3A_752 : i32 to index
      %get3A_754 = arith.constant 80 : index
      %get3A_755 = tpu.vector_load %arg11[%get3A_753, %get3A_754] {strides = array<i32>} : memref<2x128xf32, #tpu.memory_space<vmem>>, vector<1x16xf32>,
      %get3A_756 = vector.shape_cast %get3A_755 : vector<1x16xf32> to vector<16xf32>
      %add3A_757 = arith.addf %add3A_685, %get3A_756 : vector<16xf32>
      %get3A_758 = arith.constant 0 : i32
      %get3A_759 = arith.index_cast %get3A_758 : i32 to index
      %get3A_760 = arith.constant 96 : index
      %get3A_761 = tpu.vector_load %arg9[%get3A_759, %get3A_760] {strides = array<i32>} : memref<2x128xf32, #tpu.memory_space<vmem>>, vector<1x16xf32>,
      %get3A_762 = vector.shape_cast %get3A_761 : vector<1x16xf32> to vector<16xf32>
      %get3A_763 = arith.constant 0 : i32
      %get3A_764 = arith.index_cast %get3A_763 : i32 to index
      %get3A_765 = arith.constant 96 : index
      %get3A_766 = tpu.vector_load %arg10[%get3A_764, %get3A_765] {strides = array<i32>} : memref<2x128xf32, #tpu.memory_space<vmem>>, vector<1x16xf32>,
      %get3A_767 = vector.shape_cast %get3A_766 : vector<1x16xf32> to vector<16xf32>
      %sub3A_768 = arith.subf %get3A_762, %get3A_767 : vector<16xf32>
      %exp3A_769 = math.exp %sub3A_768 : vector<16xf32>
      %add3A_770 = arith.constant 1.000000e+00 : f32
      %add3A_771 = vector.broadcast %add3A_770 : f32 to vector<16xf32>
      %add3A_772 = arith.addf %add3A_771, %exp3A_769 : vector<16xf32>
      %bitcast_convert_type3A_773 = tpu.bitcast %add3A_772 : vector<16xf32> -> vector<16xi32>
      %shift_right_arithmetic3A_774 = arith.constant 23 : i32
      %shift_right_arithmetic3A_775 = vector.broadcast %shift_right_arithmetic3A_774 : i32 to vector<16xi32>
      %shift_right_arithmetic3A_776 = arith.shrsi %bitcast_convert_type3A_773, %shift_right_arithmetic3A_775 : vector<16xi32>
      %sub3A_777 = arith.constant 127 : i32
      %sub3A_778 = vector.broadcast %sub3A_777 : i32 to vector<16xi32>
      %sub3A_779 = arith.subi %shift_right_arithmetic3A_776, %sub3A_778 : vector<16xi32>
      %and3A_780 = arith.constant 8388607 : i32
      %and3A_781 = vector.broadcast %and3A_780 : i32 to vector<16xi32>
      %and3A_782 = arith.andi %bitcast_convert_type3A_773, %and3A_781 : vector<16xi32>
      %or3A_783 = arith.constant 1065353216 : i32
      %or3A_784 = vector.broadcast %or3A_783 : i32 to vector<16xi32>
      %or3A_785 = arith.ori %and3A_782, %or3A_784 : vector<16xi32>
      %bitcast_convert_type3A_786 = tpu.bitcast %or3A_785 : vector<16xi32> -> vector<16xf32>
      %sub3A_787 = arith.constant 1.000000e+00 : f32
      %sub3A_788 = vector.broadcast %sub3A_787 : f32 to vector<16xf32>
      %sub3A_789 = arith.subf %bitcast_convert_type3A_786, %sub3A_788 : vector<16xf32>
      %add3A_790 = arith.constant 1.000000e+00 : f32
      %add3A_791 = vector.broadcast %add3A_790 : f32 to vector<16xf32>
      %add3A_792 = arith.addf %bitcast_convert_type3A_786, %add3A_791 : vector<16xf32>
      %div3A_793 = arith.divf %sub3A_789, %add3A_792 : vector<16xf32>
      %mul3A_794 = arith.mulf %div3A_793, %div3A_793 : vector<16xf32>
      %mul3A_795 = arith.constant 0.111111112 : f32
      %mul3A_796 = vector.broadcast %mul3A_795 : f32 to vector<16xf32>
      %mul3A_797 = arith.mulf %mul3A_796, %mul3A_794 : vector<16xf32>
      %add3A_798 = arith.constant 0.142857149 : f32
      %add3A_799 = vector.broadcast %add3A_798 : f32 to vector<16xf32>
      %add3A_800 = arith.addf %mul3A_797, %add3A_799 : vector<16xf32>
      %mul3A_801 = arith.mulf %add3A_800, %mul3A_794 : vector<16xf32>
      %add3A_802 = arith.constant 2.000000e-01 : f32
      %add3A_803 = vector.broadcast %add3A_802 : f32 to vector<16xf32>
      %add3A_804 = arith.addf %mul3A_801, %add3A_803 : vector<16xf32>
      %mul3A_805 = arith.mulf %add3A_804, %mul3A_794 : vector<16xf32>
      %add3A_806 = arith.constant 0.333333343 : f32
      %add3A_807 = vector.broadcast %add3A_806 : f32 to vector<16xf32>
      %add3A_808 = arith.addf %mul3A_805, %add3A_807 : vector<16xf32>
      %mul3A_809 = arith.mulf %add3A_808, %mul3A_794 : vector<16xf32>
      %add3A_810 = arith.constant 1.000000e+00 : f32
      %add3A_811 = vector.broadcast %add3A_810 : f32 to vector<16xf32>
      %add3A_812 = arith.addf %mul3A_809, %add3A_811 : vector<16xf32>
      %mul3A_813 = arith.constant 2.000000e+00 : f32
      %mul3A_814 = vector.broadcast %mul3A_813 : f32 to vector<16xf32>
      %mul3A_815 = arith.mulf %mul3A_814, %div3A_793 : vector<16xf32>
      %mul3A_816 = arith.mulf %mul3A_815, %add3A_812 : vector<16xf32>
      %convert_element_type3A_817 = arith.sitofp %sub3A_779 : vector<16xi32> to vector<16xf32>
      %mul3A_818 = arith.constant 0.693147182 : f32
      %mul3A_819 = vector.broadcast %mul3A_818 : f32 to vector<16xf32>
      %mul3A_820 = arith.mulf %convert_element_type3A_817, %mul3A_819 : vector<16xf32>
      %add3A_821 = arith.addf %mul3A_820, %mul3A_816 : vector<16xf32>
      %add3A_822 = arith.addf %add3A_750, %add3A_821 : vector<16xf32>
      %add3A_823 = arith.addf %add3A_751, %sub3A_768 : vector<16xf32>
      %get3A_824 = arith.constant 0 : i32
      %get3A_825 = arith.index_cast %get3A_824 : i32 to index
      %get3A_826 = arith.constant 96 : index
      %get3A_827 = tpu.vector_load %arg11[%get3A_825, %get3A_826] {strides = array<i32>} : memref<2x128xf32, #tpu.memory_space<vmem>>, vector<1x16xf32>,
      %get3A_828 = vector.shape_cast %get3A_827 : vector<1x16xf32> to vector<16xf32>
      %add3A_829 = arith.addf %add3A_757, %get3A_828 : vector<16xf32>
      %get3A_830 = arith.constant 0 : i32
      %get3A_831 = arith.index_cast %get3A_830 : i32 to index
      %get3A_832 = arith.constant 112 : index
      %get3A_833 = tpu.vector_load %arg9[%get3A_831, %get3A_832] {strides = array<i32>} : memref<2x128xf32, #tpu.memory_space<vmem>>, vector<1x16xf32>,
      %get3A_834 = vector.shape_cast %get3A_833 : vector<1x16xf32> to vector<16xf32>
      %get3A_835 = arith.constant 0 : i32
      %get3A_836 = arith.index_cast %get3A_835 : i32 to index
      %get3A_837 = arith.constant 112 : index
      %get3A_838 = tpu.vector_load %arg10[%get3A_836, %get3A_837] {strides = array<i32>} : memref<2x128xf32, #tpu.memory_space<vmem>>, vector<1x16xf32>,
      %get3A_839 = vector.shape_cast %get3A_838 : vector<1x16xf32> to vector<16xf32>
      %sub3A_840 = arith.subf %get3A_834, %get3A_839 : vector<16xf32>
      %exp3A_841 = math.exp %sub3A_840 : vector<16xf32>
      %add3A_842 = arith.constant 1.000000e+00 : f32
      %add3A_843 = vector.broadcast %add3A_842 : f32 to vector<16xf32>
      %add3A_844 = arith.addf %add3A_843, %exp3A_841 : vector<16xf32>
      %bitcast_convert_type3A_845 = tpu.bitcast %add3A_844 : vector<16xf32> -> vector<16xi32>
      %shift_right_arithmetic3A_846 = arith.constant 23 : i32
      %shift_right_arithmetic3A_847 = vector.broadcast %shift_right_arithmetic3A_846 : i32 to vector<16xi32>
      %shift_right_arithmetic3A_848 = arith.shrsi %bitcast_convert_type3A_845, %shift_right_arithmetic3A_847 : vector<16xi32>
      %sub3A_849 = arith.constant 127 : i32
      %sub3A_850 = vector.broadcast %sub3A_849 : i32 to vector<16xi32>
      %sub3A_851 = arith.subi %shift_right_arithmetic3A_848, %sub3A_850 : vector<16xi32>
      %and3A_852 = arith.constant 8388607 : i32
      %and3A_853 = vector.broadcast %and3A_852 : i32 to vector<16xi32>
      %and3A_854 = arith.andi %bitcast_convert_type3A_845, %and3A_853 : vector<16xi32>
      %or3A_855 = arith.constant 1065353216 : i32
      %or3A_856 = vector.broadcast %or3A_855 : i32 to vector<16xi32>
      %or3A_857 = arith.ori %and3A_854, %or3A_856 : vector<16xi32>
      %bitcast_convert_type3A_858 = tpu.bitcast %or3A_857 : vector<16xi32> -> vector<16xf32>
      %sub3A_859 = arith.constant 1.000000e+00 : f32
      %sub3A_860 = vector.broadcast %sub3A_859 : f32 to vector<16xf32>
      %sub3A_861 = arith.subf %bitcast_convert_type3A_858, %sub3A_860 : vector<16xf32>
      %add3A_862 = arith.constant 1.000000e+00 : f32
      %add3A_863 = vector.broadcast %add3A_862 : f32 to vector<16xf32>
      %add3A_864 = arith.addf %bitcast_convert_type3A_858, %add3A_863 : vector<16xf32>
      %div3A_865 = arith.divf %sub3A_861, %add3A_864 : vector<16xf32>
      %mul3A_866 = arith.mulf %div3A_865, %div3A_865 : vector<16xf32>
      %mul3A_867 = arith.constant 0.111111112 : f32
      %mul3A_868 = vector.broadcast %mul3A_867 : f32 to vector<16xf32>
      %mul3A_869 = arith.mulf %mul3A_868, %mul3A_866 : vector<16xf32>
      %add3A_870 = arith.constant 0.142857149 : f32
      %add3A_871 = vector.broadcast %add3A_870 : f32 to vector<16xf32>
      %add3A_872 = arith.addf %mul3A_869, %add3A_871 : vector<16xf32>
      %mul3A_873 = arith.mulf %add3A_872, %mul3A_866 : vector<16xf32>
      %add3A_874 = arith.constant 2.000000e-01 : f32
      %add3A_875 = vector.broadcast %add3A_874 : f32 to vector<16xf32>
      %add3A_876 = arith.addf %mul3A_873, %add3A_875 : vector<16xf32>
      %mul3A_877 = arith.mulf %add3A_876, %mul3A_866 : vector<16xf32>
      %add3A_878 = arith.constant 0.333333343 : f32
      %add3A_879 = vector.broadcast %add3A_878 : f32 to vector<16xf32>
      %add3A_880 = arith.addf %mul3A_877, %add3A_879 : vector<16xf32>
      %mul3A_881 = arith.mulf %add3A_880, %mul3A_866 : vector<16xf32>
      %add3A_882 = arith.constant 1.000000e+00 : f32
      %add3A_883 = vector.broadcast %add3A_882 : f32 to vector<16xf32>
      %add3A_884 = arith.addf %mul3A_881, %add3A_883 : vector<16xf32>
      %mul3A_885 = arith.constant 2.000000e+00 : f32
      %mul3A_886 = vector.broadcast %mul3A_885 : f32 to vector<16xf32>
      %mul3A_887 = arith.mulf %mul3A_886, %div3A_865 : vector<16xf32>
      %mul3A_888 = arith.mulf %mul3A_887, %add3A_884 : vector<16xf32>
      %convert_element_type3A_889 = arith.sitofp %sub3A_851 : vector<16xi32> to vector<16xf32>
      %mul3A_890 = arith.constant 0.693147182 : f32
      %mul3A_891 = vector.broadcast %mul3A_890 : f32 to vector<16xf32>
      %mul3A_892 = arith.mulf %convert_element_type3A_889, %mul3A_891 : vector<16xf32>
      %add3A_893 = arith.addf %mul3A_892, %mul3A_888 : vector<16xf32>
      %add3A_894 = arith.addf %add3A_822, %add3A_893 : vector<16xf32>
      %add3A_895 = arith.addf %add3A_823, %sub3A_840 : vector<16xf32>
      %get3A_896 = arith.constant 0 : i32
      %get3A_897 = arith.index_cast %get3A_896 : i32 to index
      %get3A_898 = arith.constant 112 : index
      %get3A_899 = tpu.vector_load %arg11[%get3A_897, %get3A_898] {strides = array<i32>} : memref<2x128xf32, #tpu.memory_space<vmem>>, vector<1x16xf32>,
      %get3A_900 = vector.shape_cast %get3A_899 : vector<1x16xf32> to vector<16xf32>
      %add3A_901 = arith.addf %add3A_829, %get3A_900 : vector<16xf32>
      %dma_wait3A_902 = arith.constant 1 : i32
      %dma_wait3A_903 = arith.constant 1 : i32
      %dma_wait3A_904 = arith.constant 0 : i32
      %dma_wait3A_905 = tpu.memref_slice %arg9[%dma_wait3A_903, %dma_wait3A_904] : memref<2x128xf32, #tpu.memory_space<vmem>> -> memref<1x128xf32, #tpu.memory_space<vmem>>
      %dma_wait3A_906 = tpu.memref_squeeze %dma_wait3A_905 : memref<1x128xf32, #tpu.memory_space<vmem>> -> memref<128xf32, #tpu.memory_space<vmem>>
      %dma_wait3A_907 = arith.constant 0 : i32
      %dma_wait3A_908 = tpu.memref_slice %arg7[%dma_wait3A_902, %dma_wait3A_907] : memref<2x128xi32, #tpu.memory_space<vmem>> -> memref<1x128xi32, #tpu.memory_space<vmem>>
      %dma_wait3A_909 = tpu.memref_squeeze %dma_wait3A_908 : memref<1x128xi32, #tpu.memory_space<vmem>> -> memref<128xi32, #tpu.memory_space<vmem>>
      %dma_wait3A_910 = arith.constant 0 : i32
      %dma_wait3A_911 = tpu.memref_slice %arg2[%dma_wait3A_910] : memref<200000xf32, #tpu.memory_space<hbm>> -> memref<200000xf32, #tpu.memory_space<hbm>>
      tpu.wait_indirect_dma semaphore(%arg16 : memref<!tpu.dma_semaphore, #tpu.memory_space<semaphore_mem>>) src(%dma_wait3A_911 : memref<200000xf32, #tpu.memory_space<hbm>>) dst(%dma_wait3A_906 : memref<128xf32, #tpu.memory_space<vmem>>)
      %dma_wait3A_912 = arith.constant 1 : i32
      %dma_wait3A_913 = arith.constant 1 : i32
      %dma_wait3A_914 = arith.constant 0 : i32
      %dma_wait3A_915 = tpu.memref_slice %arg10[%dma_wait3A_913, %dma_wait3A_914] : memref<2x128xf32, #tpu.memory_space<vmem>> -> memref<1x128xf32, #tpu.memory_space<vmem>>
      %dma_wait3A_916 = tpu.memref_squeeze %dma_wait3A_915 : memref<1x128xf32, #tpu.memory_space<vmem>> -> memref<128xf32, #tpu.memory_space<vmem>>
      %dma_wait3A_917 = arith.constant 0 : i32
      %dma_wait3A_918 = tpu.memref_slice %arg8[%dma_wait3A_912, %dma_wait3A_917] : memref<2x128xi32, #tpu.memory_space<vmem>> -> memref<1x128xi32, #tpu.memory_space<vmem>>
      %dma_wait3A_919 = tpu.memref_squeeze %dma_wait3A_918 : memref<1x128xi32, #tpu.memory_space<vmem>> -> memref<128xi32, #tpu.memory_space<vmem>>
      %dma_wait3A_920 = arith.constant 0 : i32
      %dma_wait3A_921 = tpu.memref_slice %arg2[%dma_wait3A_920] : memref<200000xf32, #tpu.memory_space<hbm>> -> memref<200000xf32, #tpu.memory_space<hbm>>
      tpu.wait_indirect_dma semaphore(%arg16 : memref<!tpu.dma_semaphore, #tpu.memory_space<semaphore_mem>>) src(%dma_wait3A_921 : memref<200000xf32, #tpu.memory_space<hbm>>) dst(%dma_wait3A_916 : memref<128xf32, #tpu.memory_space<vmem>>)
      %get3A_922 = arith.constant 1 : i32
      %get3A_923 = arith.index_cast %get3A_922 : i32 to index
      %get3A_924 = arith.constant 0 : index
      %get3A_925 = tpu.vector_load %arg9[%get3A_923, %get3A_924] {strides = array<i32>} : memref<2x128xf32, #tpu.memory_space<vmem>>, vector<1x16xf32>,
      %get3A_926 = vector.shape_cast %get3A_925 : vector<1x16xf32> to vector<16xf32>
      %get3A_927 = arith.constant 1 : i32
      %get3A_928 = arith.index_cast %get3A_927 : i32 to index
      %get3A_929 = arith.constant 0 : index
      %get3A_930 = tpu.vector_load %arg10[%get3A_928, %get3A_929] {strides = array<i32>} : memref<2x128xf32, #tpu.memory_space<vmem>>, vector<1x16xf32>,
      %get3A_931 = vector.shape_cast %get3A_930 : vector<1x16xf32> to vector<16xf32>
      %sub3A_932 = arith.subf %get3A_926, %get3A_931 : vector<16xf32>
      %exp3A_933 = math.exp %sub3A_932 : vector<16xf32>
      %add3A_934 = arith.constant 1.000000e+00 : f32
      %add3A_935 = vector.broadcast %add3A_934 : f32 to vector<16xf32>
      %add3A_936 = arith.addf %add3A_935, %exp3A_933 : vector<16xf32>
      %bitcast_convert_type3A_937 = tpu.bitcast %add3A_936 : vector<16xf32> -> vector<16xi32>
      %shift_right_arithmetic3A_938 = arith.constant 23 : i32
      %shift_right_arithmetic3A_939 = vector.broadcast %shift_right_arithmetic3A_938 : i32 to vector<16xi32>
      %shift_right_arithmetic3A_940 = arith.shrsi %bitcast_convert_type3A_937, %shift_right_arithmetic3A_939 : vector<16xi32>
      %sub3A_941 = arith.constant 127 : i32
      %sub3A_942 = vector.broadcast %sub3A_941 : i32 to vector<16xi32>
      %sub3A_943 = arith.subi %shift_right_arithmetic3A_940, %sub3A_942 : vector<16xi32>
      %and3A_944 = arith.constant 8388607 : i32
      %and3A_945 = vector.broadcast %and3A_944 : i32 to vector<16xi32>
      %and3A_946 = arith.andi %bitcast_convert_type3A_937, %and3A_945 : vector<16xi32>
      %or3A_947 = arith.constant 1065353216 : i32
      %or3A_948 = vector.broadcast %or3A_947 : i32 to vector<16xi32>
      %or3A_949 = arith.ori %and3A_946, %or3A_948 : vector<16xi32>
      %bitcast_convert_type3A_950 = tpu.bitcast %or3A_949 : vector<16xi32> -> vector<16xf32>
      %sub3A_951 = arith.constant 1.000000e+00 : f32
      %sub3A_952 = vector.broadcast %sub3A_951 : f32 to vector<16xf32>
      %sub3A_953 = arith.subf %bitcast_convert_type3A_950, %sub3A_952 : vector<16xf32>
      %add3A_954 = arith.constant 1.000000e+00 : f32
      %add3A_955 = vector.broadcast %add3A_954 : f32 to vector<16xf32>
      %add3A_956 = arith.addf %bitcast_convert_type3A_950, %add3A_955 : vector<16xf32>
      %div3A_957 = arith.divf %sub3A_953, %add3A_956 : vector<16xf32>
      %mul3A_958 = arith.mulf %div3A_957, %div3A_957 : vector<16xf32>
      %mul3A_959 = arith.constant 0.111111112 : f32
      %mul3A_960 = vector.broadcast %mul3A_959 : f32 to vector<16xf32>
      %mul3A_961 = arith.mulf %mul3A_960, %mul3A_958 : vector<16xf32>
      %add3A_962 = arith.constant 0.142857149 : f32
      %add3A_963 = vector.broadcast %add3A_962 : f32 to vector<16xf32>
      %add3A_964 = arith.addf %mul3A_961, %add3A_963 : vector<16xf32>
      %mul3A_965 = arith.mulf %add3A_964, %mul3A_958 : vector<16xf32>
      %add3A_966 = arith.constant 2.000000e-01 : f32
      %add3A_967 = vector.broadcast %add3A_966 : f32 to vector<16xf32>
      %add3A_968 = arith.addf %mul3A_965, %add3A_967 : vector<16xf32>
      %mul3A_969 = arith.mulf %add3A_968, %mul3A_958 : vector<16xf32>
      %add3A_970 = arith.constant 0.333333343 : f32
      %add3A_971 = vector.broadcast %add3A_970 : f32 to vector<16xf32>
      %add3A_972 = arith.addf %mul3A_969, %add3A_971 : vector<16xf32>
      %mul3A_973 = arith.mulf %add3A_972, %mul3A_958 : vector<16xf32>
      %add3A_974 = arith.constant 1.000000e+00 : f32
      %add3A_975 = vector.broadcast %add3A_974 : f32 to vector<16xf32>
      %add3A_976 = arith.addf %mul3A_973, %add3A_975 : vector<16xf32>
      %mul3A_977 = arith.constant 2.000000e+00 : f32
      %mul3A_978 = vector.broadcast %mul3A_977 : f32 to vector<16xf32>
      %mul3A_979 = arith.mulf %mul3A_978, %div3A_957 : vector<16xf32>
      %mul3A_980 = arith.mulf %mul3A_979, %add3A_976 : vector<16xf32>
      %convert_element_type3A_981 = arith.sitofp %sub3A_943 : vector<16xi32> to vector<16xf32>
      %mul3A_982 = arith.constant 0.693147182 : f32
      %mul3A_983 = vector.broadcast %mul3A_982 : f32 to vector<16xf32>
      %mul3A_984 = arith.mulf %convert_element_type3A_981, %mul3A_983 : vector<16xf32>
      %add3A_985 = arith.addf %mul3A_984, %mul3A_980 : vector<16xf32>
      %add3A_986 = arith.addf %add3A_894, %add3A_985 : vector<16xf32>
      %add3A_987 = arith.addf %add3A_895, %sub3A_932 : vector<16xf32>
      %get3A_988 = arith.constant 1 : i32
      %get3A_989 = arith.index_cast %get3A_988 : i32 to index
      %get3A_990 = arith.constant 0 : index
      %get3A_991 = tpu.vector_load %arg11[%get3A_989, %get3A_990] {strides = array<i32>} : memref<2x128xf32, #tpu.memory_space<vmem>>, vector<1x16xf32>,
      %get3A_992 = vector.shape_cast %get3A_991 : vector<1x16xf32> to vector<16xf32>
      %add3A_993 = arith.addf %add3A_901, %get3A_992 : vector<16xf32>
      %get3A_994 = arith.constant 1 : i32
      %get3A_995 = arith.index_cast %get3A_994 : i32 to index
      %get3A_996 = arith.constant 16 : index
      %get3A_997 = tpu.vector_load %arg9[%get3A_995, %get3A_996] {strides = array<i32>} : memref<2x128xf32, #tpu.memory_space<vmem>>, vector<1x16xf32>,
      %get3A_998 = vector.shape_cast %get3A_997 : vector<1x16xf32> to vector<16xf32>
      %get3A_999 = arith.constant 1 : i32
      %get3A_1000 = arith.index_cast %get3A_999 : i32 to index
      %get3A_1001 = arith.constant 16 : index
      %get3A_1002 = tpu.vector_load %arg10[%get3A_1000, %get3A_1001] {strides = array<i32>} : memref<2x128xf32, #tpu.memory_space<vmem>>, vector<1x16xf32>,
      %get3A_1003 = vector.shape_cast %get3A_1002 : vector<1x16xf32> to vector<16xf32>
      %sub3A_1004 = arith.subf %get3A_998, %get3A_1003 : vector<16xf32>
      %exp3A_1005 = math.exp %sub3A_1004 : vector<16xf32>
      %add3A_1006 = arith.constant 1.000000e+00 : f32
      %add3A_1007 = vector.broadcast %add3A_1006 : f32 to vector<16xf32>
      %add3A_1008 = arith.addf %add3A_1007, %exp3A_1005 : vector<16xf32>
      %bitcast_convert_type3A_1009 = tpu.bitcast %add3A_1008 : vector<16xf32> -> vector<16xi32>
      %shift_right_arithmetic3A_1010 = arith.constant 23 : i32
      %shift_right_arithmetic3A_1011 = vector.broadcast %shift_right_arithmetic3A_1010 : i32 to vector<16xi32>
      %shift_right_arithmetic3A_1012 = arith.shrsi %bitcast_convert_type3A_1009, %shift_right_arithmetic3A_1011 : vector<16xi32>
      %sub3A_1013 = arith.constant 127 : i32
      %sub3A_1014 = vector.broadcast %sub3A_1013 : i32 to vector<16xi32>
      %sub3A_1015 = arith.subi %shift_right_arithmetic3A_1012, %sub3A_1014 : vector<16xi32>
      %and3A_1016 = arith.constant 8388607 : i32
      %and3A_1017 = vector.broadcast %and3A_1016 : i32 to vector<16xi32>
      %and3A_1018 = arith.andi %bitcast_convert_type3A_1009, %and3A_1017 : vector<16xi32>
      %or3A_1019 = arith.constant 1065353216 : i32
      %or3A_1020 = vector.broadcast %or3A_1019 : i32 to vector<16xi32>
      %or3A_1021 = arith.ori %and3A_1018, %or3A_1020 : vector<16xi32>
      %bitcast_convert_type3A_1022 = tpu.bitcast %or3A_1021 : vector<16xi32> -> vector<16xf32>
      %sub3A_1023 = arith.constant 1.000000e+00 : f32
      %sub3A_1024 = vector.broadcast %sub3A_1023 : f32 to vector<16xf32>
      %sub3A_1025 = arith.subf %bitcast_convert_type3A_1022, %sub3A_1024 : vector<16xf32>
      %add3A_1026 = arith.constant 1.000000e+00 : f32
      %add3A_1027 = vector.broadcast %add3A_1026 : f32 to vector<16xf32>
      %add3A_1028 = arith.addf %bitcast_convert_type3A_1022, %add3A_1027 : vector<16xf32>
      %div3A_1029 = arith.divf %sub3A_1025, %add3A_1028 : vector<16xf32>
      %mul3A_1030 = arith.mulf %div3A_1029, %div3A_1029 : vector<16xf32>
      %mul3A_1031 = arith.constant 0.111111112 : f32
      %mul3A_1032 = vector.broadcast %mul3A_1031 : f32 to vector<16xf32>
      %mul3A_1033 = arith.mulf %mul3A_1032, %mul3A_1030 : vector<16xf32>
      %add3A_1034 = arith.constant 0.142857149 : f32
      %add3A_1035 = vector.broadcast %add3A_1034 : f32 to vector<16xf32>
      %add3A_1036 = arith.addf %mul3A_1033, %add3A_1035 : vector<16xf32>
      %mul3A_1037 = arith.mulf %add3A_1036, %mul3A_1030 : vector<16xf32>
      %add3A_1038 = arith.constant 2.000000e-01 : f32
      %add3A_1039 = vector.broadcast %add3A_1038 : f32 to vector<16xf32>
      %add3A_1040 = arith.addf %mul3A_1037, %add3A_1039 : vector<16xf32>
      %mul3A_1041 = arith.mulf %add3A_1040, %mul3A_1030 : vector<16xf32>
      %add3A_1042 = arith.constant 0.333333343 : f32
      %add3A_1043 = vector.broadcast %add3A_1042 : f32 to vector<16xf32>
      %add3A_1044 = arith.addf %mul3A_1041, %add3A_1043 : vector<16xf32>
      %mul3A_1045 = arith.mulf %add3A_1044, %mul3A_1030 : vector<16xf32>
      %add3A_1046 = arith.constant 1.000000e+00 : f32
      %add3A_1047 = vector.broadcast %add3A_1046 : f32 to vector<16xf32>
      %add3A_1048 = arith.addf %mul3A_1045, %add3A_1047 : vector<16xf32>
      %mul3A_1049 = arith.constant 2.000000e+00 : f32
      %mul3A_1050 = vector.broadcast %mul3A_1049 : f32 to vector<16xf32>
      %mul3A_1051 = arith.mulf %mul3A_1050, %div3A_1029 : vector<16xf32>
      %mul3A_1052 = arith.mulf %mul3A_1051, %add3A_1048 : vector<16xf32>
      %convert_element_type3A_1053 = arith.sitofp %sub3A_1015 : vector<16xi32> to vector<16xf32>
      %mul3A_1054 = arith.constant 0.693147182 : f32
      %mul3A_1055 = vector.broadcast %mul3A_1054 : f32 to vector<16xf32>
      %mul3A_1056 = arith.mulf %convert_element_type3A_1053, %mul3A_1055 : vector<16xf32>
      %add3A_1057 = arith.addf %mul3A_1056, %mul3A_1052 : vector<16xf32>
      %add3A_1058 = arith.addf %add3A_986, %add3A_1057 : vector<16xf32>
      %add3A_1059 = arith.addf %add3A_987, %sub3A_1004 : vector<16xf32>
      %get3A_1060 = arith.constant 1 : i32
      %get3A_1061 = arith.index_cast %get3A_1060 : i32 to index
      %get3A_1062 = arith.constant 16 : index
      %get3A_1063 = tpu.vector_load %arg11[%get3A_1061, %get3A_1062] {strides = array<i32>} : memref<2x128xf32, #tpu.memory_space<vmem>>, vector<1x16xf32>,
      %get3A_1064 = vector.shape_cast %get3A_1063 : vector<1x16xf32> to vector<16xf32>
      %add3A_1065 = arith.addf %add3A_993, %get3A_1064 : vector<16xf32>
      %get3A_1066 = arith.constant 1 : i32
      %get3A_1067 = arith.index_cast %get3A_1066 : i32 to index
      %get3A_1068 = arith.constant 32 : index
      %get3A_1069 = tpu.vector_load %arg9[%get3A_1067, %get3A_1068] {strides = array<i32>} : memref<2x128xf32, #tpu.memory_space<vmem>>, vector<1x16xf32>,
      %get3A_1070 = vector.shape_cast %get3A_1069 : vector<1x16xf32> to vector<16xf32>
      %get3A_1071 = arith.constant 1 : i32
      %get3A_1072 = arith.index_cast %get3A_1071 : i32 to index
      %get3A_1073 = arith.constant 32 : index
      %get3A_1074 = tpu.vector_load %arg10[%get3A_1072, %get3A_1073] {strides = array<i32>} : memref<2x128xf32, #tpu.memory_space<vmem>>, vector<1x16xf32>,
      %get3A_1075 = vector.shape_cast %get3A_1074 : vector<1x16xf32> to vector<16xf32>
      %sub3A_1076 = arith.subf %get3A_1070, %get3A_1075 : vector<16xf32>
      %exp3A_1077 = math.exp %sub3A_1076 : vector<16xf32>
      %add3A_1078 = arith.constant 1.000000e+00 : f32
      %add3A_1079 = vector.broadcast %add3A_1078 : f32 to vector<16xf32>
      %add3A_1080 = arith.addf %add3A_1079, %exp3A_1077 : vector<16xf32>
      %bitcast_convert_type3A_1081 = tpu.bitcast %add3A_1080 : vector<16xf32> -> vector<16xi32>
      %shift_right_arithmetic3A_1082 = arith.constant 23 : i32
      %shift_right_arithmetic3A_1083 = vector.broadcast %shift_right_arithmetic3A_1082 : i32 to vector<16xi32>
      %shift_right_arithmetic3A_1084 = arith.shrsi %bitcast_convert_type3A_1081, %shift_right_arithmetic3A_1083 : vector<16xi32>
      %sub3A_1085 = arith.constant 127 : i32
      %sub3A_1086 = vector.broadcast %sub3A_1085 : i32 to vector<16xi32>
      %sub3A_1087 = arith.subi %shift_right_arithmetic3A_1084, %sub3A_1086 : vector<16xi32>
      %and3A_1088 = arith.constant 8388607 : i32
      %and3A_1089 = vector.broadcast %and3A_1088 : i32 to vector<16xi32>
      %and3A_1090 = arith.andi %bitcast_convert_type3A_1081, %and3A_1089 : vector<16xi32>
      %or3A_1091 = arith.constant 1065353216 : i32
      %or3A_1092 = vector.broadcast %or3A_1091 : i32 to vector<16xi32>
      %or3A_1093 = arith.ori %and3A_1090, %or3A_1092 : vector<16xi32>
      %bitcast_convert_type3A_1094 = tpu.bitcast %or3A_1093 : vector<16xi32> -> vector<16xf32>
      %sub3A_1095 = arith.constant 1.000000e+00 : f32
      %sub3A_1096 = vector.broadcast %sub3A_1095 : f32 to vector<16xf32>
      %sub3A_1097 = arith.subf %bitcast_convert_type3A_1094, %sub3A_1096 : vector<16xf32>
      %add3A_1098 = arith.constant 1.000000e+00 : f32
      %add3A_1099 = vector.broadcast %add3A_1098 : f32 to vector<16xf32>
      %add3A_1100 = arith.addf %bitcast_convert_type3A_1094, %add3A_1099 : vector<16xf32>
      %div3A_1101 = arith.divf %sub3A_1097, %add3A_1100 : vector<16xf32>
      %mul3A_1102 = arith.mulf %div3A_1101, %div3A_1101 : vector<16xf32>
      %mul3A_1103 = arith.constant 0.111111112 : f32
      %mul3A_1104 = vector.broadcast %mul3A_1103 : f32 to vector<16xf32>
      %mul3A_1105 = arith.mulf %mul3A_1104, %mul3A_1102 : vector<16xf32>
      %add3A_1106 = arith.constant 0.142857149 : f32
      %add3A_1107 = vector.broadcast %add3A_1106 : f32 to vector<16xf32>
      %add3A_1108 = arith.addf %mul3A_1105, %add3A_1107 : vector<16xf32>
      %mul3A_1109 = arith.mulf %add3A_1108, %mul3A_1102 : vector<16xf32>
      %add3A_1110 = arith.constant 2.000000e-01 : f32
      %add3A_1111 = vector.broadcast %add3A_1110 : f32 to vector<16xf32>
      %add3A_1112 = arith.addf %mul3A_1109, %add3A_1111 : vector<16xf32>
      %mul3A_1113 = arith.mulf %add3A_1112, %mul3A_1102 : vector<16xf32>
      %add3A_1114 = arith.constant 0.333333343 : f32
      %add3A_1115 = vector.broadcast %add3A_1114 : f32 to vector<16xf32>
      %add3A_1116 = arith.addf %mul3A_1113, %add3A_1115 : vector<16xf32>
      %mul3A_1117 = arith.mulf %add3A_1116, %mul3A_1102 : vector<16xf32>
      %add3A_1118 = arith.constant 1.000000e+00 : f32
      %add3A_1119 = vector.broadcast %add3A_1118 : f32 to vector<16xf32>
      %add3A_1120 = arith.addf %mul3A_1117, %add3A_1119 : vector<16xf32>
      %mul3A_1121 = arith.constant 2.000000e+00 : f32
      %mul3A_1122 = vector.broadcast %mul3A_1121 : f32 to vector<16xf32>
      %mul3A_1123 = arith.mulf %mul3A_1122, %div3A_1101 : vector<16xf32>
      %mul3A_1124 = arith.mulf %mul3A_1123, %add3A_1120 : vector<16xf32>
      %convert_element_type3A_1125 = arith.sitofp %sub3A_1087 : vector<16xi32> to vector<16xf32>
      %mul3A_1126 = arith.constant 0.693147182 : f32
      %mul3A_1127 = vector.broadcast %mul3A_1126 : f32 to vector<16xf32>
      %mul3A_1128 = arith.mulf %convert_element_type3A_1125, %mul3A_1127 : vector<16xf32>
      %add3A_1129 = arith.addf %mul3A_1128, %mul3A_1124 : vector<16xf32>
      %add3A_1130 = arith.addf %add3A_1058, %add3A_1129 : vector<16xf32>
      %add3A_1131 = arith.addf %add3A_1059, %sub3A_1076 : vector<16xf32>
      %get3A_1132 = arith.constant 1 : i32
      %get3A_1133 = arith.index_cast %get3A_1132 : i32 to index
      %get3A_1134 = arith.constant 32 : index
      %get3A_1135 = tpu.vector_load %arg11[%get3A_1133, %get3A_1134] {strides = array<i32>} : memref<2x128xf32, #tpu.memory_space<vmem>>, vector<1x16xf32>,
      %get3A_1136 = vector.shape_cast %get3A_1135 : vector<1x16xf32> to vector<16xf32>
      %add3A_1137 = arith.addf %add3A_1065, %get3A_1136 : vector<16xf32>
      %get3A_1138 = arith.constant 1 : i32
      %get3A_1139 = arith.index_cast %get3A_1138 : i32 to index
      %get3A_1140 = arith.constant 48 : index
      %get3A_1141 = tpu.vector_load %arg9[%get3A_1139, %get3A_1140] {strides = array<i32>} : memref<2x128xf32, #tpu.memory_space<vmem>>, vector<1x16xf32>,
      %get3A_1142 = vector.shape_cast %get3A_1141 : vector<1x16xf32> to vector<16xf32>
      %get3A_1143 = arith.constant 1 : i32
      %get3A_1144 = arith.index_cast %get3A_1143 : i32 to index
      %get3A_1145 = arith.constant 48 : index
      %get3A_1146 = tpu.vector_load %arg10[%get3A_1144, %get3A_1145] {strides = array<i32>} : memref<2x128xf32, #tpu.memory_space<vmem>>, vector<1x16xf32>,
      %get3A_1147 = vector.shape_cast %get3A_1146 : vector<1x16xf32> to vector<16xf32>
      %sub3A_1148 = arith.subf %get3A_1142, %get3A_1147 : vector<16xf32>
      %exp3A_1149 = math.exp %sub3A_1148 : vector<16xf32>
      %add3A_1150 = arith.constant 1.000000e+00 : f32
      %add3A_1151 = vector.broadcast %add3A_1150 : f32 to vector<16xf32>
      %add3A_1152 = arith.addf %add3A_1151, %exp3A_1149 : vector<16xf32>
      %bitcast_convert_type3A_1153 = tpu.bitcast %add3A_1152 : vector<16xf32> -> vector<16xi32>
      %shift_right_arithmetic3A_1154 = arith.constant 23 : i32
      %shift_right_arithmetic3A_1155 = vector.broadcast %shift_right_arithmetic3A_1154 : i32 to vector<16xi32>
      %shift_right_arithmetic3A_1156 = arith.shrsi %bitcast_convert_type3A_1153, %shift_right_arithmetic3A_1155 : vector<16xi32>
      %sub3A_1157 = arith.constant 127 : i32
      %sub3A_1158 = vector.broadcast %sub3A_1157 : i32 to vector<16xi32>
      %sub3A_1159 = arith.subi %shift_right_arithmetic3A_1156, %sub3A_1158 : vector<16xi32>
      %and3A_1160 = arith.constant 8388607 : i32
      %and3A_1161 = vector.broadcast %and3A_1160 : i32 to vector<16xi32>
      %and3A_1162 = arith.andi %bitcast_convert_type3A_1153, %and3A_1161 : vector<16xi32>
      %or3A_1163 = arith.constant 1065353216 : i32
      %or3A_1164 = vector.broadcast %or3A_1163 : i32 to vector<16xi32>
      %or3A_1165 = arith.ori %and3A_1162, %or3A_1164 : vector<16xi32>
      %bitcast_convert_type3A_1166 = tpu.bitcast %or3A_1165 : vector<16xi32> -> vector<16xf32>
      %sub3A_1167 = arith.constant 1.000000e+00 : f32
      %sub3A_1168 = vector.broadcast %sub3A_1167 : f32 to vector<16xf32>
      %sub3A_1169 = arith.subf %bitcast_convert_type3A_1166, %sub3A_1168 : vector<16xf32>
      %add3A_1170 = arith.constant 1.000000e+00 : f32
      %add3A_1171 = vector.broadcast %add3A_1170 : f32 to vector<16xf32>
      %add3A_1172 = arith.addf %bitcast_convert_type3A_1166, %add3A_1171 : vector<16xf32>
      %div3A_1173 = arith.divf %sub3A_1169, %add3A_1172 : vector<16xf32>
      %mul3A_1174 = arith.mulf %div3A_1173, %div3A_1173 : vector<16xf32>
      %mul3A_1175 = arith.constant 0.111111112 : f32
      %mul3A_1176 = vector.broadcast %mul3A_1175 : f32 to vector<16xf32>
      %mul3A_1177 = arith.mulf %mul3A_1176, %mul3A_1174 : vector<16xf32>
      %add3A_1178 = arith.constant 0.142857149 : f32
      %add3A_1179 = vector.broadcast %add3A_1178 : f32 to vector<16xf32>
      %add3A_1180 = arith.addf %mul3A_1177, %add3A_1179 : vector<16xf32>
      %mul3A_1181 = arith.mulf %add3A_1180, %mul3A_1174 : vector<16xf32>
      %add3A_1182 = arith.constant 2.000000e-01 : f32
      %add3A_1183 = vector.broadcast %add3A_1182 : f32 to vector<16xf32>
      %add3A_1184 = arith.addf %mul3A_1181, %add3A_1183 : vector<16xf32>
      %mul3A_1185 = arith.mulf %add3A_1184, %mul3A_1174 : vector<16xf32>
      %add3A_1186 = arith.constant 0.333333343 : f32
      %add3A_1187 = vector.broadcast %add3A_1186 : f32 to vector<16xf32>
      %add3A_1188 = arith.addf %mul3A_1185, %add3A_1187 : vector<16xf32>
      %mul3A_1189 = arith.mulf %add3A_1188, %mul3A_1174 : vector<16xf32>
      %add3A_1190 = arith.constant 1.000000e+00 : f32
      %add3A_1191 = vector.broadcast %add3A_1190 : f32 to vector<16xf32>
      %add3A_1192 = arith.addf %mul3A_1189, %add3A_1191 : vector<16xf32>
      %mul3A_1193 = arith.constant 2.000000e+00 : f32
      %mul3A_1194 = vector.broadcast %mul3A_1193 : f32 to vector<16xf32>
      %mul3A_1195 = arith.mulf %mul3A_1194, %div3A_1173 : vector<16xf32>
      %mul3A_1196 = arith.mulf %mul3A_1195, %add3A_1192 : vector<16xf32>
      %convert_element_type3A_1197 = arith.sitofp %sub3A_1159 : vector<16xi32> to vector<16xf32>
      %mul3A_1198 = arith.constant 0.693147182 : f32
      %mul3A_1199 = vector.broadcast %mul3A_1198 : f32 to vector<16xf32>
      %mul3A_1200 = arith.mulf %convert_element_type3A_1197, %mul3A_1199 : vector<16xf32>
      %add3A_1201 = arith.addf %mul3A_1200, %mul3A_1196 : vector<16xf32>
      %add3A_1202 = arith.addf %add3A_1130, %add3A_1201 : vector<16xf32>
      %add3A_1203 = arith.addf %add3A_1131, %sub3A_1148 : vector<16xf32>
      %get3A_1204 = arith.constant 1 : i32
      %get3A_1205 = arith.index_cast %get3A_1204 : i32 to index
      %get3A_1206 = arith.constant 48 : index
      %get3A_1207 = tpu.vector_load %arg11[%get3A_1205, %get3A_1206] {strides = array<i32>} : memref<2x128xf32, #tpu.memory_space<vmem>>, vector<1x16xf32>,
      %get3A_1208 = vector.shape_cast %get3A_1207 : vector<1x16xf32> to vector<16xf32>
      %add3A_1209 = arith.addf %add3A_1137, %get3A_1208 : vector<16xf32>
      %get3A_1210 = arith.constant 1 : i32
      %get3A_1211 = arith.index_cast %get3A_1210 : i32 to index
      %get3A_1212 = arith.constant 64 : index
      %get3A_1213 = tpu.vector_load %arg9[%get3A_1211, %get3A_1212] {strides = array<i32>} : memref<2x128xf32, #tpu.memory_space<vmem>>, vector<1x16xf32>,
      %get3A_1214 = vector.shape_cast %get3A_1213 : vector<1x16xf32> to vector<16xf32>
      %get3A_1215 = arith.constant 1 : i32
      %get3A_1216 = arith.index_cast %get3A_1215 : i32 to index
      %get3A_1217 = arith.constant 64 : index
      %get3A_1218 = tpu.vector_load %arg10[%get3A_1216, %get3A_1217] {strides = array<i32>} : memref<2x128xf32, #tpu.memory_space<vmem>>, vector<1x16xf32>,
      %get3A_1219 = vector.shape_cast %get3A_1218 : vector<1x16xf32> to vector<16xf32>
      %sub3A_1220 = arith.subf %get3A_1214, %get3A_1219 : vector<16xf32>
      %exp3A_1221 = math.exp %sub3A_1220 : vector<16xf32>
      %add3A_1222 = arith.constant 1.000000e+00 : f32
      %add3A_1223 = vector.broadcast %add3A_1222 : f32 to vector<16xf32>
      %add3A_1224 = arith.addf %add3A_1223, %exp3A_1221 : vector<16xf32>
      %bitcast_convert_type3A_1225 = tpu.bitcast %add3A_1224 : vector<16xf32> -> vector<16xi32>
      %shift_right_arithmetic3A_1226 = arith.constant 23 : i32
      %shift_right_arithmetic3A_1227 = vector.broadcast %shift_right_arithmetic3A_1226 : i32 to vector<16xi32>
      %shift_right_arithmetic3A_1228 = arith.shrsi %bitcast_convert_type3A_1225, %shift_right_arithmetic3A_1227 : vector<16xi32>
      %sub3A_1229 = arith.constant 127 : i32
      %sub3A_1230 = vector.broadcast %sub3A_1229 : i32 to vector<16xi32>
      %sub3A_1231 = arith.subi %shift_right_arithmetic3A_1228, %sub3A_1230 : vector<16xi32>
      %and3A_1232 = arith.constant 8388607 : i32
      %and3A_1233 = vector.broadcast %and3A_1232 : i32 to vector<16xi32>
      %and3A_1234 = arith.andi %bitcast_convert_type3A_1225, %and3A_1233 : vector<16xi32>
      %or3A_1235 = arith.constant 1065353216 : i32
      %or3A_1236 = vector.broadcast %or3A_1235 : i32 to vector<16xi32>
      %or3A_1237 = arith.ori %and3A_1234, %or3A_1236 : vector<16xi32>
      %bitcast_convert_type3A_1238 = tpu.bitcast %or3A_1237 : vector<16xi32> -> vector<16xf32>
      %sub3A_1239 = arith.constant 1.000000e+00 : f32
      %sub3A_1240 = vector.broadcast %sub3A_1239 : f32 to vector<16xf32>
      %sub3A_1241 = arith.subf %bitcast_convert_type3A_1238, %sub3A_1240 : vector<16xf32>
      %add3A_1242 = arith.constant 1.000000e+00 : f32
      %add3A_1243 = vector.broadcast %add3A_1242 : f32 to vector<16xf32>
      %add3A_1244 = arith.addf %bitcast_convert_type3A_1238, %add3A_1243 : vector<16xf32>
      %div3A_1245 = arith.divf %sub3A_1241, %add3A_1244 : vector<16xf32>
      %mul3A_1246 = arith.mulf %div3A_1245, %div3A_1245 : vector<16xf32>
      %mul3A_1247 = arith.constant 0.111111112 : f32
      %mul3A_1248 = vector.broadcast %mul3A_1247 : f32 to vector<16xf32>
      %mul3A_1249 = arith.mulf %mul3A_1248, %mul3A_1246 : vector<16xf32>
      %add3A_1250 = arith.constant 0.142857149 : f32
      %add3A_1251 = vector.broadcast %add3A_1250 : f32 to vector<16xf32>
      %add3A_1252 = arith.addf %mul3A_1249, %add3A_1251 : vector<16xf32>
      %mul3A_1253 = arith.mulf %add3A_1252, %mul3A_1246 : vector<16xf32>
      %add3A_1254 = arith.constant 2.000000e-01 : f32
      %add3A_1255 = vector.broadcast %add3A_1254 : f32 to vector<16xf32>
      %add3A_1256 = arith.addf %mul3A_1253, %add3A_1255 : vector<16xf32>
      %mul3A_1257 = arith.mulf %add3A_1256, %mul3A_1246 : vector<16xf32>
      %add3A_1258 = arith.constant 0.333333343 : f32
      %add3A_1259 = vector.broadcast %add3A_1258 : f32 to vector<16xf32>
      %add3A_1260 = arith.addf %mul3A_1257, %add3A_1259 : vector<16xf32>
      %mul3A_1261 = arith.mulf %add3A_1260, %mul3A_1246 : vector<16xf32>
      %add3A_1262 = arith.constant 1.000000e+00 : f32
      %add3A_1263 = vector.broadcast %add3A_1262 : f32 to vector<16xf32>
      %add3A_1264 = arith.addf %mul3A_1261, %add3A_1263 : vector<16xf32>
      %mul3A_1265 = arith.constant 2.000000e+00 : f32
      %mul3A_1266 = vector.broadcast %mul3A_1265 : f32 to vector<16xf32>
      %mul3A_1267 = arith.mulf %mul3A_1266, %div3A_1245 : vector<16xf32>
      %mul3A_1268 = arith.mulf %mul3A_1267, %add3A_1264 : vector<16xf32>
      %convert_element_type3A_1269 = arith.sitofp %sub3A_1231 : vector<16xi32> to vector<16xf32>
      %mul3A_1270 = arith.constant 0.693147182 : f32
      %mul3A_1271 = vector.broadcast %mul3A_1270 : f32 to vector<16xf32>
      %mul3A_1272 = arith.mulf %convert_element_type3A_1269, %mul3A_1271 : vector<16xf32>
      %add3A_1273 = arith.addf %mul3A_1272, %mul3A_1268 : vector<16xf32>
      %add3A_1274 = arith.addf %add3A_1202, %add3A_1273 : vector<16xf32>
      %add3A_1275 = arith.addf %add3A_1203, %sub3A_1220 : vector<16xf32>
      %get3A_1276 = arith.constant 1 : i32
      %get3A_1277 = arith.index_cast %get3A_1276 : i32 to index
      %get3A_1278 = arith.constant 64 : index
      %get3A_1279 = tpu.vector_load %arg11[%get3A_1277, %get3A_1278] {strides = array<i32>} : memref<2x128xf32, #tpu.memory_space<vmem>>, vector<1x16xf32>,
      %get3A_1280 = vector.shape_cast %get3A_1279 : vector<1x16xf32> to vector<16xf32>
      %add3A_1281 = arith.addf %add3A_1209, %get3A_1280 : vector<16xf32>
      %get3A_1282 = arith.constant 1 : i32
      %get3A_1283 = arith.index_cast %get3A_1282 : i32 to index
      %get3A_1284 = arith.constant 80 : index
      %get3A_1285 = tpu.vector_load %arg9[%get3A_1283, %get3A_1284] {strides = array<i32>} : memref<2x128xf32, #tpu.memory_space<vmem>>, vector<1x16xf32>,
      %get3A_1286 = vector.shape_cast %get3A_1285 : vector<1x16xf32> to vector<16xf32>
      %get3A_1287 = arith.constant 1 : i32
      %get3A_1288 = arith.index_cast %get3A_1287 : i32 to index
      %get3A_1289 = arith.constant 80 : index
      %get3A_1290 = tpu.vector_load %arg10[%get3A_1288, %get3A_1289] {strides = array<i32>} : memref<2x128xf32, #tpu.memory_space<vmem>>, vector<1x16xf32>,
      %get3A_1291 = vector.shape_cast %get3A_1290 : vector<1x16xf32> to vector<16xf32>
      %sub3A_1292 = arith.subf %get3A_1286, %get3A_1291 : vector<16xf32>
      %exp3A_1293 = math.exp %sub3A_1292 : vector<16xf32>
      %add3A_1294 = arith.constant 1.000000e+00 : f32
      %add3A_1295 = vector.broadcast %add3A_1294 : f32 to vector<16xf32>
      %add3A_1296 = arith.addf %add3A_1295, %exp3A_1293 : vector<16xf32>
      %bitcast_convert_type3A_1297 = tpu.bitcast %add3A_1296 : vector<16xf32> -> vector<16xi32>
      %shift_right_arithmetic3A_1298 = arith.constant 23 : i32
      %shift_right_arithmetic3A_1299 = vector.broadcast %shift_right_arithmetic3A_1298 : i32 to vector<16xi32>
      %shift_right_arithmetic3A_1300 = arith.shrsi %bitcast_convert_type3A_1297, %shift_right_arithmetic3A_1299 : vector<16xi32>
      %sub3A_1301 = arith.constant 127 : i32
      %sub3A_1302 = vector.broadcast %sub3A_1301 : i32 to vector<16xi32>
      %sub3A_1303 = arith.subi %shift_right_arithmetic3A_1300, %sub3A_1302 : vector<16xi32>
      %and3A_1304 = arith.constant 8388607 : i32
      %and3A_1305 = vector.broadcast %and3A_1304 : i32 to vector<16xi32>
      %and3A_1306 = arith.andi %bitcast_convert_type3A_1297, %and3A_1305 : vector<16xi32>
      %or3A_1307 = arith.constant 1065353216 : i32
      %or3A_1308 = vector.broadcast %or3A_1307 : i32 to vector<16xi32>
      %or3A_1309 = arith.ori %and3A_1306, %or3A_1308 : vector<16xi32>
      %bitcast_convert_type3A_1310 = tpu.bitcast %or3A_1309 : vector<16xi32> -> vector<16xf32>
      %sub3A_1311 = arith.constant 1.000000e+00 : f32
      %sub3A_1312 = vector.broadcast %sub3A_1311 : f32 to vector<16xf32>
      %sub3A_1313 = arith.subf %bitcast_convert_type3A_1310, %sub3A_1312 : vector<16xf32>
      %add3A_1314 = arith.constant 1.000000e+00 : f32
      %add3A_1315 = vector.broadcast %add3A_1314 : f32 to vector<16xf32>
      %add3A_1316 = arith.addf %bitcast_convert_type3A_1310, %add3A_1315 : vector<16xf32>
      %div3A_1317 = arith.divf %sub3A_1313, %add3A_1316 : vector<16xf32>
      %mul3A_1318 = arith.mulf %div3A_1317, %div3A_1317 : vector<16xf32>
      %mul3A_1319 = arith.constant 0.111111112 : f32
      %mul3A_1320 = vector.broadcast %mul3A_1319 : f32 to vector<16xf32>
      %mul3A_1321 = arith.mulf %mul3A_1320, %mul3A_1318 : vector<16xf32>
      %add3A_1322 = arith.constant 0.142857149 : f32
      %add3A_1323 = vector.broadcast %add3A_1322 : f32 to vector<16xf32>
      %add3A_1324 = arith.addf %mul3A_1321, %add3A_1323 : vector<16xf32>
      %mul3A_1325 = arith.mulf %add3A_1324, %mul3A_1318 : vector<16xf32>
      %add3A_1326 = arith.constant 2.000000e-01 : f32
      %add3A_1327 = vector.broadcast %add3A_1326 : f32 to vector<16xf32>
      %add3A_1328 = arith.addf %mul3A_1325, %add3A_1327 : vector<16xf32>
      %mul3A_1329 = arith.mulf %add3A_1328, %mul3A_1318 : vector<16xf32>
      %add3A_1330 = arith.constant 0.333333343 : f32
      %add3A_1331 = vector.broadcast %add3A_1330 : f32 to vector<16xf32>
      %add3A_1332 = arith.addf %mul3A_1329, %add3A_1331 : vector<16xf32>
      %mul3A_1333 = arith.mulf %add3A_1332, %mul3A_1318 : vector<16xf32>
      %add3A_1334 = arith.constant 1.000000e+00 : f32
      %add3A_1335 = vector.broadcast %add3A_1334 : f32 to vector<16xf32>
      %add3A_1336 = arith.addf %mul3A_1333, %add3A_1335 : vector<16xf32>
      %mul3A_1337 = arith.constant 2.000000e+00 : f32
      %mul3A_1338 = vector.broadcast %mul3A_1337 : f32 to vector<16xf32>
      %mul3A_1339 = arith.mulf %mul3A_1338, %div3A_1317 : vector<16xf32>
      %mul3A_1340 = arith.mulf %mul3A_1339, %add3A_1336 : vector<16xf32>
      %convert_element_type3A_1341 = arith.sitofp %sub3A_1303 : vector<16xi32> to vector<16xf32>
      %mul3A_1342 = arith.constant 0.693147182 : f32
      %mul3A_1343 = vector.broadcast %mul3A_1342 : f32 to vector<16xf32>
      %mul3A_1344 = arith.mulf %convert_element_type3A_1341, %mul3A_1343 : vector<16xf32>
      %add3A_1345 = arith.addf %mul3A_1344, %mul3A_1340 : vector<16xf32>
      %add3A_1346 = arith.addf %add3A_1274, %add3A_1345 : vector<16xf32>
      %add3A_1347 = arith.addf %add3A_1275, %sub3A_1292 : vector<16xf32>
      %get3A_1348 = arith.constant 1 : i32
      %get3A_1349 = arith.index_cast %get3A_1348 : i32 to index
      %get3A_1350 = arith.constant 80 : index
      %get3A_1351 = tpu.vector_load %arg11[%get3A_1349, %get3A_1350] {strides = array<i32>} : memref<2x128xf32, #tpu.memory_space<vmem>>, vector<1x16xf32>,
      %get3A_1352 = vector.shape_cast %get3A_1351 : vector<1x16xf32> to vector<16xf32>
      %add3A_1353 = arith.addf %add3A_1281, %get3A_1352 : vector<16xf32>
      %get3A_1354 = arith.constant 1 : i32
      %get3A_1355 = arith.index_cast %get3A_1354 : i32 to index
      %get3A_1356 = arith.constant 96 : index
      %get3A_1357 = tpu.vector_load %arg9[%get3A_1355, %get3A_1356] {strides = array<i32>} : memref<2x128xf32, #tpu.memory_space<vmem>>, vector<1x16xf32>,
      %get3A_1358 = vector.shape_cast %get3A_1357 : vector<1x16xf32> to vector<16xf32>
      %get3A_1359 = arith.constant 1 : i32
      %get3A_1360 = arith.index_cast %get3A_1359 : i32 to index
      %get3A_1361 = arith.constant 96 : index
      %get3A_1362 = tpu.vector_load %arg10[%get3A_1360, %get3A_1361] {strides = array<i32>} : memref<2x128xf32, #tpu.memory_space<vmem>>, vector<1x16xf32>,
      %get3A_1363 = vector.shape_cast %get3A_1362 : vector<1x16xf32> to vector<16xf32>
      %sub3A_1364 = arith.subf %get3A_1358, %get3A_1363 : vector<16xf32>
      %exp3A_1365 = math.exp %sub3A_1364 : vector<16xf32>
      %add3A_1366 = arith.constant 1.000000e+00 : f32
      %add3A_1367 = vector.broadcast %add3A_1366 : f32 to vector<16xf32>
      %add3A_1368 = arith.addf %add3A_1367, %exp3A_1365 : vector<16xf32>
      %bitcast_convert_type3A_1369 = tpu.bitcast %add3A_1368 : vector<16xf32> -> vector<16xi32>
      %shift_right_arithmetic3A_1370 = arith.constant 23 : i32
      %shift_right_arithmetic3A_1371 = vector.broadcast %shift_right_arithmetic3A_1370 : i32 to vector<16xi32>
      %shift_right_arithmetic3A_1372 = arith.shrsi %bitcast_convert_type3A_1369, %shift_right_arithmetic3A_1371 : vector<16xi32>
      %sub3A_1373 = arith.constant 127 : i32
      %sub3A_1374 = vector.broadcast %sub3A_1373 : i32 to vector<16xi32>
      %sub3A_1375 = arith.subi %shift_right_arithmetic3A_1372, %sub3A_1374 : vector<16xi32>
      %and3A_1376 = arith.constant 8388607 : i32
      %and3A_1377 = vector.broadcast %and3A_1376 : i32 to vector<16xi32>
      %and3A_1378 = arith.andi %bitcast_convert_type3A_1369, %and3A_1377 : vector<16xi32>
      %or3A_1379 = arith.constant 1065353216 : i32
      %or3A_1380 = vector.broadcast %or3A_1379 : i32 to vector<16xi32>
      %or3A_1381 = arith.ori %and3A_1378, %or3A_1380 : vector<16xi32>
      %bitcast_convert_type3A_1382 = tpu.bitcast %or3A_1381 : vector<16xi32> -> vector<16xf32>
      %sub3A_1383 = arith.constant 1.000000e+00 : f32
      %sub3A_1384 = vector.broadcast %sub3A_1383 : f32 to vector<16xf32>
      %sub3A_1385 = arith.subf %bitcast_convert_type3A_1382, %sub3A_1384 : vector<16xf32>
      %add3A_1386 = arith.constant 1.000000e+00 : f32
      %add3A_1387 = vector.broadcast %add3A_1386 : f32 to vector<16xf32>
      %add3A_1388 = arith.addf %bitcast_convert_type3A_1382, %add3A_1387 : vector<16xf32>
      %div3A_1389 = arith.divf %sub3A_1385, %add3A_1388 : vector<16xf32>
      %mul3A_1390 = arith.mulf %div3A_1389, %div3A_1389 : vector<16xf32>
      %mul3A_1391 = arith.constant 0.111111112 : f32
      %mul3A_1392 = vector.broadcast %mul3A_1391 : f32 to vector<16xf32>
      %mul3A_1393 = arith.mulf %mul3A_1392, %mul3A_1390 : vector<16xf32>
      %add3A_1394 = arith.constant 0.142857149 : f32
      %add3A_1395 = vector.broadcast %add3A_1394 : f32 to vector<16xf32>
      %add3A_1396 = arith.addf %mul3A_1393, %add3A_1395 : vector<16xf32>
      %mul3A_1397 = arith.mulf %add3A_1396, %mul3A_1390 : vector<16xf32>
      %add3A_1398 = arith.constant 2.000000e-01 : f32
      %add3A_1399 = vector.broadcast %add3A_1398 : f32 to vector<16xf32>
      %add3A_1400 = arith.addf %mul3A_1397, %add3A_1399 : vector<16xf32>
      %mul3A_1401 = arith.mulf %add3A_1400, %mul3A_1390 : vector<16xf32>
      %add3A_1402 = arith.constant 0.333333343 : f32
      %add3A_1403 = vector.broadcast %add3A_1402 : f32 to vector<16xf32>
      %add3A_1404 = arith.addf %mul3A_1401, %add3A_1403 : vector<16xf32>
      %mul3A_1405 = arith.mulf %add3A_1404, %mul3A_1390 : vector<16xf32>
      %add3A_1406 = arith.constant 1.000000e+00 : f32
      %add3A_1407 = vector.broadcast %add3A_1406 : f32 to vector<16xf32>
      %add3A_1408 = arith.addf %mul3A_1405, %add3A_1407 : vector<16xf32>
      %mul3A_1409 = arith.constant 2.000000e+00 : f32
      %mul3A_1410 = vector.broadcast %mul3A_1409 : f32 to vector<16xf32>
      %mul3A_1411 = arith.mulf %mul3A_1410, %div3A_1389 : vector<16xf32>
      %mul3A_1412 = arith.mulf %mul3A_1411, %add3A_1408 : vector<16xf32>
      %convert_element_type3A_1413 = arith.sitofp %sub3A_1375 : vector<16xi32> to vector<16xf32>
      %mul3A_1414 = arith.constant 0.693147182 : f32
      %mul3A_1415 = vector.broadcast %mul3A_1414 : f32 to vector<16xf32>
      %mul3A_1416 = arith.mulf %convert_element_type3A_1413, %mul3A_1415 : vector<16xf32>
      %add3A_1417 = arith.addf %mul3A_1416, %mul3A_1412 : vector<16xf32>
      %add3A_1418 = arith.addf %add3A_1346, %add3A_1417 : vector<16xf32>
      %add3A_1419 = arith.addf %add3A_1347, %sub3A_1364 : vector<16xf32>
      %get3A_1420 = arith.constant 1 : i32
      %get3A_1421 = arith.index_cast %get3A_1420 : i32 to index
      %get3A_1422 = arith.constant 96 : index
      %get3A_1423 = tpu.vector_load %arg11[%get3A_1421, %get3A_1422] {strides = array<i32>} : memref<2x128xf32, #tpu.memory_space<vmem>>, vector<1x16xf32>,
      %get3A_1424 = vector.shape_cast %get3A_1423 : vector<1x16xf32> to vector<16xf32>
      %add3A_1425 = arith.addf %add3A_1353, %get3A_1424 : vector<16xf32>
      %get3A_1426 = arith.constant 1 : i32
      %get3A_1427 = arith.index_cast %get3A_1426 : i32 to index
      %get3A_1428 = arith.constant 112 : index
      %get3A_1429 = tpu.vector_load %arg9[%get3A_1427, %get3A_1428] {strides = array<i32>} : memref<2x128xf32, #tpu.memory_space<vmem>>, vector<1x16xf32>,
      %get3A_1430 = vector.shape_cast %get3A_1429 : vector<1x16xf32> to vector<16xf32>
      %get3A_1431 = arith.constant 1 : i32
      %get3A_1432 = arith.index_cast %get3A_1431 : i32 to index
      %get3A_1433 = arith.constant 112 : index
      %get3A_1434 = tpu.vector_load %arg10[%get3A_1432, %get3A_1433] {strides = array<i32>} : memref<2x128xf32, #tpu.memory_space<vmem>>, vector<1x16xf32>,
      %get3A_1435 = vector.shape_cast %get3A_1434 : vector<1x16xf32> to vector<16xf32>
      %sub3A_1436 = arith.subf %get3A_1430, %get3A_1435 : vector<16xf32>
      %exp3A_1437 = math.exp %sub3A_1436 : vector<16xf32>
      %add3A_1438 = arith.constant 1.000000e+00 : f32
      %add3A_1439 = vector.broadcast %add3A_1438 : f32 to vector<16xf32>
      %add3A_1440 = arith.addf %add3A_1439, %exp3A_1437 : vector<16xf32>
      %bitcast_convert_type3A_1441 = tpu.bitcast %add3A_1440 : vector<16xf32> -> vector<16xi32>
      %shift_right_arithmetic3A_1442 = arith.constant 23 : i32
      %shift_right_arithmetic3A_1443 = vector.broadcast %shift_right_arithmetic3A_1442 : i32 to vector<16xi32>
      %shift_right_arithmetic3A_1444 = arith.shrsi %bitcast_convert_type3A_1441, %shift_right_arithmetic3A_1443 : vector<16xi32>
      %sub3A_1445 = arith.constant 127 : i32
      %sub3A_1446 = vector.broadcast %sub3A_1445 : i32 to vector<16xi32>
      %sub3A_1447 = arith.subi %shift_right_arithmetic3A_1444, %sub3A_1446 : vector<16xi32>
      %and3A_1448 = arith.constant 8388607 : i32
      %and3A_1449 = vector.broadcast %and3A_1448 : i32 to vector<16xi32>
      %and3A_1450 = arith.andi %bitcast_convert_type3A_1441, %and3A_1449 : vector<16xi32>
      %or3A_1451 = arith.constant 1065353216 : i32
      %or3A_1452 = vector.broadcast %or3A_1451 : i32 to vector<16xi32>
      %or3A_1453 = arith.ori %and3A_1450, %or3A_1452 : vector<16xi32>
      %bitcast_convert_type3A_1454 = tpu.bitcast %or3A_1453 : vector<16xi32> -> vector<16xf32>
      %sub3A_1455 = arith.constant 1.000000e+00 : f32
      %sub3A_1456 = vector.broadcast %sub3A_1455 : f32 to vector<16xf32>
      %sub3A_1457 = arith.subf %bitcast_convert_type3A_1454, %sub3A_1456 : vector<16xf32>
      %add3A_1458 = arith.constant 1.000000e+00 : f32
      %add3A_1459 = vector.broadcast %add3A_1458 : f32 to vector<16xf32>
      %add3A_1460 = arith.addf %bitcast_convert_type3A_1454, %add3A_1459 : vector<16xf32>
      %div3A_1461 = arith.divf %sub3A_1457, %add3A_1460 : vector<16xf32>
      %mul3A_1462 = arith.mulf %div3A_1461, %div3A_1461 : vector<16xf32>
      %mul3A_1463 = arith.constant 0.111111112 : f32
      %mul3A_1464 = vector.broadcast %mul3A_1463 : f32 to vector<16xf32>
      %mul3A_1465 = arith.mulf %mul3A_1464, %mul3A_1462 : vector<16xf32>
      %add3A_1466 = arith.constant 0.142857149 : f32
      %add3A_1467 = vector.broadcast %add3A_1466 : f32 to vector<16xf32>
      %add3A_1468 = arith.addf %mul3A_1465, %add3A_1467 : vector<16xf32>
      %mul3A_1469 = arith.mulf %add3A_1468, %mul3A_1462 : vector<16xf32>
      %add3A_1470 = arith.constant 2.000000e-01 : f32
      %add3A_1471 = vector.broadcast %add3A_1470 : f32 to vector<16xf32>
      %add3A_1472 = arith.addf %mul3A_1469, %add3A_1471 : vector<16xf32>
      %mul3A_1473 = arith.mulf %add3A_1472, %mul3A_1462 : vector<16xf32>
      %add3A_1474 = arith.constant 0.333333343 : f32
      %add3A_1475 = vector.broadcast %add3A_1474 : f32 to vector<16xf32>
      %add3A_1476 = arith.addf %mul3A_1473, %add3A_1475 : vector<16xf32>
      %mul3A_1477 = arith.mulf %add3A_1476, %mul3A_1462 : vector<16xf32>
      %add3A_1478 = arith.constant 1.000000e+00 : f32
      %add3A_1479 = vector.broadcast %add3A_1478 : f32 to vector<16xf32>
      %add3A_1480 = arith.addf %mul3A_1477, %add3A_1479 : vector<16xf32>
      %mul3A_1481 = arith.constant 2.000000e+00 : f32
      %mul3A_1482 = vector.broadcast %mul3A_1481 : f32 to vector<16xf32>
      %mul3A_1483 = arith.mulf %mul3A_1482, %div3A_1461 : vector<16xf32>
      %mul3A_1484 = arith.mulf %mul3A_1483, %add3A_1480 : vector<16xf32>
      %convert_element_type3A_1485 = arith.sitofp %sub3A_1447 : vector<16xi32> to vector<16xf32>
      %mul3A_1486 = arith.constant 0.693147182 : f32
      %mul3A_1487 = vector.broadcast %mul3A_1486 : f32 to vector<16xf32>
      %mul3A_1488 = arith.mulf %convert_element_type3A_1485, %mul3A_1487 : vector<16xf32>
      %add3A_1489 = arith.addf %mul3A_1488, %mul3A_1484 : vector<16xf32>
      %add3A_1490 = arith.addf %add3A_1418, %add3A_1489 : vector<16xf32>
      %add3A_1491 = arith.addf %add3A_1419, %sub3A_1436 : vector<16xf32>
      %get3A_1492 = arith.constant 1 : i32
      %get3A_1493 = arith.index_cast %get3A_1492 : i32 to index
      %get3A_1494 = arith.constant 112 : index
      %get3A_1495 = tpu.vector_load %arg11[%get3A_1493, %get3A_1494] {strides = array<i32>} : memref<2x128xf32, #tpu.memory_space<vmem>>, vector<1x16xf32>,
      %get3A_1496 = vector.shape_cast %get3A_1495 : vector<1x16xf32> to vector<16xf32>
      %add3A_1497 = arith.addf %add3A_1425, %get3A_1496 : vector<16xf32>
      %swap3A_1498 = arith.constant 0 : i32
      %swap3A_1499 = arith.index_cast %swap3A_1498 : i32 to index
      %swap3A_1500 = arith.constant 0 : index
      %swap3A_1501 = tpu.vector_load %arg12[%swap3A_1499, %swap3A_1500] {strides = array<i32>} : memref<4x16xf32, #tpu.memory_space<vmem>>, vector<1x16xf32>,
      %swap3A_1502 = vector.shape_cast %swap3A_1501 : vector<1x16xf32> to vector<16xf32>
      %swap3A_1503 = vector.shape_cast %add3A_1490 : vector<16xf32> to vector<1x16xf32>
      tpu.vector_store %arg12[%swap3A_1499, %swap3A_1500], %swap3A_1503 {strides = array<i32>} : memref<4x16xf32, #tpu.memory_space<vmem>>, vector<1x16xf32>,
      %swap3A_1504 = arith.constant 1 : i32
      %swap3A_1505 = arith.index_cast %swap3A_1504 : i32 to index
      %swap3A_1506 = arith.constant 0 : index
      %swap3A_1507 = tpu.vector_load %arg12[%swap3A_1505, %swap3A_1506] {strides = array<i32>} : memref<4x16xf32, #tpu.memory_space<vmem>>, vector<1x16xf32>,
      %swap3A_1508 = vector.shape_cast %swap3A_1507 : vector<1x16xf32> to vector<16xf32>
      %swap3A_1509 = vector.shape_cast %add3A_1491 : vector<16xf32> to vector<1x16xf32>
      tpu.vector_store %arg12[%swap3A_1505, %swap3A_1506], %swap3A_1509 {strides = array<i32>} : memref<4x16xf32, #tpu.memory_space<vmem>>, vector<1x16xf32>,
      %swap3A_1510 = arith.constant 2 : i32
      %swap3A_1511 = arith.index_cast %swap3A_1510 : i32 to index
      %swap3A_1512 = arith.constant 0 : index
      %swap3A_1513 = tpu.vector_load %arg12[%swap3A_1511, %swap3A_1512] {strides = array<i32>} : memref<4x16xf32, #tpu.memory_space<vmem>>, vector<1x16xf32>,
      %swap3A_1514 = vector.shape_cast %swap3A_1513 : vector<1x16xf32> to vector<16xf32>
      %swap3A_1515 = vector.shape_cast %add3A_1497 : vector<16xf32> to vector<1x16xf32>
      tpu.vector_store %arg12[%swap3A_1511, %swap3A_1512], %swap3A_1515 {strides = array<i32>} : memref<4x16xf32, #tpu.memory_space<vmem>>, vector<1x16xf32>,
      %broadcast_in_dim3A_1516 = arith.constant 0.000000e+00 : f32
      %broadcast_in_dim3A_1517 = vector.broadcast %broadcast_in_dim3A_1516 : f32 to vector<16xf32>
      %swap3A_1518 = arith.constant 3 : i32
      %swap3A_1519 = arith.index_cast %swap3A_1518 : i32 to index
      %swap3A_1520 = arith.constant 0 : index
      %swap3A_1521 = tpu.vector_load %arg12[%swap3A_1519, %swap3A_1520] {strides = array<i32>} : memref<4x16xf32, #tpu.memory_space<vmem>>, vector<1x16xf32>,
      %swap3A_1522 = vector.shape_cast %swap3A_1521 : vector<1x16xf32> to vector<16xf32>
      %swap3A_1523 = vector.shape_cast %broadcast_in_dim3A_1517 : vector<16xf32> to vector<1x16xf32>
      tpu.vector_store %arg12[%swap3A_1519, %swap3A_1520], %swap3A_1523 {strides = array<i32>} : memref<4x16xf32, #tpu.memory_space<vmem>>, vector<1x16xf32>,
      "tpu.region"() ({
        %run_scoped3A = tpu.sem_alloc : memref<!tpu.dma_semaphore, #tpu.memory_space<semaphore_mem>>
        %dma_start3A_1529 = arith.constant 0 : i32
        %dma_start3A_1530 = arith.constant 0 : i32
        %dma_start3A_1531 = tpu.memref_slice %arg14[%arg1, %dma_start3A_1529, %dma_start3A_1530] : memref<16x4x16xf32, #tpu.memory_space<hbm>> -> memref<1x4x16xf32, #tpu.memory_space<hbm>>
        %dma_start3A_1532 = tpu.memref_squeeze %dma_start3A_1531 : memref<1x4x16xf32, #tpu.memory_space<hbm>> -> memref<4x16xf32, #tpu.memory_space<hbm>>
        %dma_start3A_1533 = arith.constant 0 : i32
        %dma_start3A_1534 = arith.constant 0 : i32
        %dma_start3A_1535 = tpu.memref_slice %arg14[%arg1, %dma_start3A_1533, %dma_start3A_1534] : memref<16x4x16xf32, #tpu.memory_space<hbm>> -> memref<1x4x16xf32, #tpu.memory_space<hbm>>
        %dma_start3A_1536 = tpu.memref_squeeze %dma_start3A_1535 : memref<1x4x16xf32, #tpu.memory_space<hbm>> -> memref<4x16xf32, #tpu.memory_space<hbm>>
        tpu.enqueue_dma source(%arg12 : memref<4x16xf32, #tpu.memory_space<vmem>>) target(%dma_start3A_1536 : memref<4x16xf32, #tpu.memory_space<hbm>>) target_semaphore(%run_scoped3A : memref<!tpu.dma_semaphore, #tpu.memory_space<semaphore_mem>>)
        %dma_wait3A_1537 = arith.constant 0 : i32
        %dma_wait3A_1538 = arith.constant 0 : i32
        %dma_wait3A_1539 = tpu.memref_slice %arg14[%arg1, %dma_wait3A_1537, %dma_wait3A_1538] : memref<16x4x16xf32, #tpu.memory_space<hbm>> -> memref<1x4x16xf32, #tpu.memory_space<hbm>>
        %dma_wait3A_1540 = tpu.memref_squeeze %dma_wait3A_1539 : memref<1x4x16xf32, #tpu.memory_space<hbm>> -> memref<4x16xf32, #tpu.memory_space<hbm>>
        %dma_wait3A_1541 = arith.constant 0 : i32
        %dma_wait3A_1542 = arith.constant 0 : i32
        %dma_wait3A_1543 = tpu.memref_slice %arg14[%arg1, %dma_wait3A_1541, %dma_wait3A_1542] : memref<16x4x16xf32, #tpu.memory_space<hbm>> -> memref<1x4x16xf32, #tpu.memory_space<hbm>>
        %dma_wait3A_1544 = tpu.memref_squeeze %dma_wait3A_1543 : memref<1x4x16xf32, #tpu.memory_space<hbm>> -> memref<4x16xf32, #tpu.memory_space<hbm>>
        tpu.wait_dma2 semaphore(%run_scoped3A : memref<!tpu.dma_semaphore, #tpu.memory_space<semaphore_mem>>) src(%arg12 : memref<4x16xf32, #tpu.memory_space<vmem>>) dst(%dma_wait3A_1544 : memref<4x16xf32, #tpu.memory_space<hbm>>)
        tpu.yield
      }) : () -> ()
      %barrier3A = arith.constant 0 : index
      tpu.barrier barrier_id(%barrier3A)
      %eq3A_1524 = arith.constant 0 : i32
      %eq3A_1525 = arith.cmpi eq, %arg1, %eq3A_1524 : i32
      %convert_element_type3A_1526 = arith.extui %eq3A_1525 : i1 to i32
      %cond3A_1527 = arith.constant 0 : i32
      %cond3A_1528 = arith.cmpi ne, %convert_element_type3A_1526, %cond3A_1527 : i32
      scf.if %cond3A_1528 {
        "tpu.region"() ({
          %run_scoped3A = tpu.sem_alloc : memref<!tpu.dma_semaphore, #tpu.memory_space<semaphore_mem>>
          tpu.enqueue_dma source(%arg14 : memref<16x4x16xf32, #tpu.memory_space<hbm>>) target(%arg13 : memref<16x4x16xf32, #tpu.memory_space<vmem>>) target_semaphore(%run_scoped3A : memref<!tpu.dma_semaphore, #tpu.memory_space<semaphore_mem>>)
          tpu.wait_dma2 semaphore(%run_scoped3A : memref<!tpu.dma_semaphore, #tpu.memory_space<semaphore_mem>>) src(%arg14 : memref<16x4x16xf32, #tpu.memory_space<hbm>>) dst(%arg13 : memref<16x4x16xf32, #tpu.memory_space<vmem>>)
          tpu.yield
        }) : () -> ()
        %broadcast_in_dim3A_1529 = arith.constant 0.000000e+00 : f32
        %broadcast_in_dim3A_1530 = vector.broadcast %broadcast_in_dim3A_1529 : f32 to vector<16xf32>
        %broadcast_in_dim3A_1531 = arith.constant 0.000000e+00 : f32
        %broadcast_in_dim3A_1532 = vector.broadcast %broadcast_in_dim3A_1531 : f32 to vector<16xf32>
        %broadcast_in_dim3A_1533 = arith.constant 0.000000e+00 : f32
        %broadcast_in_dim3A_1534 = vector.broadcast %broadcast_in_dim3A_1533 : f32 to vector<16xf32>
        %get3A_1535 = arith.constant 0 : i32
        %get3A_1536 = arith.constant 0 : i32
        %get3A_1537 = arith.index_cast %get3A_1535 : i32 to index
        %get3A_1538 = arith.index_cast %get3A_1536 : i32 to index
        %get3A_1539 = arith.constant 0 : index
        %get3A_1540 = tpu.vector_load %arg13[%get3A_1537, %get3A_1538, %get3A_1539] {strides = array<i32>} : memref<16x4x16xf32, #tpu.memory_space<vmem>>, vector<1x1x16xf32>,
        %get3A_1541 = vector.shape_cast %get3A_1540 : vector<1x1x16xf32> to vector<16xf32>
        %add3A_1542 = arith.addf %broadcast_in_dim3A_1530, %get3A_1541 : vector<16xf32>
        %get3A_1543 = arith.constant 0 : i32
        %get3A_1544 = arith.constant 1 : i32
        %get3A_1545 = arith.index_cast %get3A_1543 : i32 to index
        %get3A_1546 = arith.index_cast %get3A_1544 : i32 to index
        %get3A_1547 = arith.constant 0 : index
        %get3A_1548 = tpu.vector_load %arg13[%get3A_1545, %get3A_1546, %get3A_1547] {strides = array<i32>} : memref<16x4x16xf32, #tpu.memory_space<vmem>>, vector<1x1x16xf32>,
        %get3A_1549 = vector.shape_cast %get3A_1548 : vector<1x1x16xf32> to vector<16xf32>
        %add3A_1550 = arith.addf %broadcast_in_dim3A_1532, %get3A_1549 : vector<16xf32>
        %get3A_1551 = arith.constant 0 : i32
        %get3A_1552 = arith.constant 2 : i32
        %get3A_1553 = arith.index_cast %get3A_1551 : i32 to index
        %get3A_1554 = arith.index_cast %get3A_1552 : i32 to index
        %get3A_1555 = arith.constant 0 : index
        %get3A_1556 = tpu.vector_load %arg13[%get3A_1553, %get3A_1554, %get3A_1555] {strides = array<i32>} : memref<16x4x16xf32, #tpu.memory_space<vmem>>, vector<1x1x16xf32>,
        %get3A_1557 = vector.shape_cast %get3A_1556 : vector<1x1x16xf32> to vector<16xf32>
        %add3A_1558 = arith.addf %broadcast_in_dim3A_1534, %get3A_1557 : vector<16xf32>
        %get3A_1559 = arith.constant 1 : i32
        %get3A_1560 = arith.constant 0 : i32
        %get3A_1561 = arith.index_cast %get3A_1559 : i32 to index
        %get3A_1562 = arith.index_cast %get3A_1560 : i32 to index
        %get3A_1563 = arith.constant 0 : index
        %get3A_1564 = tpu.vector_load %arg13[%get3A_1561, %get3A_1562, %get3A_1563] {strides = array<i32>} : memref<16x4x16xf32, #tpu.memory_space<vmem>>, vector<1x1x16xf32>,
        %get3A_1565 = vector.shape_cast %get3A_1564 : vector<1x1x16xf32> to vector<16xf32>
        %add3A_1566 = arith.addf %add3A_1542, %get3A_1565 : vector<16xf32>
        %get3A_1567 = arith.constant 1 : i32
        %get3A_1568 = arith.constant 1 : i32
        %get3A_1569 = arith.index_cast %get3A_1567 : i32 to index
        %get3A_1570 = arith.index_cast %get3A_1568 : i32 to index
        %get3A_1571 = arith.constant 0 : index
        %get3A_1572 = tpu.vector_load %arg13[%get3A_1569, %get3A_1570, %get3A_1571] {strides = array<i32>} : memref<16x4x16xf32, #tpu.memory_space<vmem>>, vector<1x1x16xf32>,
        %get3A_1573 = vector.shape_cast %get3A_1572 : vector<1x1x16xf32> to vector<16xf32>
        %add3A_1574 = arith.addf %add3A_1550, %get3A_1573 : vector<16xf32>
        %get3A_1575 = arith.constant 1 : i32
        %get3A_1576 = arith.constant 2 : i32
        %get3A_1577 = arith.index_cast %get3A_1575 : i32 to index
        %get3A_1578 = arith.index_cast %get3A_1576 : i32 to index
        %get3A_1579 = arith.constant 0 : index
        %get3A_1580 = tpu.vector_load %arg13[%get3A_1577, %get3A_1578, %get3A_1579] {strides = array<i32>} : memref<16x4x16xf32, #tpu.memory_space<vmem>>, vector<1x1x16xf32>,
        %get3A_1581 = vector.shape_cast %get3A_1580 : vector<1x1x16xf32> to vector<16xf32>
        %add3A_1582 = arith.addf %add3A_1558, %get3A_1581 : vector<16xf32>
        %get3A_1583 = arith.constant 2 : i32
        %get3A_1584 = arith.constant 0 : i32
        %get3A_1585 = arith.index_cast %get3A_1583 : i32 to index
        %get3A_1586 = arith.index_cast %get3A_1584 : i32 to index
        %get3A_1587 = arith.constant 0 : index
        %get3A_1588 = tpu.vector_load %arg13[%get3A_1585, %get3A_1586, %get3A_1587] {strides = array<i32>} : memref<16x4x16xf32, #tpu.memory_space<vmem>>, vector<1x1x16xf32>,
        %get3A_1589 = vector.shape_cast %get3A_1588 : vector<1x1x16xf32> to vector<16xf32>
        %add3A_1590 = arith.addf %add3A_1566, %get3A_1589 : vector<16xf32>
        %get3A_1591 = arith.constant 2 : i32
        %get3A_1592 = arith.constant 1 : i32
        %get3A_1593 = arith.index_cast %get3A_1591 : i32 to index
        %get3A_1594 = arith.index_cast %get3A_1592 : i32 to index
        %get3A_1595 = arith.constant 0 : index
        %get3A_1596 = tpu.vector_load %arg13[%get3A_1593, %get3A_1594, %get3A_1595] {strides = array<i32>} : memref<16x4x16xf32, #tpu.memory_space<vmem>>, vector<1x1x16xf32>,
        %get3A_1597 = vector.shape_cast %get3A_1596 : vector<1x1x16xf32> to vector<16xf32>
        %add3A_1598 = arith.addf %add3A_1574, %get3A_1597 : vector<16xf32>
        %get3A_1599 = arith.constant 2 : i32
        %get3A_1600 = arith.constant 2 : i32
        %get3A_1601 = arith.index_cast %get3A_1599 : i32 to index
        %get3A_1602 = arith.index_cast %get3A_1600 : i32 to index
        %get3A_1603 = arith.constant 0 : index
        %get3A_1604 = tpu.vector_load %arg13[%get3A_1601, %get3A_1602, %get3A_1603] {strides = array<i32>} : memref<16x4x16xf32, #tpu.memory_space<vmem>>, vector<1x1x16xf32>,
        %get3A_1605 = vector.shape_cast %get3A_1604 : vector<1x1x16xf32> to vector<16xf32>
        %add3A_1606 = arith.addf %add3A_1582, %get3A_1605 : vector<16xf32>
        %get3A_1607 = arith.constant 3 : i32
        %get3A_1608 = arith.constant 0 : i32
        %get3A_1609 = arith.index_cast %get3A_1607 : i32 to index
        %get3A_1610 = arith.index_cast %get3A_1608 : i32 to index
        %get3A_1611 = arith.constant 0 : index
        %get3A_1612 = tpu.vector_load %arg13[%get3A_1609, %get3A_1610, %get3A_1611] {strides = array<i32>} : memref<16x4x16xf32, #tpu.memory_space<vmem>>, vector<1x1x16xf32>,
        %get3A_1613 = vector.shape_cast %get3A_1612 : vector<1x1x16xf32> to vector<16xf32>
        %add3A_1614 = arith.addf %add3A_1590, %get3A_1613 : vector<16xf32>
        %get3A_1615 = arith.constant 3 : i32
        %get3A_1616 = arith.constant 1 : i32
        %get3A_1617 = arith.index_cast %get3A_1615 : i32 to index
        %get3A_1618 = arith.index_cast %get3A_1616 : i32 to index
        %get3A_1619 = arith.constant 0 : index
        %get3A_1620 = tpu.vector_load %arg13[%get3A_1617, %get3A_1618, %get3A_1619] {strides = array<i32>} : memref<16x4x16xf32, #tpu.memory_space<vmem>>, vector<1x1x16xf32>,
        %get3A_1621 = vector.shape_cast %get3A_1620 : vector<1x1x16xf32> to vector<16xf32>
        %add3A_1622 = arith.addf %add3A_1598, %get3A_1621 : vector<16xf32>
        %get3A_1623 = arith.constant 3 : i32
        %get3A_1624 = arith.constant 2 : i32
        %get3A_1625 = arith.index_cast %get3A_1623 : i32 to index
        %get3A_1626 = arith.index_cast %get3A_1624 : i32 to index
        %get3A_1627 = arith.constant 0 : index
        %get3A_1628 = tpu.vector_load %arg13[%get3A_1625, %get3A_1626, %get3A_1627] {strides = array<i32>} : memref<16x4x16xf32, #tpu.memory_space<vmem>>, vector<1x1x16xf32>,
        %get3A_1629 = vector.shape_cast %get3A_1628 : vector<1x1x16xf32> to vector<16xf32>
        %add3A_1630 = arith.addf %add3A_1606, %get3A_1629 : vector<16xf32>
        %get3A_1631 = arith.constant 4 : i32
        %get3A_1632 = arith.constant 0 : i32
        %get3A_1633 = arith.index_cast %get3A_1631 : i32 to index
        %get3A_1634 = arith.index_cast %get3A_1632 : i32 to index
        %get3A_1635 = arith.constant 0 : index
        %get3A_1636 = tpu.vector_load %arg13[%get3A_1633, %get3A_1634, %get3A_1635] {strides = array<i32>} : memref<16x4x16xf32, #tpu.memory_space<vmem>>, vector<1x1x16xf32>,
        %get3A_1637 = vector.shape_cast %get3A_1636 : vector<1x1x16xf32> to vector<16xf32>
        %add3A_1638 = arith.addf %add3A_1614, %get3A_1637 : vector<16xf32>
        %get3A_1639 = arith.constant 4 : i32
        %get3A_1640 = arith.constant 1 : i32
        %get3A_1641 = arith.index_cast %get3A_1639 : i32 to index
        %get3A_1642 = arith.index_cast %get3A_1640 : i32 to index
        %get3A_1643 = arith.constant 0 : index
        %get3A_1644 = tpu.vector_load %arg13[%get3A_1641, %get3A_1642, %get3A_1643] {strides = array<i32>} : memref<16x4x16xf32, #tpu.memory_space<vmem>>, vector<1x1x16xf32>,
        %get3A_1645 = vector.shape_cast %get3A_1644 : vector<1x1x16xf32> to vector<16xf32>
        %add3A_1646 = arith.addf %add3A_1622, %get3A_1645 : vector<16xf32>
        %get3A_1647 = arith.constant 4 : i32
        %get3A_1648 = arith.constant 2 : i32
        %get3A_1649 = arith.index_cast %get3A_1647 : i32 to index
        %get3A_1650 = arith.index_cast %get3A_1648 : i32 to index
        %get3A_1651 = arith.constant 0 : index
        %get3A_1652 = tpu.vector_load %arg13[%get3A_1649, %get3A_1650, %get3A_1651] {strides = array<i32>} : memref<16x4x16xf32, #tpu.memory_space<vmem>>, vector<1x1x16xf32>,
        %get3A_1653 = vector.shape_cast %get3A_1652 : vector<1x1x16xf32> to vector<16xf32>
        %add3A_1654 = arith.addf %add3A_1630, %get3A_1653 : vector<16xf32>
        %get3A_1655 = arith.constant 5 : i32
        %get3A_1656 = arith.constant 0 : i32
        %get3A_1657 = arith.index_cast %get3A_1655 : i32 to index
        %get3A_1658 = arith.index_cast %get3A_1656 : i32 to index
        %get3A_1659 = arith.constant 0 : index
        %get3A_1660 = tpu.vector_load %arg13[%get3A_1657, %get3A_1658, %get3A_1659] {strides = array<i32>} : memref<16x4x16xf32, #tpu.memory_space<vmem>>, vector<1x1x16xf32>,
        %get3A_1661 = vector.shape_cast %get3A_1660 : vector<1x1x16xf32> to vector<16xf32>
        %add3A_1662 = arith.addf %add3A_1638, %get3A_1661 : vector<16xf32>
        %get3A_1663 = arith.constant 5 : i32
        %get3A_1664 = arith.constant 1 : i32
        %get3A_1665 = arith.index_cast %get3A_1663 : i32 to index
        %get3A_1666 = arith.index_cast %get3A_1664 : i32 to index
        %get3A_1667 = arith.constant 0 : index
        %get3A_1668 = tpu.vector_load %arg13[%get3A_1665, %get3A_1666, %get3A_1667] {strides = array<i32>} : memref<16x4x16xf32, #tpu.memory_space<vmem>>, vector<1x1x16xf32>,
        %get3A_1669 = vector.shape_cast %get3A_1668 : vector<1x1x16xf32> to vector<16xf32>
        %add3A_1670 = arith.addf %add3A_1646, %get3A_1669 : vector<16xf32>
        %get3A_1671 = arith.constant 5 : i32
        %get3A_1672 = arith.constant 2 : i32
        %get3A_1673 = arith.index_cast %get3A_1671 : i32 to index
        %get3A_1674 = arith.index_cast %get3A_1672 : i32 to index
        %get3A_1675 = arith.constant 0 : index
        %get3A_1676 = tpu.vector_load %arg13[%get3A_1673, %get3A_1674, %get3A_1675] {strides = array<i32>} : memref<16x4x16xf32, #tpu.memory_space<vmem>>, vector<1x1x16xf32>,
        %get3A_1677 = vector.shape_cast %get3A_1676 : vector<1x1x16xf32> to vector<16xf32>
        %add3A_1678 = arith.addf %add3A_1654, %get3A_1677 : vector<16xf32>
        %get3A_1679 = arith.constant 6 : i32
        %get3A_1680 = arith.constant 0 : i32
        %get3A_1681 = arith.index_cast %get3A_1679 : i32 to index
        %get3A_1682 = arith.index_cast %get3A_1680 : i32 to index
        %get3A_1683 = arith.constant 0 : index
        %get3A_1684 = tpu.vector_load %arg13[%get3A_1681, %get3A_1682, %get3A_1683] {strides = array<i32>} : memref<16x4x16xf32, #tpu.memory_space<vmem>>, vector<1x1x16xf32>,
        %get3A_1685 = vector.shape_cast %get3A_1684 : vector<1x1x16xf32> to vector<16xf32>
        %add3A_1686 = arith.addf %add3A_1662, %get3A_1685 : vector<16xf32>
        %get3A_1687 = arith.constant 6 : i32
        %get3A_1688 = arith.constant 1 : i32
        %get3A_1689 = arith.index_cast %get3A_1687 : i32 to index
        %get3A_1690 = arith.index_cast %get3A_1688 : i32 to index
        %get3A_1691 = arith.constant 0 : index
        %get3A_1692 = tpu.vector_load %arg13[%get3A_1689, %get3A_1690, %get3A_1691] {strides = array<i32>} : memref<16x4x16xf32, #tpu.memory_space<vmem>>, vector<1x1x16xf32>,
        %get3A_1693 = vector.shape_cast %get3A_1692 : vector<1x1x16xf32> to vector<16xf32>
        %add3A_1694 = arith.addf %add3A_1670, %get3A_1693 : vector<16xf32>
        %get3A_1695 = arith.constant 6 : i32
        %get3A_1696 = arith.constant 2 : i32
        %get3A_1697 = arith.index_cast %get3A_1695 : i32 to index
        %get3A_1698 = arith.index_cast %get3A_1696 : i32 to index
        %get3A_1699 = arith.constant 0 : index
        %get3A_1700 = tpu.vector_load %arg13[%get3A_1697, %get3A_1698, %get3A_1699] {strides = array<i32>} : memref<16x4x16xf32, #tpu.memory_space<vmem>>, vector<1x1x16xf32>,
        %get3A_1701 = vector.shape_cast %get3A_1700 : vector<1x1x16xf32> to vector<16xf32>
        %add3A_1702 = arith.addf %add3A_1678, %get3A_1701 : vector<16xf32>
        %get3A_1703 = arith.constant 7 : i32
        %get3A_1704 = arith.constant 0 : i32
        %get3A_1705 = arith.index_cast %get3A_1703 : i32 to index
        %get3A_1706 = arith.index_cast %get3A_1704 : i32 to index
        %get3A_1707 = arith.constant 0 : index
        %get3A_1708 = tpu.vector_load %arg13[%get3A_1705, %get3A_1706, %get3A_1707] {strides = array<i32>} : memref<16x4x16xf32, #tpu.memory_space<vmem>>, vector<1x1x16xf32>,
        %get3A_1709 = vector.shape_cast %get3A_1708 : vector<1x1x16xf32> to vector<16xf32>
        %add3A_1710 = arith.addf %add3A_1686, %get3A_1709 : vector<16xf32>
        %get3A_1711 = arith.constant 7 : i32
        %get3A_1712 = arith.constant 1 : i32
        %get3A_1713 = arith.index_cast %get3A_1711 : i32 to index
        %get3A_1714 = arith.index_cast %get3A_1712 : i32 to index
        %get3A_1715 = arith.constant 0 : index
        %get3A_1716 = tpu.vector_load %arg13[%get3A_1713, %get3A_1714, %get3A_1715] {strides = array<i32>} : memref<16x4x16xf32, #tpu.memory_space<vmem>>, vector<1x1x16xf32>,
        %get3A_1717 = vector.shape_cast %get3A_1716 : vector<1x1x16xf32> to vector<16xf32>
        %add3A_1718 = arith.addf %add3A_1694, %get3A_1717 : vector<16xf32>
        %get3A_1719 = arith.constant 7 : i32
        %get3A_1720 = arith.constant 2 : i32
        %get3A_1721 = arith.index_cast %get3A_1719 : i32 to index
        %get3A_1722 = arith.index_cast %get3A_1720 : i32 to index
        %get3A_1723 = arith.constant 0 : index
        %get3A_1724 = tpu.vector_load %arg13[%get3A_1721, %get3A_1722, %get3A_1723] {strides = array<i32>} : memref<16x4x16xf32, #tpu.memory_space<vmem>>, vector<1x1x16xf32>,
        %get3A_1725 = vector.shape_cast %get3A_1724 : vector<1x1x16xf32> to vector<16xf32>
        %add3A_1726 = arith.addf %add3A_1702, %get3A_1725 : vector<16xf32>
        %get3A_1727 = arith.constant 8 : i32
        %get3A_1728 = arith.constant 0 : i32
        %get3A_1729 = arith.index_cast %get3A_1727 : i32 to index
        %get3A_1730 = arith.index_cast %get3A_1728 : i32 to index
        %get3A_1731 = arith.constant 0 : index
        %get3A_1732 = tpu.vector_load %arg13[%get3A_1729, %get3A_1730, %get3A_1731] {strides = array<i32>} : memref<16x4x16xf32, #tpu.memory_space<vmem>>, vector<1x1x16xf32>,
        %get3A_1733 = vector.shape_cast %get3A_1732 : vector<1x1x16xf32> to vector<16xf32>
        %add3A_1734 = arith.addf %add3A_1710, %get3A_1733 : vector<16xf32>
        %get3A_1735 = arith.constant 8 : i32
        %get3A_1736 = arith.constant 1 : i32
        %get3A_1737 = arith.index_cast %get3A_1735 : i32 to index
        %get3A_1738 = arith.index_cast %get3A_1736 : i32 to index
        %get3A_1739 = arith.constant 0 : index
        %get3A_1740 = tpu.vector_load %arg13[%get3A_1737, %get3A_1738, %get3A_1739] {strides = array<i32>} : memref<16x4x16xf32, #tpu.memory_space<vmem>>, vector<1x1x16xf32>,
        %get3A_1741 = vector.shape_cast %get3A_1740 : vector<1x1x16xf32> to vector<16xf32>
        %add3A_1742 = arith.addf %add3A_1718, %get3A_1741 : vector<16xf32>
        %get3A_1743 = arith.constant 8 : i32
        %get3A_1744 = arith.constant 2 : i32
        %get3A_1745 = arith.index_cast %get3A_1743 : i32 to index
        %get3A_1746 = arith.index_cast %get3A_1744 : i32 to index
        %get3A_1747 = arith.constant 0 : index
        %get3A_1748 = tpu.vector_load %arg13[%get3A_1745, %get3A_1746, %get3A_1747] {strides = array<i32>} : memref<16x4x16xf32, #tpu.memory_space<vmem>>, vector<1x1x16xf32>,
        %get3A_1749 = vector.shape_cast %get3A_1748 : vector<1x1x16xf32> to vector<16xf32>
        %add3A_1750 = arith.addf %add3A_1726, %get3A_1749 : vector<16xf32>
        %get3A_1751 = arith.constant 9 : i32
        %get3A_1752 = arith.constant 0 : i32
        %get3A_1753 = arith.index_cast %get3A_1751 : i32 to index
        %get3A_1754 = arith.index_cast %get3A_1752 : i32 to index
        %get3A_1755 = arith.constant 0 : index
        %get3A_1756 = tpu.vector_load %arg13[%get3A_1753, %get3A_1754, %get3A_1755] {strides = array<i32>} : memref<16x4x16xf32, #tpu.memory_space<vmem>>, vector<1x1x16xf32>,
        %get3A_1757 = vector.shape_cast %get3A_1756 : vector<1x1x16xf32> to vector<16xf32>
        %add3A_1758 = arith.addf %add3A_1734, %get3A_1757 : vector<16xf32>
        %get3A_1759 = arith.constant 9 : i32
        %get3A_1760 = arith.constant 1 : i32
        %get3A_1761 = arith.index_cast %get3A_1759 : i32 to index
        %get3A_1762 = arith.index_cast %get3A_1760 : i32 to index
        %get3A_1763 = arith.constant 0 : index
        %get3A_1764 = tpu.vector_load %arg13[%get3A_1761, %get3A_1762, %get3A_1763] {strides = array<i32>} : memref<16x4x16xf32, #tpu.memory_space<vmem>>, vector<1x1x16xf32>,
        %get3A_1765 = vector.shape_cast %get3A_1764 : vector<1x1x16xf32> to vector<16xf32>
        %add3A_1766 = arith.addf %add3A_1742, %get3A_1765 : vector<16xf32>
        %get3A_1767 = arith.constant 9 : i32
        %get3A_1768 = arith.constant 2 : i32
        %get3A_1769 = arith.index_cast %get3A_1767 : i32 to index
        %get3A_1770 = arith.index_cast %get3A_1768 : i32 to index
        %get3A_1771 = arith.constant 0 : index
        %get3A_1772 = tpu.vector_load %arg13[%get3A_1769, %get3A_1770, %get3A_1771] {strides = array<i32>} : memref<16x4x16xf32, #tpu.memory_space<vmem>>, vector<1x1x16xf32>,
        %get3A_1773 = vector.shape_cast %get3A_1772 : vector<1x1x16xf32> to vector<16xf32>
        %add3A_1774 = arith.addf %add3A_1750, %get3A_1773 : vector<16xf32>
        %get3A_1775 = arith.constant 10 : i32
        %get3A_1776 = arith.constant 0 : i32
        %get3A_1777 = arith.index_cast %get3A_1775 : i32 to index
        %get3A_1778 = arith.index_cast %get3A_1776 : i32 to index
        %get3A_1779 = arith.constant 0 : index
        %get3A_1780 = tpu.vector_load %arg13[%get3A_1777, %get3A_1778, %get3A_1779] {strides = array<i32>} : memref<16x4x16xf32, #tpu.memory_space<vmem>>, vector<1x1x16xf32>,
        %get3A_1781 = vector.shape_cast %get3A_1780 : vector<1x1x16xf32> to vector<16xf32>
        %add3A_1782 = arith.addf %add3A_1758, %get3A_1781 : vector<16xf32>
        %get3A_1783 = arith.constant 10 : i32
        %get3A_1784 = arith.constant 1 : i32
        %get3A_1785 = arith.index_cast %get3A_1783 : i32 to index
        %get3A_1786 = arith.index_cast %get3A_1784 : i32 to index
        %get3A_1787 = arith.constant 0 : index
        %get3A_1788 = tpu.vector_load %arg13[%get3A_1785, %get3A_1786, %get3A_1787] {strides = array<i32>} : memref<16x4x16xf32, #tpu.memory_space<vmem>>, vector<1x1x16xf32>,
        %get3A_1789 = vector.shape_cast %get3A_1788 : vector<1x1x16xf32> to vector<16xf32>
        %add3A_1790 = arith.addf %add3A_1766, %get3A_1789 : vector<16xf32>
        %get3A_1791 = arith.constant 10 : i32
        %get3A_1792 = arith.constant 2 : i32
        %get3A_1793 = arith.index_cast %get3A_1791 : i32 to index
        %get3A_1794 = arith.index_cast %get3A_1792 : i32 to index
        %get3A_1795 = arith.constant 0 : index
        %get3A_1796 = tpu.vector_load %arg13[%get3A_1793, %get3A_1794, %get3A_1795] {strides = array<i32>} : memref<16x4x16xf32, #tpu.memory_space<vmem>>, vector<1x1x16xf32>,
        %get3A_1797 = vector.shape_cast %get3A_1796 : vector<1x1x16xf32> to vector<16xf32>
        %add3A_1798 = arith.addf %add3A_1774, %get3A_1797 : vector<16xf32>
        %get3A_1799 = arith.constant 11 : i32
        %get3A_1800 = arith.constant 0 : i32
        %get3A_1801 = arith.index_cast %get3A_1799 : i32 to index
        %get3A_1802 = arith.index_cast %get3A_1800 : i32 to index
        %get3A_1803 = arith.constant 0 : index
        %get3A_1804 = tpu.vector_load %arg13[%get3A_1801, %get3A_1802, %get3A_1803] {strides = array<i32>} : memref<16x4x16xf32, #tpu.memory_space<vmem>>, vector<1x1x16xf32>,
        %get3A_1805 = vector.shape_cast %get3A_1804 : vector<1x1x16xf32> to vector<16xf32>
        %add3A_1806 = arith.addf %add3A_1782, %get3A_1805 : vector<16xf32>
        %get3A_1807 = arith.constant 11 : i32
        %get3A_1808 = arith.constant 1 : i32
        %get3A_1809 = arith.index_cast %get3A_1807 : i32 to index
        %get3A_1810 = arith.index_cast %get3A_1808 : i32 to index
        %get3A_1811 = arith.constant 0 : index
        %get3A_1812 = tpu.vector_load %arg13[%get3A_1809, %get3A_1810, %get3A_1811] {strides = array<i32>} : memref<16x4x16xf32, #tpu.memory_space<vmem>>, vector<1x1x16xf32>,
        %get3A_1813 = vector.shape_cast %get3A_1812 : vector<1x1x16xf32> to vector<16xf32>
        %add3A_1814 = arith.addf %add3A_1790, %get3A_1813 : vector<16xf32>
        %get3A_1815 = arith.constant 11 : i32
        %get3A_1816 = arith.constant 2 : i32
        %get3A_1817 = arith.index_cast %get3A_1815 : i32 to index
        %get3A_1818 = arith.index_cast %get3A_1816 : i32 to index
        %get3A_1819 = arith.constant 0 : index
        %get3A_1820 = tpu.vector_load %arg13[%get3A_1817, %get3A_1818, %get3A_1819] {strides = array<i32>} : memref<16x4x16xf32, #tpu.memory_space<vmem>>, vector<1x1x16xf32>,
        %get3A_1821 = vector.shape_cast %get3A_1820 : vector<1x1x16xf32> to vector<16xf32>
        %add3A_1822 = arith.addf %add3A_1798, %get3A_1821 : vector<16xf32>
        %get3A_1823 = arith.constant 12 : i32
        %get3A_1824 = arith.constant 0 : i32
        %get3A_1825 = arith.index_cast %get3A_1823 : i32 to index
        %get3A_1826 = arith.index_cast %get3A_1824 : i32 to index
        %get3A_1827 = arith.constant 0 : index
        %get3A_1828 = tpu.vector_load %arg13[%get3A_1825, %get3A_1826, %get3A_1827] {strides = array<i32>} : memref<16x4x16xf32, #tpu.memory_space<vmem>>, vector<1x1x16xf32>,
        %get3A_1829 = vector.shape_cast %get3A_1828 : vector<1x1x16xf32> to vector<16xf32>
        %add3A_1830 = arith.addf %add3A_1806, %get3A_1829 : vector<16xf32>
        %get3A_1831 = arith.constant 12 : i32
        %get3A_1832 = arith.constant 1 : i32
        %get3A_1833 = arith.index_cast %get3A_1831 : i32 to index
        %get3A_1834 = arith.index_cast %get3A_1832 : i32 to index
        %get3A_1835 = arith.constant 0 : index
        %get3A_1836 = tpu.vector_load %arg13[%get3A_1833, %get3A_1834, %get3A_1835] {strides = array<i32>} : memref<16x4x16xf32, #tpu.memory_space<vmem>>, vector<1x1x16xf32>,
        %get3A_1837 = vector.shape_cast %get3A_1836 : vector<1x1x16xf32> to vector<16xf32>
        %add3A_1838 = arith.addf %add3A_1814, %get3A_1837 : vector<16xf32>
        %get3A_1839 = arith.constant 12 : i32
        %get3A_1840 = arith.constant 2 : i32
        %get3A_1841 = arith.index_cast %get3A_1839 : i32 to index
        %get3A_1842 = arith.index_cast %get3A_1840 : i32 to index
        %get3A_1843 = arith.constant 0 : index
        %get3A_1844 = tpu.vector_load %arg13[%get3A_1841, %get3A_1842, %get3A_1843] {strides = array<i32>} : memref<16x4x16xf32, #tpu.memory_space<vmem>>, vector<1x1x16xf32>,
        %get3A_1845 = vector.shape_cast %get3A_1844 : vector<1x1x16xf32> to vector<16xf32>
        %add3A_1846 = arith.addf %add3A_1822, %get3A_1845 : vector<16xf32>
        %get3A_1847 = arith.constant 13 : i32
        %get3A_1848 = arith.constant 0 : i32
        %get3A_1849 = arith.index_cast %get3A_1847 : i32 to index
        %get3A_1850 = arith.index_cast %get3A_1848 : i32 to index
        %get3A_1851 = arith.constant 0 : index
        %get3A_1852 = tpu.vector_load %arg13[%get3A_1849, %get3A_1850, %get3A_1851] {strides = array<i32>} : memref<16x4x16xf32, #tpu.memory_space<vmem>>, vector<1x1x16xf32>,
        %get3A_1853 = vector.shape_cast %get3A_1852 : vector<1x1x16xf32> to vector<16xf32>
        %add3A_1854 = arith.addf %add3A_1830, %get3A_1853 : vector<16xf32>
        %get3A_1855 = arith.constant 13 : i32
        %get3A_1856 = arith.constant 1 : i32
        %get3A_1857 = arith.index_cast %get3A_1855 : i32 to index
        %get3A_1858 = arith.index_cast %get3A_1856 : i32 to index
        %get3A_1859 = arith.constant 0 : index
        %get3A_1860 = tpu.vector_load %arg13[%get3A_1857, %get3A_1858, %get3A_1859] {strides = array<i32>} : memref<16x4x16xf32, #tpu.memory_space<vmem>>, vector<1x1x16xf32>,
        %get3A_1861 = vector.shape_cast %get3A_1860 : vector<1x1x16xf32> to vector<16xf32>
        %add3A_1862 = arith.addf %add3A_1838, %get3A_1861 : vector<16xf32>
        %get3A_1863 = arith.constant 13 : i32
        %get3A_1864 = arith.constant 2 : i32
        %get3A_1865 = arith.index_cast %get3A_1863 : i32 to index
        %get3A_1866 = arith.index_cast %get3A_1864 : i32 to index
        %get3A_1867 = arith.constant 0 : index
        %get3A_1868 = tpu.vector_load %arg13[%get3A_1865, %get3A_1866, %get3A_1867] {strides = array<i32>} : memref<16x4x16xf32, #tpu.memory_space<vmem>>, vector<1x1x16xf32>,
        %get3A_1869 = vector.shape_cast %get3A_1868 : vector<1x1x16xf32> to vector<16xf32>
        %add3A_1870 = arith.addf %add3A_1846, %get3A_1869 : vector<16xf32>
        %get3A_1871 = arith.constant 14 : i32
        %get3A_1872 = arith.constant 0 : i32
        %get3A_1873 = arith.index_cast %get3A_1871 : i32 to index
        %get3A_1874 = arith.index_cast %get3A_1872 : i32 to index
        %get3A_1875 = arith.constant 0 : index
        %get3A_1876 = tpu.vector_load %arg13[%get3A_1873, %get3A_1874, %get3A_1875] {strides = array<i32>} : memref<16x4x16xf32, #tpu.memory_space<vmem>>, vector<1x1x16xf32>,
        %get3A_1877 = vector.shape_cast %get3A_1876 : vector<1x1x16xf32> to vector<16xf32>
        %add3A_1878 = arith.addf %add3A_1854, %get3A_1877 : vector<16xf32>
        %get3A_1879 = arith.constant 14 : i32
        %get3A_1880 = arith.constant 1 : i32
        %get3A_1881 = arith.index_cast %get3A_1879 : i32 to index
        %get3A_1882 = arith.index_cast %get3A_1880 : i32 to index
        %get3A_1883 = arith.constant 0 : index
        %get3A_1884 = tpu.vector_load %arg13[%get3A_1881, %get3A_1882, %get3A_1883] {strides = array<i32>} : memref<16x4x16xf32, #tpu.memory_space<vmem>>, vector<1x1x16xf32>,
        %get3A_1885 = vector.shape_cast %get3A_1884 : vector<1x1x16xf32> to vector<16xf32>
        %add3A_1886 = arith.addf %add3A_1862, %get3A_1885 : vector<16xf32>
        %get3A_1887 = arith.constant 14 : i32
        %get3A_1888 = arith.constant 2 : i32
        %get3A_1889 = arith.index_cast %get3A_1887 : i32 to index
        %get3A_1890 = arith.index_cast %get3A_1888 : i32 to index
        %get3A_1891 = arith.constant 0 : index
        %get3A_1892 = tpu.vector_load %arg13[%get3A_1889, %get3A_1890, %get3A_1891] {strides = array<i32>} : memref<16x4x16xf32, #tpu.memory_space<vmem>>, vector<1x1x16xf32>,
        %get3A_1893 = vector.shape_cast %get3A_1892 : vector<1x1x16xf32> to vector<16xf32>
        %add3A_1894 = arith.addf %add3A_1870, %get3A_1893 : vector<16xf32>
        %get3A_1895 = arith.constant 15 : i32
        %get3A_1896 = arith.constant 0 : i32
        %get3A_1897 = arith.index_cast %get3A_1895 : i32 to index
        %get3A_1898 = arith.index_cast %get3A_1896 : i32 to index
        %get3A_1899 = arith.constant 0 : index
        %get3A_1900 = tpu.vector_load %arg13[%get3A_1897, %get3A_1898, %get3A_1899] {strides = array<i32>} : memref<16x4x16xf32, #tpu.memory_space<vmem>>, vector<1x1x16xf32>,
        %get3A_1901 = vector.shape_cast %get3A_1900 : vector<1x1x16xf32> to vector<16xf32>
        %add3A_1902 = arith.addf %add3A_1878, %get3A_1901 : vector<16xf32>
        %get3A_1903 = arith.constant 15 : i32
        %get3A_1904 = arith.constant 1 : i32
        %get3A_1905 = arith.index_cast %get3A_1903 : i32 to index
        %get3A_1906 = arith.index_cast %get3A_1904 : i32 to index
        %get3A_1907 = arith.constant 0 : index
        %get3A_1908 = tpu.vector_load %arg13[%get3A_1905, %get3A_1906, %get3A_1907] {strides = array<i32>} : memref<16x4x16xf32, #tpu.memory_space<vmem>>, vector<1x1x16xf32>,
        %get3A_1909 = vector.shape_cast %get3A_1908 : vector<1x1x16xf32> to vector<16xf32>
        %add3A_1910 = arith.addf %add3A_1886, %get3A_1909 : vector<16xf32>
        %get3A_1911 = arith.constant 15 : i32
        %get3A_1912 = arith.constant 2 : i32
        %get3A_1913 = arith.index_cast %get3A_1911 : i32 to index
        %get3A_1914 = arith.index_cast %get3A_1912 : i32 to index
        %get3A_1915 = arith.constant 0 : index
        %get3A_1916 = tpu.vector_load %arg13[%get3A_1913, %get3A_1914, %get3A_1915] {strides = array<i32>} : memref<16x4x16xf32, #tpu.memory_space<vmem>>, vector<1x1x16xf32>,
        %get3A_1917 = vector.shape_cast %get3A_1916 : vector<1x1x16xf32> to vector<16xf32>
        %add3A_1918 = arith.addf %add3A_1894, %get3A_1917 : vector<16xf32>
        %slice3A = vector.extract_strided_slice %add3A_1902 {offsets = [0], sizes = [1], strides = [1]} : vector<16xf32> to vector<1xf32>
        %squeeze3A = vector.extract %slice3A[0] : f32 from vector<1xf32>
        %add3A_1919 = arith.constant 0.000000e+00 : f32
        %add3A_1920 = arith.addf %add3A_1919, %squeeze3A : f32
        %slice3A_1921 = vector.extract_strided_slice %add3A_1910 {offsets = [0], sizes = [1], strides = [1]} : vector<16xf32> to vector<1xf32>
        %squeeze3A_1922 = vector.extract %slice3A_1921[0] : f32 from vector<1xf32>
        %add3A_1923 = arith.constant 0.000000e+00 : f32
        %add3A_1924 = arith.addf %add3A_1923, %squeeze3A_1922 : f32
        %slice3A_1925 = vector.extract_strided_slice %add3A_1918 {offsets = [0], sizes = [1], strides = [1]} : vector<16xf32> to vector<1xf32>
        %squeeze3A_1926 = vector.extract %slice3A_1925[0] : f32 from vector<1xf32>
        %add3A_1927 = arith.constant 0.000000e+00 : f32
        %add3A_1928 = arith.addf %add3A_1927, %squeeze3A_1926 : f32
        %slice3A_1929 = vector.extract_strided_slice %add3A_1902 {offsets = [1], sizes = [1], strides = [1]} : vector<16xf32> to vector<1xf32>
        %squeeze3A_1930 = vector.extract %slice3A_1929[0] : f32 from vector<1xf32>
        %add3A_1931 = arith.addf %add3A_1920, %squeeze3A_1930 : f32
        %slice3A_1932 = vector.extract_strided_slice %add3A_1910 {offsets = [1], sizes = [1], strides = [1]} : vector<16xf32> to vector<1xf32>
        %squeeze3A_1933 = vector.extract %slice3A_1932[0] : f32 from vector<1xf32>
        %add3A_1934 = arith.addf %add3A_1924, %squeeze3A_1933 : f32
        %slice3A_1935 = vector.extract_strided_slice %add3A_1918 {offsets = [1], sizes = [1], strides = [1]} : vector<16xf32> to vector<1xf32>
        %squeeze3A_1936 = vector.extract %slice3A_1935[0] : f32 from vector<1xf32>
        %add3A_1937 = arith.addf %add3A_1928, %squeeze3A_1936 : f32
        %slice3A_1938 = vector.extract_strided_slice %add3A_1902 {offsets = [2], sizes = [1], strides = [1]} : vector<16xf32> to vector<1xf32>
        %squeeze3A_1939 = vector.extract %slice3A_1938[0] : f32 from vector<1xf32>
        %add3A_1940 = arith.addf %add3A_1931, %squeeze3A_1939 : f32
        %slice3A_1941 = vector.extract_strided_slice %add3A_1910 {offsets = [2], sizes = [1], strides = [1]} : vector<16xf32> to vector<1xf32>
        %squeeze3A_1942 = vector.extract %slice3A_1941[0] : f32 from vector<1xf32>
        %add3A_1943 = arith.addf %add3A_1934, %squeeze3A_1942 : f32
        %slice3A_1944 = vector.extract_strided_slice %add3A_1918 {offsets = [2], sizes = [1], strides = [1]} : vector<16xf32> to vector<1xf32>
        %squeeze3A_1945 = vector.extract %slice3A_1944[0] : f32 from vector<1xf32>
        %add3A_1946 = arith.addf %add3A_1937, %squeeze3A_1945 : f32
        %slice3A_1947 = vector.extract_strided_slice %add3A_1902 {offsets = [3], sizes = [1], strides = [1]} : vector<16xf32> to vector<1xf32>
        %squeeze3A_1948 = vector.extract %slice3A_1947[0] : f32 from vector<1xf32>
        %add3A_1949 = arith.addf %add3A_1940, %squeeze3A_1948 : f32
        %slice3A_1950 = vector.extract_strided_slice %add3A_1910 {offsets = [3], sizes = [1], strides = [1]} : vector<16xf32> to vector<1xf32>
        %squeeze3A_1951 = vector.extract %slice3A_1950[0] : f32 from vector<1xf32>
        %add3A_1952 = arith.addf %add3A_1943, %squeeze3A_1951 : f32
        %slice3A_1953 = vector.extract_strided_slice %add3A_1918 {offsets = [3], sizes = [1], strides = [1]} : vector<16xf32> to vector<1xf32>
        %squeeze3A_1954 = vector.extract %slice3A_1953[0] : f32 from vector<1xf32>
        %add3A_1955 = arith.addf %add3A_1946, %squeeze3A_1954 : f32
        %slice3A_1956 = vector.extract_strided_slice %add3A_1902 {offsets = [4], sizes = [1], strides = [1]} : vector<16xf32> to vector<1xf32>
        %squeeze3A_1957 = vector.extract %slice3A_1956[0] : f32 from vector<1xf32>
        %add3A_1958 = arith.addf %add3A_1949, %squeeze3A_1957 : f32
        %slice3A_1959 = vector.extract_strided_slice %add3A_1910 {offsets = [4], sizes = [1], strides = [1]} : vector<16xf32> to vector<1xf32>
        %squeeze3A_1960 = vector.extract %slice3A_1959[0] : f32 from vector<1xf32>
        %add3A_1961 = arith.addf %add3A_1952, %squeeze3A_1960 : f32
        %slice3A_1962 = vector.extract_strided_slice %add3A_1918 {offsets = [4], sizes = [1], strides = [1]} : vector<16xf32> to vector<1xf32>
        %squeeze3A_1963 = vector.extract %slice3A_1962[0] : f32 from vector<1xf32>
        %add3A_1964 = arith.addf %add3A_1955, %squeeze3A_1963 : f32
        %slice3A_1965 = vector.extract_strided_slice %add3A_1902 {offsets = [5], sizes = [1], strides = [1]} : vector<16xf32> to vector<1xf32>
        %squeeze3A_1966 = vector.extract %slice3A_1965[0] : f32 from vector<1xf32>
        %add3A_1967 = arith.addf %add3A_1958, %squeeze3A_1966 : f32
        %slice3A_1968 = vector.extract_strided_slice %add3A_1910 {offsets = [5], sizes = [1], strides = [1]} : vector<16xf32> to vector<1xf32>
        %squeeze3A_1969 = vector.extract %slice3A_1968[0] : f32 from vector<1xf32>
        %add3A_1970 = arith.addf %add3A_1961, %squeeze3A_1969 : f32
        %slice3A_1971 = vector.extract_strided_slice %add3A_1918 {offsets = [5], sizes = [1], strides = [1]} : vector<16xf32> to vector<1xf32>
        %squeeze3A_1972 = vector.extract %slice3A_1971[0] : f32 from vector<1xf32>
        %add3A_1973 = arith.addf %add3A_1964, %squeeze3A_1972 : f32
        %slice3A_1974 = vector.extract_strided_slice %add3A_1902 {offsets = [6], sizes = [1], strides = [1]} : vector<16xf32> to vector<1xf32>
        %squeeze3A_1975 = vector.extract %slice3A_1974[0] : f32 from vector<1xf32>
        %add3A_1976 = arith.addf %add3A_1967, %squeeze3A_1975 : f32
        %slice3A_1977 = vector.extract_strided_slice %add3A_1910 {offsets = [6], sizes = [1], strides = [1]} : vector<16xf32> to vector<1xf32>
        %squeeze3A_1978 = vector.extract %slice3A_1977[0] : f32 from vector<1xf32>
        %add3A_1979 = arith.addf %add3A_1970, %squeeze3A_1978 : f32
        %slice3A_1980 = vector.extract_strided_slice %add3A_1918 {offsets = [6], sizes = [1], strides = [1]} : vector<16xf32> to vector<1xf32>
        %squeeze3A_1981 = vector.extract %slice3A_1980[0] : f32 from vector<1xf32>
        %add3A_1982 = arith.addf %add3A_1973, %squeeze3A_1981 : f32
        %slice3A_1983 = vector.extract_strided_slice %add3A_1902 {offsets = [7], sizes = [1], strides = [1]} : vector<16xf32> to vector<1xf32>
        %squeeze3A_1984 = vector.extract %slice3A_1983[0] : f32 from vector<1xf32>
        %add3A_1985 = arith.addf %add3A_1976, %squeeze3A_1984 : f32
        %slice3A_1986 = vector.extract_strided_slice %add3A_1910 {offsets = [7], sizes = [1], strides = [1]} : vector<16xf32> to vector<1xf32>
        %squeeze3A_1987 = vector.extract %slice3A_1986[0] : f32 from vector<1xf32>
        %add3A_1988 = arith.addf %add3A_1979, %squeeze3A_1987 : f32
        %slice3A_1989 = vector.extract_strided_slice %add3A_1918 {offsets = [7], sizes = [1], strides = [1]} : vector<16xf32> to vector<1xf32>
        %squeeze3A_1990 = vector.extract %slice3A_1989[0] : f32 from vector<1xf32>
        %add3A_1991 = arith.addf %add3A_1982, %squeeze3A_1990 : f32
        %slice3A_1992 = vector.extract_strided_slice %add3A_1902 {offsets = [8], sizes = [1], strides = [1]} : vector<16xf32> to vector<1xf32>
        %squeeze3A_1993 = vector.extract %slice3A_1992[0] : f32 from vector<1xf32>
        %add3A_1994 = arith.addf %add3A_1985, %squeeze3A_1993 : f32
        %slice3A_1995 = vector.extract_strided_slice %add3A_1910 {offsets = [8], sizes = [1], strides = [1]} : vector<16xf32> to vector<1xf32>
        %squeeze3A_1996 = vector.extract %slice3A_1995[0] : f32 from vector<1xf32>
        %add3A_1997 = arith.addf %add3A_1988, %squeeze3A_1996 : f32
        %slice3A_1998 = vector.extract_strided_slice %add3A_1918 {offsets = [8], sizes = [1], strides = [1]} : vector<16xf32> to vector<1xf32>
        %squeeze3A_1999 = vector.extract %slice3A_1998[0] : f32 from vector<1xf32>
        %add3A_2000 = arith.addf %add3A_1991, %squeeze3A_1999 : f32
        %slice3A_2001 = vector.extract_strided_slice %add3A_1902 {offsets = [9], sizes = [1], strides = [1]} : vector<16xf32> to vector<1xf32>
        %squeeze3A_2002 = vector.extract %slice3A_2001[0] : f32 from vector<1xf32>
        %add3A_2003 = arith.addf %add3A_1994, %squeeze3A_2002 : f32
        %slice3A_2004 = vector.extract_strided_slice %add3A_1910 {offsets = [9], sizes = [1], strides = [1]} : vector<16xf32> to vector<1xf32>
        %squeeze3A_2005 = vector.extract %slice3A_2004[0] : f32 from vector<1xf32>
        %add3A_2006 = arith.addf %add3A_1997, %squeeze3A_2005 : f32
        %slice3A_2007 = vector.extract_strided_slice %add3A_1918 {offsets = [9], sizes = [1], strides = [1]} : vector<16xf32> to vector<1xf32>
        %squeeze3A_2008 = vector.extract %slice3A_2007[0] : f32 from vector<1xf32>
        %add3A_2009 = arith.addf %add3A_2000, %squeeze3A_2008 : f32
        %slice3A_2010 = vector.extract_strided_slice %add3A_1902 {offsets = [10], sizes = [1], strides = [1]} : vector<16xf32> to vector<1xf32>
        %squeeze3A_2011 = vector.extract %slice3A_2010[0] : f32 from vector<1xf32>
        %add3A_2012 = arith.addf %add3A_2003, %squeeze3A_2011 : f32
        %slice3A_2013 = vector.extract_strided_slice %add3A_1910 {offsets = [10], sizes = [1], strides = [1]} : vector<16xf32> to vector<1xf32>
        %squeeze3A_2014 = vector.extract %slice3A_2013[0] : f32 from vector<1xf32>
        %add3A_2015 = arith.addf %add3A_2006, %squeeze3A_2014 : f32
        %slice3A_2016 = vector.extract_strided_slice %add3A_1918 {offsets = [10], sizes = [1], strides = [1]} : vector<16xf32> to vector<1xf32>
        %squeeze3A_2017 = vector.extract %slice3A_2016[0] : f32 from vector<1xf32>
        %add3A_2018 = arith.addf %add3A_2009, %squeeze3A_2017 : f32
        %slice3A_2019 = vector.extract_strided_slice %add3A_1902 {offsets = [11], sizes = [1], strides = [1]} : vector<16xf32> to vector<1xf32>
        %squeeze3A_2020 = vector.extract %slice3A_2019[0] : f32 from vector<1xf32>
        %add3A_2021 = arith.addf %add3A_2012, %squeeze3A_2020 : f32
        %slice3A_2022 = vector.extract_strided_slice %add3A_1910 {offsets = [11], sizes = [1], strides = [1]} : vector<16xf32> to vector<1xf32>
        %squeeze3A_2023 = vector.extract %slice3A_2022[0] : f32 from vector<1xf32>
        %add3A_2024 = arith.addf %add3A_2015, %squeeze3A_2023 : f32
        %slice3A_2025 = vector.extract_strided_slice %add3A_1918 {offsets = [11], sizes = [1], strides = [1]} : vector<16xf32> to vector<1xf32>
        %squeeze3A_2026 = vector.extract %slice3A_2025[0] : f32 from vector<1xf32>
        %add3A_2027 = arith.addf %add3A_2018, %squeeze3A_2026 : f32
        %slice3A_2028 = vector.extract_strided_slice %add3A_1902 {offsets = [12], sizes = [1], strides = [1]} : vector<16xf32> to vector<1xf32>
        %squeeze3A_2029 = vector.extract %slice3A_2028[0] : f32 from vector<1xf32>
        %add3A_2030 = arith.addf %add3A_2021, %squeeze3A_2029 : f32
        %slice3A_2031 = vector.extract_strided_slice %add3A_1910 {offsets = [12], sizes = [1], strides = [1]} : vector<16xf32> to vector<1xf32>
        %squeeze3A_2032 = vector.extract %slice3A_2031[0] : f32 from vector<1xf32>
        %add3A_2033 = arith.addf %add3A_2024, %squeeze3A_2032 : f32
        %slice3A_2034 = vector.extract_strided_slice %add3A_1918 {offsets = [12], sizes = [1], strides = [1]} : vector<16xf32> to vector<1xf32>
        %squeeze3A_2035 = vector.extract %slice3A_2034[0] : f32 from vector<1xf32>
        %add3A_2036 = arith.addf %add3A_2027, %squeeze3A_2035 : f32
        %slice3A_2037 = vector.extract_strided_slice %add3A_1902 {offsets = [13], sizes = [1], strides = [1]} : vector<16xf32> to vector<1xf32>
        %squeeze3A_2038 = vector.extract %slice3A_2037[0] : f32 from vector<1xf32>
        %add3A_2039 = arith.addf %add3A_2030, %squeeze3A_2038 : f32
        %slice3A_2040 = vector.extract_strided_slice %add3A_1910 {offsets = [13], sizes = [1], strides = [1]} : vector<16xf32> to vector<1xf32>
        %squeeze3A_2041 = vector.extract %slice3A_2040[0] : f32 from vector<1xf32>
        %add3A_2042 = arith.addf %add3A_2033, %squeeze3A_2041 : f32
        %slice3A_2043 = vector.extract_strided_slice %add3A_1918 {offsets = [13], sizes = [1], strides = [1]} : vector<16xf32> to vector<1xf32>
        %squeeze3A_2044 = vector.extract %slice3A_2043[0] : f32 from vector<1xf32>
        %add3A_2045 = arith.addf %add3A_2036, %squeeze3A_2044 : f32
        %slice3A_2046 = vector.extract_strided_slice %add3A_1902 {offsets = [14], sizes = [1], strides = [1]} : vector<16xf32> to vector<1xf32>
        %squeeze3A_2047 = vector.extract %slice3A_2046[0] : f32 from vector<1xf32>
        %add3A_2048 = arith.addf %add3A_2039, %squeeze3A_2047 : f32
        %slice3A_2049 = vector.extract_strided_slice %add3A_1910 {offsets = [14], sizes = [1], strides = [1]} : vector<16xf32> to vector<1xf32>
        %squeeze3A_2050 = vector.extract %slice3A_2049[0] : f32 from vector<1xf32>
        %add3A_2051 = arith.addf %add3A_2042, %squeeze3A_2050 : f32
        %slice3A_2052 = vector.extract_strided_slice %add3A_1918 {offsets = [14], sizes = [1], strides = [1]} : vector<16xf32> to vector<1xf32>
        %squeeze3A_2053 = vector.extract %slice3A_2052[0] : f32 from vector<1xf32>
        %add3A_2054 = arith.addf %add3A_2045, %squeeze3A_2053 : f32
        %slice3A_2055 = vector.extract_strided_slice %add3A_1902 {offsets = [15], sizes = [1], strides = [1]} : vector<16xf32> to vector<1xf32>
        %squeeze3A_2056 = vector.extract %slice3A_2055[0] : f32 from vector<1xf32>
        %add3A_2057 = arith.addf %add3A_2048, %squeeze3A_2056 : f32
        %slice3A_2058 = vector.extract_strided_slice %add3A_1910 {offsets = [15], sizes = [1], strides = [1]} : vector<16xf32> to vector<1xf32>
        %squeeze3A_2059 = vector.extract %slice3A_2058[0] : f32 from vector<1xf32>
        %add3A_2060 = arith.addf %add3A_2051, %squeeze3A_2059 : f32
        %slice3A_2061 = vector.extract_strided_slice %add3A_1918 {offsets = [15], sizes = [1], strides = [1]} : vector<16xf32> to vector<1xf32>
        %squeeze3A_2062 = vector.extract %slice3A_2061[0] : f32 from vector<1xf32>
        %add3A_2063 = arith.addf %add3A_2054, %squeeze3A_2062 : f32
        %mul3A_2064 = arith.constant 2.44140625E-4 : f32
        %mul3A_2065 = arith.mulf %add3A_2057, %mul3A_2064 : f32
        %mul3A_2066 = arith.constant 2.44140625E-4 : f32
        %mul3A_2067 = arith.mulf %add3A_2063, %mul3A_2066 : f32
        %mul3A_2068 = arith.constant 2.44140625E-4 : f32
        %mul3A_2069 = arith.mulf %add3A_2060, %mul3A_2068 : f32
        %mul3A_2070 = arith.mulf %mul3A_2067, %mul3A_2069 : f32
        %sub3A_2071 = arith.subf %mul3A_2065, %mul3A_2070 : f32
        %broadcast_in_dim3A_2072 = arith.constant 1.000000e+00 : f32
        %broadcast_in_dim3A_2073 = vector.broadcast %broadcast_in_dim3A_2072 : f32 to vector<16xf32>
        %mul3A_2074 = vector.broadcast %sub3A_2071 : f32 to vector<16xf32>
        %mul3A_2075 = arith.mulf %mul3A_2074, %broadcast_in_dim3A_2073 : vector<16xf32>
        %swap3A_2076 = arith.constant 0 : index
        %swap3A_2077 = tpu.vector_load %arg15[%swap3A_2076] {strides = array<i32>} : memref<16xf32, #tpu.memory_space<vmem>>, vector<16xf32>,
        %swap3A_2078 = vector.shape_cast %swap3A_2077 : vector<16xf32> to vector<16xf32>
        %swap3A_2079 = vector.shape_cast %mul3A_2075 : vector<16xf32> to vector<16xf32>
        tpu.vector_store %arg15[%swap3A_2076], %swap3A_2079 {strides = array<i32>} : memref<16xf32, #tpu.memory_space<vmem>>, vector<16xf32>,
        "tpu.region"() ({
          %run_scoped3A = tpu.sem_alloc : memref<!tpu.dma_semaphore, #tpu.memory_space<semaphore_mem>>
          tpu.enqueue_dma source(%arg15 : memref<16xf32, #tpu.memory_space<vmem>>) target(%arg6 : memref<16xf32, #tpu.memory_space<hbm>>) target_semaphore(%run_scoped3A : memref<!tpu.dma_semaphore, #tpu.memory_space<semaphore_mem>>)
          tpu.wait_dma2 semaphore(%run_scoped3A : memref<!tpu.dma_semaphore, #tpu.memory_space<semaphore_mem>>) src(%arg15 : memref<16xf32, #tpu.memory_space<vmem>>) dst(%arg6 : memref<16xf32, #tpu.memory_space<hbm>>)
          tpu.yield
        }) : () -> ()
      } else {
      }
    } else {
    }
    return
  }
}

</mosaic_0001>

<sc_bundles>
// kernel: kernel.3.cloned.1.call-start
scs
__scs_entry_jumppad:
0x0: {  	(pc) =	sbr.rel $0x88, $3  }
0x1: {  	(tag) =	ssettag $0x0;
	lr =	simm.s32 $0x1  }
0x2: {  	[smem:$0x3F9D] =	sst lr;
	_ =	strace $0xD0000000  }
0x3: {  	_ = 	snop  }
0x4: {  	_ = 	snop  }
0x5: {  	_ = 	snop  }
0x6: {  	_ = 	snop  }
0x7: {  	_ = 	snop  }
__scs_overlays_trampoline_lowered:
0x8: {  	[smem:$0x3FAC] =	sst s0  }
0x9: {  	[smem:$0x3FAD] =	sst s1  }
0xa: {  	[smem:$0x3FAE] =	sst s2  }
0xb: {  	[smem:$0x3FAF] =	sst s3  }
0xc: {  	[smem:$0x3FB0] =	sst s4  }
0xd: {  	[smem:$0x3FB1] =	sst s5  }
0xe: {  	[smem:$0x3FB2] =	sst s6  }
0xf: {  	[smem:$0x3FB3] =	sst s7  }
0x10: {  	[smem:$0x3FB4] =	sst s8  }
0x11: {  	[smem:$0x3FB5] =	sst s9;
	s0 =	simm.s32 @!p0 $0x0  }
0x12: {  	s1 =	sld [smem:$0x3F9B];
	s0 =	simm.s32 @p0 $0x1  }
0x13: {  	[smem:$0x3FB6] =	sst s0;
	s0 =	simm.s32 @!p1 $0x0  }
0x14: {  	s2 =	sld [smem:$0x3F9A];
	s0 =	simm.s32 @p1 $0x1  }
0x15: {  	[smem:$0x3FB7] =	sst s0;
	s0 =	simm.s32 @!p2 $0x0  }
0x16: {  	s3 =	sld [smem:$0x3FDB];
	s0 =	simm.s32 @p2 $0x1  }
0x17: {  	s4 =	simm.s32 $0x1BF5;
	[smem:$0x3FB9] =	sst s0  }
0x18: {  	s0 =	sld [smem:$0x3F9C];
	_ =	swait.ge [sflag:s4], $0x0  }
0x19: {  	s7 =	sld [smem:$0x3F9D]  }
0x1a: {  	s8 =	sadd.s32 $0xFFFFE003, lr  }
0x1b: {  	s9 =	sadd.s32 $0xFFFFFEF7, lr;
	s5 =	simm.s32 $0xFFFFFFFF;
	p2 =	slt.u32 s8, $0xFFFFF086  }
0x1c: {  	p1 =	slt.u32 s9, $0xF7A;
	s5 =	simm.s32 @!p2 $0x0  }
0x1d: {  	s5 =	simm.s32 @p1 $0x1;
	p0 =	seq.s32 s7, s2  }
0x1e: {  	s7 =	smul.u32 @!p0 $0xF7A, s2;
	p2 =	seq.s32 @!p0 s5, $0x0  }
0x1f: {  	s9 =	smul.u32 $0xF7A, s1;
	s8 =	simm.s32 @!p0 $0x1BF5;
	p2 =	por !p2, p0  }
0x20: {  	[sflag:s8] =	ssyncset.s32 @!p0 $0xFFFFF086;
	s6 =	sadd.s32 @!p0 s3, s7;
	s7 =	simm.s32 @!p0 $0x108  }
0x21: {  	s3 =	sadd.s32 s3, s9;
	s6 =	sadd.s32 @!p0 $0x88, s6;
	s7 =	simm.s32 @p2 $0x1082  }
0x22: {  	[simem:s7], [sflag:s8] =	dma.local @!p0 [hbm:s6], $0xF7A  }
0x23: {  	s9 =	sor.u32 $0xD0000000, s2;
	s6 =	simm.s32 $0x108;
	_ =	swait.ge @!p0 [sflag:s8], $0x0  }
0x24: {  	s3 =	sadd.s32 $0x88, s3;
	s6 =	simm.s32 @!p1 $0x1082;
	[sflag:s4] =	ssyncset.s32 $0xFFFFF086  }
0x25: {  	[simem:s6], [sflag:s4] =	dma.local [hbm:s3], $0xF7A  }
0x26: {  	[smem:$0x3F9D] =	sst s1;
	(tag) =	ssettag s2;
	_ =	strace s9  }
0x27: {  	s1 =	sld [smem:$0x3FAD]  }
0x28: {  	s2 =	sld [smem:$0x3FAE]  }
0x29: {  	s4 =	sld [smem:$0x3FB0]  }
0x2a: {  	p0 =	seq.s32 s5, $0x0;
	s5 =	sld [smem:$0x3FB1]  }
0x2b: {  	s6 =	sld [smem:$0x3FB2]  }
0x2c: {  	s7 =	sld [smem:$0x3FB3]  }
0x2d: {  	s3 =	simm.s32 $0x108;
	s8 =	sld [smem:$0x3FB4]  }
0x2e: {  	s3 =	simm.s32 @!p0 $0x1082;
	s9 =	sld [smem:$0x3FB5]  }
0x2f: {  	lr =	sadd.s32 s0, s3;
	s0 =	sld [smem:$0x3FAC]  }
0x30: {  	s3 =	sld [smem:$0x3FAF]  }
0x31: {  	[smem:$0x3FB8] =	sst s10  }
0x32: {  	s10 =	sld [smem:$0x3FB6];
	_ =	sdelay $0x3  }
0x33: {  	p0 =	seq.s32 s10, $0x1;
	s10 =	sld [smem:$0x3FB8];
	_ =	sdelay $0x3  }
0x34: {  	[smem:$0x3FB8] =	sst s10  }
0x35: {  	s10 =	sld [smem:$0x3FB7];
	_ =	sdelay $0x3  }
0x36: {  	p1 =	seq.s32 s10, $0x1;
	s10 =	sld [smem:$0x3FB8];
	_ =	sdelay $0x3  }
0x37: {  	[smem:$0x3FB8] =	sst s10  }
0x38: {  	s10 =	sld [smem:$0x3FB9]  }
0x39: {  	_ = 	snop;
	(pc) =	sbr.ind lr, $3  }
0x3a: {  	_ = 	snop  }
0x3b: {  	_ = 	snop  }
0x3c: {  	p2 =	seq.s32 s10, $0x1;
	s10 =	sld [smem:$0x3FB8]  }
0x3d: {  	_ =	shalt  }
0x3e: {  	_ =	shalt  }
0x3f: {  	_ =	shalt  }
0x40: {  	_ =	shalt  }
0x41: {  	_ =	shalt  }
0x42: {  	_ =	shalt  }
0x43: {  	_ =	shalt  }
0x44: {  	_ =	shalt  }
0x45: {  	_ =	shalt  }
0x46: {  	_ =	shalt  }
0x47: {  	_ =	shalt  }
0x48: {  	_ =	shalt  }
0x49: {  	_ =	shalt  }
0x4a: {  	_ =	shalt  }
0x4b: {  	_ =	shalt  }
0x4c: {  	_ =	shalt  }
0x4d: {  	_ =	shalt  }
0x4e: {  	_ =	shalt  }
0x4f: {  	_ =	shalt  }
0x50: {  	_ =	shalt  }
0x51: {  	_ =	shalt  }
0x52: {  	_ =	shalt  }
0x53: {  	_ =	shalt  }
0x54: {  	_ =	shalt  }
0x55: {  	_ =	shalt  }
0x56: {  	_ =	shalt  }
0x57: {  	_ =	shalt  }
0x58: {  	_ =	shalt  }
0x59: {  	_ =	shalt  }
0x5a: {  	_ =	shalt  }
0x5b: {  	_ =	shalt  }
0x5c: {  	_ =	shalt  }
0x5d: {  	_ =	shalt  }
0x5e: {  	_ =	shalt  }
0x5f: {  	_ =	shalt  }
0x60: {  	_ =	shalt  }
0x61: {  	_ =	shalt  }
0x62: {  	_ =	shalt  }
0x63: {  	_ =	shalt  }
0x64: {  	_ =	shalt  }
0x65: {  	_ =	shalt  }
0x66: {  	_ =	shalt  }
0x67: {  	_ =	shalt  }
0x68: {  	_ =	shalt  }
0x69: {  	_ =	shalt  }
0x6a: {  	_ =	shalt  }
0x6b: {  	_ =	shalt  }
0x6c: {  	_ =	shalt  }
0x6d: {  	_ =	shalt  }
0x6e: {  	_ =	shalt  }
0x6f: {  	_ =	shalt  }
0x70: {  	_ =	shalt  }
0x71: {  	_ =	shalt  }
0x72: {  	_ =	shalt  }
0x73: {  	_ =	shalt  }
0x74: {  	_ =	shalt  }
0x75: {  	_ =	shalt  }
0x76: {  	_ =	shalt  }
0x77: {  	_ =	shalt  }
0x78: {  	_ =	shalt  }
0x79: {  	_ =	shalt  }
0x7a: {  	_ =	shalt  }
0x7b: {  	_ =	shalt  }
0x7c: {  	_ =	shalt  }
0x7d: {  	_ =	shalt  }
0x7e: {  	_ =	shalt  }
0x7f: {  	_ =	shalt  }
0x80: {  	_ =	shalt  }
0x81: {  	_ =	shalt  }
0x82: {  	_ =	shalt  }
0x83: {  	_ =	shalt  }
0x84: {  	_ =	shalt  }
0x85: {  	_ =	shalt  }
0x86: {  	_ =	shalt  }
0x87: {  	_ =	shalt  }
.Lfunc_end0:
.L_simem_size_0:
called_computation_lowered:
.L_overlay_start_0:
0x88: {  	s0 =	sld [smem:$0x3FD9]  }
0x89: {  	s1 =	sld [smem:$0x3FFE];
	_ =	sdelay $0x3  }
0x8a: {  	s0 =	sadd.s32 s1, s0  }
0x8b: {  	[smem:$0x3FC4] =	sst s0  }
0x8c: {  	_ = 	snop  }
0x8d: {  	s16 =	sld [smem:$0x3FC9]  }
0x8e: {  	s2 =	sld [smem:$0x3FC8]  }
0x8f: {  	s3 =	sld [smem:$0x3FC7]  }
0x90: {  	s4 =	sld [smem:$0x3FD0];
	(tm) =	ssettm $0x1  }
0x91: {  	s5 =	sld [smem:$0x3FFB];
	_ =	sdelay $0x3  }
0x92: {  	_ =	strace s5  }
0x93: {  	s5 =	sld [smem:$0x3FFC];
	_ =	sdelay $0x3  }
0x94: {  	_ =	strace s5  }
0x95: {  	s5 =	sld [smem:$0x3FFD];
	_ =	sdelay $0x3  }
0x96: {  	_ =	strace s5  }
0x97: {  	_ =	strace $0x8FFFFFFF  }
0x98: {  	s17 =	sld [smem:$0x3FDB];
	_ =	sdelay $0x1  }
0x99: {  	s6 =	simm.s32 $_scs_section_size  }
0x9a: {  	s7 =	simm.s32 $_size__tile_overlayer_lowered;
	s8 =	simm.s32 $_tile_overlayer_lowered  }
0x9b: {  	s20 =	simm.s32 $0x1BFF;
	s19 =	sshll.u32 s8, $0x1;
	s5 =	sadd.s32 s6, s17  }
0x9c: {  	s9 =	simm.s32 $0x0;
	s18 =	sshll.u32 s7, $0x1;
	s7 =	sadd.s32 s19, s5  }
0x9d: {  	[timem:s9], [sflag:s20] =	dma.local [hbm:s7], s18  }
0x9e: {  	_ =	swait.ge [sflag:s20], s18  }
0x9f: {  	s6 =	ssub.s32 $0x0, s18;
	[sflag:s20] =	ssyncset.done $0x0  }
0xa0: {  	[sflag:s20] =	ssyncadd.s32 s6;
	_ =	sdelay $0x1  }
0xa1: {  	s21 =	simm.s32 $0x1B8B  }
0xa2: {  	_ =	swait.ge [sflag:s21], $0x1  }
0xa3: {  	[sflag:s21] =	ssyncset.done $0x0  }
0xa4: {  	s23 =	simm.s32 $0x1B8E;
	s22 =	sld [smem:$0x3FFE];
	[sflag:s21] =	ssyncadd.s32 $0xFFFFFFFF  }
0xa5: {  	s24 =	simm.s32 $execute0_lowered;
	[smem:$0x3FD2] =	sst s23  }
0xa6: {  	s7 =	sshll.u32 s24, $0x1;
	_ =	strace $0x80000046;
	[dreg:$0x1] =	wrdreg $0xFFFFFFFF  }
0xa7: {  	s25 =	simm.s32 $_size_execute0_lowered;
	s5 =	sadd.s32 s5, s7;
	[dreg:$0x0] =	wrdreg $0x0  }
0xa8: {  	s7 =	sshll.u32 s25, $0x1;
	[dreg:$0x2] =	wrdreg s5  }
0xa9: {  	[dreg:$0x3] =	wrdreg s7  }
0xaa: {  	[dreg:$0x4] =	wrdreg $0xC0  }
0xab: {  	_ =	task [dreg:s9], $0x5FFFF  }
0xac: {  	[dreg:$0x1] =	wrdreg $0xFFFFFFFF  }
0xad: {  	[dreg:$0x0] =	wrdreg $0x60  }
0xae: {  	[dreg:$0x2] =	wrdreg s22  }
0xaf: {  	[dreg:$0x3] =	wrdreg s16  }
0xb0: {  	[dreg:$0x4] =	wrdreg s2  }
0xb1: {  	[dreg:$0x5] =	wrdreg s3  }
0xb2: {  	s0 =	sadd.s32 $0x400, s0;
	[dreg:$0x6] =	wrdreg s4  }
0xb3: {  	[dreg:$0x7] =	wrdreg s0  }
0xb4: {  	[dreg:$0x8] =	wrdreg $0x9  }
0xb5: {  	_ =	task.clear_ibuf [dreg:s9], $0x9FFFF;
	_ =	strace $0x90000046  }
0xb6: {  	s26 =	simm.s32 $0x9;
	_ =	strace $0x80000048  }
0xb7: {  	_ =	swait.ge [sflag:s26], $0x1  }
0xb8: {  	[sflag:s26] =	ssyncadd.s32 $0xFFFFFFFF  }
0xb9: {  	_ =	strace $0x90000048  }
0xba: {  	_ =	sfence  }
0xbb: {  	s28 =	sld [smem:$0x0];
	_ =	sdelay $0x1  }
0xbc: {  	s29 =	srdreg.scid  }
0xbd: {  	s30 =	sshll.u32 s29, $0xD;
	s31 =	sshrl.u32 s29, $0x2  }
0xbe: {  	s1 =	sand.u32 $0x1, s29;
	s2 =	sand.u32 $0x4000, s30;
	s0 =	sadd.s32 s31, s28  }
0xbf: {  	s1 =	sor.u32 s2, s1;
	s0 =	sshll.u32 s0, $0x11  }
0xc0: {  	s0 =	sor.u32 s0, s1  }
0xc1: {  	s0 =	sadd.s32 $0x8F2B, s0  }
0xc2: {  	[sflag:s0] =	ssyncadd.remote.s32 $0x1  }
0xc3: {  	_ =	sfence.sel $0xFFFF  }
0xc4: {  	[dreg:$0x0] =	wrdreg $0xFFFFFFFF;
	(pc) =	sbr.abs _section_cstart, $3  }
0xc5: {  	[dreg:$0x1] =	wrdreg $0xFFFFFFFF  }
0xc6: {  	_ =	task.clear_ibuf [dreg:s9], $0x2FFFF;
	_ =	strace $0x9FFFFFFF  }
0xc7: {  	(tm) =	ssettm $0x7FFFFFFF  }
tec
execute0_lowered:
.L_overlay_start_1:
0x0: {  	(tag) =	ssettag $0x1  }
0x1: {  	s5 =	rddreg [dreg:$0x0]  }
0x2: {  	s6 =	rddreg [dreg:$0x1]  }
0x3: {  	s7 =	rddreg [dreg:$0x2]  }
0x4: {  	s8 =	rddreg [dreg:$0x3]  }
0x5: {  	s1 =	rddreg [dreg:$0x4]  }
0x6: {  	s3 =	rddreg [dreg:$0x5];
	s2 =	simm.s32 $0x0;
	s4 =	stileid.u32  }
0x7: {  	[smem:$0x7FF] =	sst s2;
	s9 =	sshll.u32 s4, $0x5  }
0x8: {  	s0 =	rddreg [dreg:$0x6];
	_ =	strace $0x80000047;
	s6 =	sadd.s32 s6, s9  }
0x9: {  	[tilespmem:s2], [sflag:$0x2] =	stream.linear.gather [hbm4b:s6+s2], $0x100, $0x38;
	[tilespmem:$0x2780] =	vst v63  }
0xa: {  	s18 =	simm.s32 $0x100;
	s17 =	sadd.s32 s7, s9  }
0xb: {  	[tilespmem:s18], [sflag:$0x2] =	stream.linear.gather [hbm4b:s17+s2], $0x100, $0x38;
	[tilespmem:$0x2780] =	vst v63  }
0xc: {  	s20 =	simm.s32 $0x400;
	s21 =	simm.s32 $0x2;
	s19 =	sadd.s32 s8, s9  }
0xd: {  	[tilespmem:s20], [sflag:$0x2] =	stream.linear.gather [hbm4b:s19+s2], $0x100, $0x38;
	[tilespmem:$0x2780] =	vst v63  }
0xe: {  	_ =	swait.ge [sflag:s21], $0x100  }
0xf: {  	[sflag:s21] =	ssyncset.done $0x0  }
0x10: {  	[sflag:s21] =	ssyncadd.s32 $0xFFFFFF00  }
0x11: {  	_ =	swait.ge [sflag:s21], $0x100  }
0x12: {  	[sflag:s21] =	ssyncset.done $0x0  }
0x13: {  	[sflag:s21] =	ssyncadd.s32 $0xFFFFFF00  }
0x14: {  	v0 =	vld [tilespmem:$0x100]  }
0x15: {  	v1 =	vld [tilespmem:$0x110]  }
0x16: {  	v2 =	vld [tilespmem:$0x120]  }
0x17: {  	v3 =	vld [tilespmem:$0x130]  }
0x18: {  	v4 =	vld [tilespmem:$0x140]  }
0x19: {  	v5 =	vld [tilespmem:$0x150];
	v0 =	vadd.s32 $0x186A0, v0  }
0x1a: {  	v61 =	vld [tilespmem:$0x160];
	v60 =	vadd.s32 $0x186A0, v1;
	[tilespmem:$0x100] =	vst v0  }
0x1b: {  	v63 =	vld [tilespmem:$0x170];
	v62 =	vadd.s32 $0x186A0, v2;
	[tilespmem:$0x110] =	vst v60  }
0x1c: {  	v8 =	vld [tilespmem:$0x180];
	v7 =	vadd.s32 $0x186A0, v3;
	[tilespmem:$0x120] =	vst v62  }
0x1d: {  	v10 =	vld [tilespmem:$0x190];
	v9 =	vadd.s32 $0x186A0, v4;
	[tilespmem:$0x130] =	vst v7  }
0x1e: {  	v12 =	vld [tilespmem:$0x1A0];
	v11 =	vadd.s32 $0x186A0, v5;
	[tilespmem:$0x140] =	vst v9  }
0x1f: {  	v14 =	vld [tilespmem:$0x1B0];
	v13 =	vadd.s32 $0x186A0, v61;
	[tilespmem:$0x150] =	vst v11  }
0x20: {  	v16 =	vld [tilespmem:$0x1C0];
	v15 =	vadd.s32 $0x186A0, v63;
	[tilespmem:$0x160] =	vst v13  }
0x21: {  	v18 =	vld [tilespmem:$0x1D0];
	v17 =	vadd.s32 $0x186A0, v8;
	[tilespmem:$0x170] =	vst v15  }
0x22: {  	v20 =	vld [tilespmem:$0x1E0];
	v19 =	vadd.s32 $0x186A0, v10;
	[tilespmem:$0x180] =	vst v17  }
0x23: {  	v22 =	vld [tilespmem:$0x1F0];
	v21 =	vadd.s32 $0x186A0, v12;
	[tilespmem:$0x190] =	vst v19  }
0x24: {  	v23 =	vadd.s32 $0x186A0, v14;
	[tilespmem:$0x1A0] =	vst v21  }
0x25: {  	v24 =	vadd.s32 $0x186A0, v16;
	[tilespmem:$0x1B0] =	vst v23  }
0x26: {  	v25 =	vadd.s32 $0x186A0, v18;
	[tilespmem:$0x1C0] =	vst v24  }
0x27: {  	v26 =	vadd.s32 $0x186A0, v20;
	[tilespmem:$0x1D0] =	vst v25  }
0x28: {  	v27 =	vadd.s32 $0x186A0, v22;
	[tilespmem:$0x1E0] =	vst v26  }
0x29: {  	s22 =	simm.s32 $0x80;
	s23 =	simm.s32 $0x200;
	[tilespmem:$0x1F0] =	vst v27  }
0x2a: {  	[tilespmem:s23], [sflag:$0x1] =	stream.indirect.gather [hbm4b:s5+s22], $0x1, s2, s22, $0xb8;
	[tilespmem:$0x2780] =	vst v63  }
0x2b: {  	s24 =	simm.s32 $0x300  }
0x2c: {  	[tilespmem:s24], [sflag:$0x1] =	stream.indirect.gather [hbm4b:s5+s22], $0x1, s18, s22, $0xb8;
	[tilespmem:$0x2780] =	vst v63  }
0x2d: {  	s25 =	simm.s32 $0x280  }
0x2e: {  	[tilespmem:s25], [sflag:$0x1] =	stream.indirect.gather [hbm4b:s5+s22], $0x1, s22, s22, $0xb8;
	[tilespmem:$0x2780] =	vst v63  }
0x2f: {  	s26 =	simm.s32 $0x180;
	s28 =	simm.s32 $0x380  }
0x30: {  	[tilespmem:s28], [sflag:$0x1] =	stream.indirect.gather [hbm4b:s5+s22], $0x1, s26, s22, $0xb8;
	[tilespmem:$0x2780] =	vst v63  }
0x31: {  	_ =	swait.ge [sflag:s21], $0x100  }
0x32: {  	[sflag:s21] =	ssyncset.done $0x0  }
0x33: {  	s29 =	simm.s32 $0x1;
	[sflag:s21] =	ssyncadd.s32 $0xFFFFFF00  }
0x34: {  	_ =	swait.ge [sflag:s29], $0x80  }
0x35: {  	[sflag:s29] =	ssyncset.done $0x0  }
0x36: {  	[sflag:s29] =	ssyncadd.s32 $0xFFFFFF80  }
0x37: {  	_ =	swait.ge [sflag:s29], $0x80  }
0x38: {  	[sflag:s29] =	ssyncset.done $0x0  }
0x39: {  	[sflag:s29] =	ssyncadd.s32 $0xFFFFFF80  }
0x3a: {  	v28 =	vld [tilespmem:$0x200]  }
0x3b: {  	v29 =	vld [tilespmem:$0x300];
	_ =	sdelay $0x4  }
0x3c: {  	v10 =	vsub.f32 v28, v29;
	_ =	sdelay $0x1  }
0x3d: {  	v0 =	vmul.f32 $1.442695020e+00, v10;
	_ =	sdelay $0x1  }
0x3e: {  	(erf) = vpow2.f32 v0;
	_ =	sdelay $0x6  }
0x3f: {  	v30 =	vld [tilespmem:$0x210]  }
0x40: {  	v31 =	vld [tilespmem:$0x310]  }
0x41: {  	v32 =	vpop (erf)  }
0x42: {  	v15 =	vadd.f32 $1.000000000e+00, v32;
	_ =	sdelay $0x1  }
0x43: {  	v2 =	vand.u32 $0x7FFFFF, v15  }
0x44: {  	v23 =	vsub.f32 v30, v31;
	v9 =	vor.u32 $0x3F800000, v2  }
0x45: {  	v33 =	vadd.f32 $1.000000000e+00, v9  }
0x46: {  	v1 =	vmul.f32 $1.442695020e+00, v23  }
0x47: {  	(erf) = vrcp.f32 v33  }
0x48: {  	(erf) = vpow2.f32 v1;
	_ =	sdelay $0x6  }
0x49: {  	v34 =	vld [tilespmem:$0x220]  }
0x4a: {  	v35 =	vld [tilespmem:$0x320];
	v25 =	vpop (erf)  }
0x4b: {  	v37 =	vpop (erf)  }
0x4c: {  	v5 =	vadd.f32 $1.000000000e+00, v37;
	_ =	sdelay $0x1  }
0x4d: {  	v2 =	vand.u32 $0x7FFFFF, v5  }
0x4e: {  	v24 =	vsub.f32 v34, v35;
	v36 =	vor.u32 $0x3F800000, v2  }
0x4f: {  	v38 =	vadd.f32 $1.000000000e+00, v36  }
0x50: {  	v1 =	vmul.f32 $1.442695020e+00, v24  }
0x51: {  	(erf) = vrcp.f32 v38  }
0x52: {  	(erf) = vpow2.f32 v1;
	_ =	sdelay $0x6  }
0x53: {  	v39 =	vld [tilespmem:$0x230]  }
0x54: {  	v40 =	vld [tilespmem:$0x330];
	v46 =	vpop (erf)  }
0x55: {  	v41 =	vpop (erf)  }
0x56: {  	v35 =	vadd.f32 $1.000000000e+00, v41;
	_ =	sdelay $0x1  }
0x57: {  	v2 =	vand.u32 $0x7FFFFF, v35  }
0x58: {  	v17 =	vsub.f32 v39, v40;
	v47 =	vor.u32 $0x3F800000, v2  }
0x59: {  	v42 =	vadd.f32 $1.000000000e+00, v47  }
0x5a: {  	v1 =	vmul.f32 $1.442695020e+00, v17  }
0x5b: {  	(erf) = vrcp.f32 v42  }
0x5c: {  	(erf) = vpow2.f32 v1;
	_ =	sdelay $0x6  }
0x5d: {  	v43 =	vld [tilespmem:$0x240]  }
0x5e: {  	v44 =	vld [tilespmem:$0x340];
	v48 =	vpop (erf)  }
0x5f: {  	v45 =	vpop (erf)  }
0x60: {  	v27 =	vadd.f32 $1.000000000e+00, v45;
	_ =	sdelay $0x1  }
0x61: {  	v2 =	vand.u32 $0x7FFFFF, v27  }
0x62: {  	v11 =	vsub.f32 v43, v44;
	v29 =	vor.u32 $0x3F800000, v2  }
0x63: {  	v49 =	vadd.f32 $1.000000000e+00, v29  }
0x64: {  	v1 =	vmul.f32 $1.442695020e+00, v11  }
0x65: {  	(erf) = vrcp.f32 v49  }
0x66: {  	(erf) = vpow2.f32 v1;
	_ =	sdelay $0x6  }
0x67: {  	v50 =	vld [tilespmem:$0x250]  }
0x68: {  	v51 =	vld [tilespmem:$0x350];
	v34 =	vpop (erf)  }
0x69: {  	v52 =	vpop (erf)  }
0x6a: {  	v22 =	vadd.f32 $1.000000000e+00, v52;
	_ =	sdelay $0x1  }
0x6b: {  	v2 =	vand.u32 $0x7FFFFF, v22  }
0x6c: {  	v7 =	vsub.f32 v50, v51;
	v42 =	vor.u32 $0x3F800000, v2  }
0x6d: {  	v53 =	vadd.f32 $1.000000000e+00, v42  }
0x6e: {  	v1 =	vmul.f32 $1.442695020e+00, v7  }
0x6f: {  	(erf) = vrcp.f32 v53  }
0x70: {  	(erf) = vpow2.f32 v1;
	_ =	sdelay $0x6  }
0x71: {  	v54 =	vld [tilespmem:$0x260]  }
0x72: {  	v55 =	vld [tilespmem:$0x360];
	v43 =	vpop (erf)  }
0x73: {  	v56 =	vpop (erf)  }
0x74: {  	v21 =	vadd.f32 $1.000000000e+00, v56;
	_ =	sdelay $0x1  }
0x75: {  	v2 =	vand.u32 $0x7FFFFF, v21  }
0x76: {  	v8 =	vsub.f32 v54, v55;
	v37 =	vor.u32 $0x3F800000, v2  }
0x77: {  	v57 =	vadd.f32 $1.000000000e+00, v37  }
0x78: {  	v1 =	vmul.f32 $1.442695020e+00, v8  }
0x79: {  	(erf) = vrcp.f32 v57  }
0x7a: {  	(erf) = vpow2.f32 v1;
	_ =	sdelay $0x6  }
0x7b: {  	v58 =	vld [tilespmem:$0x270]  }
0x7c: {  	v59 =	vld [tilespmem:$0x370];
	v38 =	vpop (erf)  }
0x7d: {  	v60 =	vpop (erf)  }
0x7e: {  	v19 =	vadd.f32 $1.000000000e+00, v60;
	_ =	sdelay $0x1  }
0x7f: {  	v2 =	vand.u32 $0x7FFFFF, v19  }
0x80: {  	v40 =	vor.u32 $0x3F800000, v2;
	v2 =	vsub.f32 v58, v59  }
0x81: {  	v61 =	vadd.f32 $1.000000000e+00, v40  }
0x82: {  	v1 =	vmul.f32 $1.442695020e+00, v2  }
0x83: {  	(erf) = vrcp.f32 v61  }
0x84: {  	(erf) = vpow2.f32 v1;
	_ =	sdelay $0x7  }
0x85: {  	v39 =	vpop (erf)  }
0x86: {  	v62 =	vpop (erf)  }
0x87: {  	v12 =	vadd.f32 $1.000000000e+00, v62;
	_ =	sdelay $0x1  }
0x88: {  	v0 =	vand.u32 $0x7FFFFF, v12  }
0x89: {  	v28 =	vor.u32 $0x3F800000, v0  }
0x8a: {  	v0 =	vadd.f32 $1.000000000e+00, v28;
	_ =	sdelay $0x1  }
0x8b: {  	(erf) = vrcp.f32 v0;
	_ =	sdelay $0x2  }
0x8c: {  	v26 =	vld [tilespmem:$0x430]  }
0x8d: {  	v20 =	vld [tilespmem:$0x440]  }
0x8e: {  	v18 =	vld [tilespmem:$0x450]  }
0x8f: {  	v14 =	vld [tilespmem:$0x460]  }
0x90: {  	v4 =	vld [tilespmem:$0x470]  }
0x91: {  	v44 =	vld [tilespmem:$0x410]  }
0x92: {  	v41 =	vld [tilespmem:$0x420];
	v30 =	vpop (erf)  }
0x93: {  	v45 =	vld [tilespmem:$0x400];
	_ =	swait.ge [sflag:s29], $0x80  }
0x94: {  	[sflag:s29] =	ssyncset.done $0x0  }
0x95: {  	[sflag:s29] =	ssyncadd.s32 $0xFFFFFF80  }
0x96: {  	_ =	swait.ge [sflag:s29], $0x80  }
0x97: {  	[sflag:s29] =	ssyncset.done $0x0  }
0x98: {  	[sflag:s29] =	ssyncadd.s32 $0xFFFFFF80  }
0x99: {  	v63 =	vld [tilespmem:$0x280]  }
0x9a: {  	v6 =	vld [tilespmem:$0x380];
	_ =	sdelay $0x4  }
0x9b: {  	v6 =	vsub.f32 v63, v6;
	_ =	sdelay $0x1  }
0x9c: {  	v0 =	vmul.f32 $1.442695020e+00, v6;
	_ =	sdelay $0x1  }
0x9d: {  	(erf) = vpow2.f32 v0;
	_ =	sdelay $0x6  }
0x9e: {  	v13 =	vld [tilespmem:$0x290]  }
0x9f: {  	v33 =	vld [tilespmem:$0x390]  }
0xa0: {  	v49 =	vpop (erf)  }
0xa1: {  	v16 =	vadd.f32 $1.000000000e+00, v49;
	_ =	sdelay $0x1  }
0xa2: {  	v3 =	vand.u32 $0x7FFFFF, v16  }
0xa3: {  	v31 =	vor.u32 $0x3F800000, v3;
	v3 =	vsub.f32 v13, v33  }
0xa4: {  	v50 =	vadd.f32 $1.000000000e+00, v31  }
0xa5: {  	v1 =	vmul.f32 $1.442695020e+00, v3  }
0xa6: {  	(erf) = vrcp.f32 v50  }
0xa7: {  	(erf) = vpow2.f32 v1;
	_ =	sdelay $0x6  }
0xa8: {  	v51 =	vld [tilespmem:$0x2A0]  }
0xa9: {  	v52 =	vld [tilespmem:$0x3A0];
	v32 =	vpop (erf)  }
0xaa: {  	v13 =	vpop (erf)  }
0xab: {  	v13 =	vadd.f32 $1.000000000e+00, v13;
	_ =	sdelay $0x1  }
0xac: {  	v33 =	vand.u32 $0x7FFFFF, v13  }
0xad: {  	v1 =	vsub.f32 v51, v52;
	v33 =	vor.u32 $0x3F800000, v33  }
0xae: {  	v53 =	vadd.f32 $1.000000000e+00, v33  }
0xaf: {  	v54 =	vadd.f32 $-1.000000000e+00, v9;
	v49 =	vmul.f32 $1.442695020e+00, v1  }
0xb0: {  	(erf) = vrcp.f32 v53  }
0xb1: {  	(erf) = vpow2.f32 v49;
	v49 =	vmul.f32 v25, v54;
	_ =	sdelay $0x1  }
0xb2: {  	v50 =	vmul.f32 v49, v49;
	_ =	sdelay $0x1  }
0xb3: {  	v56 =	vmul.f32 $1.111111120e-01, v50  }
0xb4: {  	v55 =	vadd.f32 $-1.000000000e+00, v36  }
0xb5: {  	v9 =	vadd.f32 $1.428571490e-01, v56  }
0xb6: {  	v46 =	vmul.f32 v46, v55;
	v57 =	vld [tilespmem:$0x2B0]  }
0xb7: {  	v51 =	vld [tilespmem:$0x3B0];
	v36 =	vpop (erf);
	v53 =	vmul.f32 v9, v50  }
0xb8: {  	v15 =	vshra.s32 v15, $0x17;
	v52 =	vmul.f32 v46, v46;
	v58 =	vpop (erf)  }
0xb9: {  	v15 =	vadd.s32 $0xFFFFFF81, v15;
	v9 =	vadd.f32 $1.000000000e+00, v58;
	v53 =	vadd.f32 $2.000000030e-01, v53  }
0xba: {  	v10 =	vadd.f32 $0.0e+00, v10;
	v15 =	vcvt.s32.f32 v15;
	v59 =	vmul.f32 $1.111111120e-01, v52  }
0xbb: {  	v47 =	vadd.f32 $-1.000000000e+00, v47;
	v54 =	vand.u32 $0x7FFFFF, v9;
	v60 =	vmul.f32 v53, v50  }
0xbc: {  	v55 =	vadd.f32 $1.428571490e-01, v59;
	v0 =	vsub.f32 v57, v51;
	v25 =	vor.u32 $0x3F800000, v54  }
0xbd: {  	v47 =	vmul.f32 v48, v47;
	v61 =	vadd.f32 $1.000000000e+00, v25;
	v51 =	vadd.f32 $3.333333430e-01, v60  }
0xbe: {  	v62 =	vmul.f32 v55, v52;
	v63 =	vmul.f32 $1.442695020e+00, v0  }
0xbf: {  	v10 =	vadd.f32 v23, v10;
	(erf) = vrcp.f32 v61;
	v50 =	vmul.f32 v51, v50  }
0xc0: {  	v5 =	vshra.s32 v5, $0x17;
	v51 =	vmul.f32 v47, v47;
	(erf) = vpow2.f32 v63  }
0xc1: {  	v15 =	vmul.f32 $6.931471820e-01, v15;
	v5 =	vadd.s32 $0xFFFFFF81, v5;
	v35 =	vshra.s32 v35, $0x17  }
0xc2: {  	v29 =	vadd.f32 $-1.000000000e+00, v29;
	v54 =	vadd.f32 $2.000000030e-01, v62;
	v56 =	vmul.f32 $1.111111120e-01, v51  }
0xc3: {  	v35 =	vadd.s32 $0xFFFFFF81, v35;
	v45 =	vadd.f32 $0.0e+00, v45;
	v49 =	vadd.f32 v49, v49  }
0xc4: {  	v48 =	vmul.f32 v54, v52;
	v50 =	vadd.f32 $1.000000000e+00, v50;
	v57 =	vadd.f32 $1.428571490e-01, v56  }
0xc5: {  	v35 =	vcvt.s32.f32 v35;
	v44 =	vadd.f32 v44, v45;
	v53 =	vmul.f32 v34, v29  }
0xc6: {  	v48 =	vadd.f32 $3.333333430e-01, v48;
	v49 =	vmul.f32 v50, v49;
	v50 =	vmul.f32 v57, v51  }
0xc7: {  	v35 =	vmul.f32 $6.931471820e-01, v35;
	v41 =	vadd.f32 v41, v44;
	v42 =	vadd.f32 $-1.000000000e+00, v42;
	v54 =	vld [tilespmem:$0x3C0]  }
0xc8: {  	v48 =	vmul.f32 v48, v52;
	v52 =	vld [tilespmem:$0x2C0];
	v59 =	vadd.f32 $2.000000030e-01, v50;
	v50 =	vmul.f32 v53, v53;
	v34 =	vpop (erf)  }
0xc9: {  	v22 =	vshra.s32 v22, $0x17;
	v42 =	vmul.f32 v43, v42;
	v49 =	vadd.f32 v49, v15;
	v60 =	vpop (erf)  }
0xca: {  	v61 =	vmul.f32 v59, v51;
	v63 =	vmul.f32 $1.111111120e-01, v50;
	v15 =	vadd.f32 $1.000000000e+00, v60  }
0xcb: {  	v58 =	vadd.f32 v46, v46;
	v62 =	vcvt.s32.f32 v5;
	v48 =	vadd.f32 $1.000000000e+00, v48  }
0xcc: {  	v56 =	vadd.f32 $3.333333430e-01, v61;
	v61 =	vadd.f32 $1.428571490e-01, v63;
	v60 =	vand.u32 $0x7FFFFF, v15  }
0xcd: {  	v46 =	vmul.f32 $6.931471820e-01, v62;
	v5 =	vsub.f32 v52, v54;
	v29 =	vor.u32 $0x3F800000, v60  }
0xce: {  	v48 =	vmul.f32 v48, v58;
	v52 =	vmul.f32 v61, v50;
	v62 =	vadd.f32 $1.000000000e+00, v29  }
0xcf: {  	v22 =	vadd.s32 $0xFFFFFF81, v22;
	v63 =	vmul.f32 $1.442695020e+00, v5;
	v51 =	vmul.f32 v56, v51  }
0xd0: {  	v46 =	vadd.f32 v48, v46;
	v48 =	vadd.f32 $2.000000030e-01, v52;
	(erf) = vrcp.f32 v62  }
0xd1: {  	v47 =	vadd.f32 v47, v47;
	v55 =	vadd.f32 $1.000000000e+00, v51;
	(erf) = vpow2.f32 v63  }
0xd2: {  	v27 =	vshra.s32 v27, $0x17;
	v22 =	vcvt.s32.f32 v22;
	v48 =	vmul.f32 v48, v50  }
0xd3: {  	v26 =	vadd.f32 v26, v41;
	v56 =	vmul.f32 v55, v47;
	v47 =	vmul.f32 v42, v42  }
0xd4: {  	v27 =	vadd.s32 $0xFFFFFF81, v27;
	v37 =	vadd.f32 $-1.000000000e+00, v37;
	v54 =	vadd.f32 $0.0e+00, v49  }
0xd5: {  	v22 =	vmul.f32 $6.931471820e-01, v22;
	v57 =	vadd.f32 $3.333333430e-01, v48;
	v58 =	vmul.f32 $1.111111120e-01, v47  }
0xd6: {  	v37 =	vmul.f32 v38, v37;
	v43 =	vadd.f32 v46, v54;
	v35 =	vadd.f32 v56, v35  }
0xd7: {  	v21 =	vshra.s32 v21, $0x17;
	v23 =	vmul.f32 v57, v50;
	v60 =	vadd.f32 $1.428571490e-01, v58  }
0xd8: {  	v40 =	vadd.f32 $-1.000000000e+00, v40;
	v46 =	vmul.f32 v37, v37;
	v62 =	vld [tilespmem:$0x2D0];
	v35 =	vadd.f32 v35, v43  }
0xd9: {  	v63 =	vld [tilespmem:$0x3D0];
	v43 =	vadd.f32 v24, v10;
	v59 =	vadd.f32 $1.000000000e+00, v23;
	v23 =	vmul.f32 v60, v47;
	v24 =	vpop (erf)  }
0xda: {  	v21 =	vadd.s32 $0xFFFFFF81, v21;
	v39 =	vmul.f32 v39, v40;
	v61 =	vadd.f32 v53, v53;
	v52 =	vpop (erf)  }
0xdb: {  	v54 =	vmul.f32 $1.111111120e-01, v46;
	v53 =	vadd.f32 $2.000000030e-01, v23;
	v23 =	vadd.f32 $1.000000000e+00, v52  }
0xdc: {  	v20 =	vadd.f32 v20, v26;
	v21 =	vcvt.s32.f32 v21;
	v56 =	vmul.f32 v39, v39  }
0xdd: {  	v49 =	vadd.f32 $1.428571490e-01, v54;
	v55 =	vcvt.s32.f32 v27;
	v10 =	vand.u32 $0x7FFFFF, v23  }
0xde: {  	v57 =	vmul.f32 $1.111111120e-01, v56;
	v27 =	vor.u32 $0x3F800000, v10;
	v10 =	vsub.f32 v62, v63  }
0xdf: {  	v58 =	vmul.f32 v49, v46;
	v38 =	vmul.f32 v59, v61;
	v59 =	vadd.f32 $1.000000000e+00, v27  }
0xe0: {  	v18 =	vadd.f32 v18, v20;
	v21 =	vmul.f32 $6.931471820e-01, v21;
	v61 =	vmul.f32 $1.442695020e+00, v10  }
0xe1: {  	v60 =	vadd.f32 $1.428571490e-01, v57;
	v45 =	vadd.f32 $2.000000030e-01, v58;
	(erf) = vrcp.f32 v59  }
0xe2: {  	v14 =	vadd.f32 v14, v18;
	v44 =	vmul.f32 $6.931471820e-01, v55;
	(erf) = vpow2.f32 v61  }
0xe3: {  	v19 =	vshra.s32 v19, $0x17;
	v45 =	vmul.f32 v45, v46;
	v62 =	vmul.f32 v60, v56  }
0xe4: {  	v19 =	vadd.s32 $0xFFFFFF81, v19;
	v28 =	vadd.f32 $-1.000000000e+00, v28;
	v38 =	vadd.f32 v38, v44  }
0xe5: {  	v40 =	vmul.f32 v53, v47;
	v63 =	vadd.f32 $3.333333430e-01, v45;
	v44 =	vadd.f32 $2.000000030e-01, v62  }
0xe6: {  	v19 =	vcvt.s32.f32 v19;
	v31 =	vadd.f32 $-1.000000000e+00, v31;
	v33 =	vadd.f32 $-1.000000000e+00, v33  }
0xe7: {  	v40 =	vadd.f32 $3.333333430e-01, v40;
	v46 =	vmul.f32 v63, v46;
	v45 =	vmul.f32 v44, v56  }
0xe8: {  	v28 =	vmul.f32 v30, v28;
	v48 =	vadd.f32 v37, v37;
	v55 =	vld [tilespmem:$0x3E0];
	v43 =	vadd.f32 v17, v43  }
0xe9: {  	v53 =	vld [tilespmem:$0x2E0];
	v40 =	vmul.f32 v40, v47;
	v17 =	vadd.f32 $1.000000000e+00, v46;
	v47 =	vadd.f32 $3.333333430e-01, v45  }
0xea: {  	v33 =	vmul.f32 v36, v33;
	v42 =	vadd.f32 v42, v42;
	v50 =	vmul.f32 v28, v28;
	v37 =	vpop (erf)  }
0xeb: {  	v39 =	vadd.f32 v39, v39;
	v30 =	vmul.f32 v17, v48;
	v49 =	vmul.f32 v47, v56;
	v54 =	vpop (erf)  }
0xec: {  	v57 =	vadd.f32 v11, v43;
	v52 =	vmul.f32 $1.111111120e-01, v50;
	v17 =	vadd.f32 $1.000000000e+00, v54  }
0xed: {  	v21 =	vadd.f32 v30, v21;
	v30 =	vmul.f32 v32, v31;
	v51 =	vadd.f32 $1.000000000e+00, v49  }
0xee: {  	v11 =	vsub.f32 v53, v55;
	v40 =	vadd.f32 $1.000000000e+00, v40;
	v60 =	vand.u32 $0x7FFFFF, v17  }
0xef: {  	v61 =	vmul.f32 v30, v30;
	v58 =	vmul.f32 v51, v39;
	v39 =	vor.u32 $0x3F800000, v60  }
0xf0: {  	v44 =	vmul.f32 $1.442695020e+00, v11;
	v56 =	vadd.f32 $1.428571490e-01, v52;
	v62 =	vadd.f32 $1.000000000e+00, v39  }
0xf1: {  	v4 =	vadd.f32 v4, v14;
	v40 =	vmul.f32 v40, v42;
	v63 =	vmul.f32 $1.111111120e-01, v61  }
0xf2: {  	v35 =	vadd.f32 v38, v35;
	v59 =	vmul.f32 v56, v50;
	(erf) = vrcp.f32 v62  }
0xf3: {  	v22 =	vadd.f32 v40, v22;
	v36 =	vadd.f32 $1.428571490e-01, v63;
	(erf) = vpow2.f32 v44  }
0xf4: {  	v19 =	vmul.f32 $6.931471820e-01, v19;
	v16 =	vshra.s32 v16, $0x17;
	v32 =	vadd.f32 $2.000000030e-01, v59  }
0xf5: {  	v16 =	vadd.s32 $0xFFFFFF81, v16;
	v22 =	vadd.f32 v22, v35;
	v46 =	vmul.f32 v36, v61  }
0xf6: {  	v16 =	vcvt.s32.f32 v16;
	v13 =	vshra.s32 v13, $0x17;
	v32 =	vmul.f32 v32, v50  }
0xf7: {  	v45 =	vmul.f32 v33, v33;
	v21 =	vadd.f32 v21, v22;
	v22 =	vadd.f32 $2.000000030e-01, v46  }
0xf8: {  	v13 =	vadd.s32 $0xFFFFFF81, v13;
	v7 =	vadd.f32 v7, v57;
	v32 =	vadd.f32 $3.333333430e-01, v32  }
0xf9: {  	v47 =	vmul.f32 $1.111111120e-01, v45;
	v52 =	vshra.s32 v12, $0x17;
	v51 =	vmul.f32 v22, v61  }
0xfa: {  	v56 =	vld [tilespmem:$0x2F0];
	v48 =	vmul.f32 v32, v50;
	v50 =	vadd.f32 v8, v7;
	v8 =	vadd.s32 $0xFFFFFF81, v52  }
0xfb: {  	v19 =	vadd.f32 v58, v19;
	v58 =	vld [tilespmem:$0x3F0];
	v8 =	vcvt.s32.f32 v8;
	v7 =	vadd.f32 $3.333333430e-01, v51;
	v20 =	vpop (erf)  }
0xfc: {  	v13 =	vcvt.s32.f32 v13;
	v9 =	vshra.s32 v9, $0x17;
	v49 =	vadd.f32 $1.428571490e-01, v47;
	v60 =	vpop (erf)  }
0xfd: {  	v7 =	vmul.f32 v7, v61;
	v61 =	vmul.f32 $6.931471820e-01, v8;
	v8 =	vadd.f32 $1.000000000e+00, v60  }
0xfe: {  	v16 =	vmul.f32 $6.931471820e-01, v16;
	v13 =	vmul.f32 $6.931471820e-01, v13;
	v9 =	vadd.s32 $0xFFFFFF81, v9  }
0xff: {  	v9 =	vcvt.s32.f32 v9;
	v54 =	vmul.f32 v49, v45;
	v63 =	vand.u32 $0x7FFFFF, v8  }
0x100: {  	v62 =	vadd.f32 $1.000000000e+00, v7;
	v7 =	vsub.f32 v56, v58;
	v35 =	vor.u32 $0x3F800000, v63  }
0x101: {  	v9 =	vmul.f32 $6.931471820e-01, v9;
	v57 =	vadd.f32 $2.000000030e-01, v54;
	v36 =	vadd.f32 $1.000000000e+00, v35  }
0x102: {  	v43 =	vadd.f32 v33, v33;
	v55 =	vadd.f32 v28, v28;
	v40 =	vmul.f32 $1.442695020e+00, v7  }
0x103: {  	v59 =	vadd.f32 $-1.000000000e+00, v25;
	v18 =	vmul.f32 v57, v45;
	(erf) = vrcp.f32 v36  }
0x104: {  	v42 =	vadd.f32 $-1.000000000e+00, v29;
	v30 =	vadd.f32 v30, v30;
	(erf) = vpow2.f32 v40  }
0x105: {  	v22 =	vmul.f32 v34, v59;
	v18 =	vadd.f32 $3.333333430e-01, v18;
	v2 =	vadd.f32 v2, v50  }
0x106: {  	v19 =	vadd.f32 v19, v21;
	v53 =	vadd.f32 $1.000000000e+00, v48;
	v44 =	vmul.f32 v24, v42  }
0x107: {  	v34 =	vmul.f32 v22, v22;
	v18 =	vmul.f32 v18, v45;
	v2 =	vadd.f32 v6, v2  }
0x108: {  	v12 =	vmul.f32 v53, v55;
	v51 =	vadd.f32 $-1.000000000e+00, v27;
	v22 =	vadd.f32 v22, v22  }
0x109: {  	v47 =	vmul.f32 v44, v44;
	v38 =	vmul.f32 $1.111111120e-01, v34;
	v18 =	vadd.f32 $1.000000000e+00, v18  }
0x10a: {  	v2 =	vadd.f32 v3, v2;
	v12 =	vadd.f32 v12, v61;
	v25 =	vmul.f32 v62, v30  }
0x10b: {  	v50 =	vmul.f32 $1.111111120e-01, v47;
	v41 =	vadd.f32 $1.428571490e-01, v38;
	v18 =	vmul.f32 v18, v43  }
0x10c: {  	v45 =	vld [tilespmem:$0x480];
	v54 =	vmul.f32 v37, v51;
	v12 =	vadd.f32 v12, v19;
	v16 =	vadd.f32 v25, v16;
	v52 =	vpop (erf)  }
0x10d: {  	v26 =	vmul.f32 v41, v34;
	v49 =	vadd.f32 v18, v13;
	v13 =	vadd.f32 $1.428571490e-01, v50;
	v55 =	vpop (erf)  }
0x10e: {  	v15 =	vshra.s32 v15, $0x17;
	v12 =	vadd.f32 v16, v12;
	v16 =	vadd.f32 $1.000000000e+00, v55  }
0x10f: {  	v28 =	vadd.f32 v44, v44;
	v56 =	vmul.f32 v54, v54;
	v46 =	vadd.f32 $2.000000030e-01, v26  }
0x110: {  	v57 =	vld [tilespmem:$0x490];
	v1 =	vadd.f32 v1, v2;
	v13 =	vmul.f32 v13, v47;
	v58 =	vand.u32 $0x7FFFFF, v16  }
0x111: {  	v4 =	vadd.f32 v45, v4;
	v48 =	vmul.f32 v46, v34;
	v26 =	vor.u32 $0x3F800000, v58  }
0x112: {  	v59 =	vmul.f32 $1.111111120e-01, v56;
	v13 =	vadd.f32 $2.000000030e-01, v13;
	v61 =	vadd.f32 $1.000000000e+00, v26  }
0x113: {  	v27 =	vadd.s32 $0xFFFFFF81, v15;
	v0 =	vadd.f32 v0, v1;
	v14 =	vadd.f32 $3.333333430e-01, v48  }
0x114: {  	v62 =	vadd.f32 $1.428571490e-01, v59;
	v60 =	vmul.f32 v13, v47;
	(erf) = vrcp.f32 v61  }
0x115: {  	v4 =	vadd.f32 v57, v4;
	v63 =	vadd.f32 $-1.000000000e+00, v39;
	v53 =	vmul.f32 v14, v34  }
0x116: {  	v0 =	vadd.f32 v5, v0;
	v25 =	vmul.f32 v62, v56;
	v3 =	vadd.f32 $3.333333430e-01, v60  }
0x117: {  	v6 =	vadd.f32 v49, v12;
	v13 =	vmul.f32 v20, v63;
	v12 =	vadd.f32 $1.000000000e+00, v53  }
0x118: {  	v0 =	vadd.f32 v10, v0;
	v8 =	vshra.s32 v8, $0x17;
	v3 =	vmul.f32 v3, v47  }
0x119: {  	v39 =	vshra.s32 v23, $0x17;
	v29 =	vmul.f32 v13, v13;
	v12 =	vmul.f32 v12, v22  }
0x11a: {  	v8 =	vadd.s32 $0xFFFFFF81, v8;
	v30 =	vadd.f32 $-1.000000000e+00, v35;
	v3 =	vadd.f32 $1.000000000e+00, v3  }
0x11b: {  	v32 =	vmul.f32 $1.111111120e-01, v29;
	v9 =	vadd.f32 v12, v9;
	v12 =	vadd.f32 $2.000000030e-01, v25  }
0x11c: {  	v8 =	vcvt.s32.f32 v8;
	v33 =	vmul.f32 v52, v30;
	v34 =	vadd.f32 $-1.000000000e+00, v26  }
0x11d: {  	v31 =	vmul.f32 v3, v28;
	v3 =	vadd.f32 $1.428571490e-01, v32;
	v12 =	vmul.f32 v12, v56;
	v38 =	vpop (erf)  }
0x11e: {  	v14 =	vadd.f32 v54, v54;
	v37 =	vmul.f32 v33, v33;
	v18 =	vmul.f32 v38, v34  }
0x11f: {  	v6 =	vadd.f32 v9, v6;
	v9 =	vcvt.s32.f32 v27;
	v3 =	vmul.f32 v3, v29  }
0x120: {  	v12 =	vadd.f32 $3.333333430e-01, v12;
	v40 =	vmul.f32 $1.111111120e-01, v37;
	v41 =	vmul.f32 v18, v18  }
0x121: {  	v22 =	vadd.s32 $0xFFFFFF81, v39;
	v9 =	vmul.f32 $6.931471820e-01, v9;
	v3 =	vadd.f32 $2.000000030e-01, v3  }
0x122: {  	v36 =	vmul.f32 v12, v56;
	v21 =	vadd.f32 $1.428571490e-01, v40;
	v44 =	vmul.f32 $1.111111120e-01, v41  }
0x123: {  	v42 =	vcvt.s32.f32 v22;
	v2 =	vadd.f32 v31, v9;
	v3 =	vmul.f32 v3, v29  }
0x124: {  	v35 =	vld [tilespmem:$0x4A0];
	v9 =	vadd.f32 $1.000000000e+00, v36;
	v46 =	vmul.f32 v21, v37;
	v47 =	vadd.f32 $1.428571490e-01, v44  }
0x125: {  	v8 =	vmul.f32 $6.931471820e-01, v8;
	v45 =	vmul.f32 $6.931471820e-01, v42;
	v3 =	vadd.f32 $3.333333430e-01, v3  }
0x126: {  	v43 =	vld [tilespmem:$0x4B0];
	v9 =	vmul.f32 v9, v14;
	v48 =	vadd.f32 $2.000000030e-01, v46;
	v50 =	vmul.f32 v47, v41  }
0x127: {  	v52 =	vshra.s32 v17, $0x17;
	v2 =	vadd.f32 v2, v6;
	v49 =	vmul.f32 v3, v29  }
0x128: {  	v6 =	vadd.f32 v9, v45;
	v51 =	vmul.f32 v48, v37;
	v3 =	vadd.f32 $2.000000030e-01, v50  }
0x129: {  	v13 =	vadd.f32 v13, v13;
	v4 =	vadd.f32 v35, v4;
	v9 =	vadd.s32 $0xFFFFFF81, v52  }
0x12a: {  	v54 =	vld [tilespmem:$0x4C0];
	v2 =	vadd.f32 v6, v2;
	v6 =	vadd.f32 $3.333333430e-01, v51;
	v3 =	vmul.f32 v3, v41  }
0x12b: {  	v4 =	vadd.f32 v43, v4;
	v1 =	vadd.f32 $1.000000000e+00, v49;
	v53 =	vcvt.s32.f32 v9  }
0x12c: {  	v56 =	vld [tilespmem:$0x4D0];
	v55 =	vadd.f32 v33, v33;
	v6 =	vmul.f32 v6, v37;
	v3 =	vadd.f32 $3.333333430e-01, v3  }
0x12d: {  	v57 =	vshra.s32 v16, $0x17;
	v1 =	vmul.f32 v1, v13;
	v5 =	vmul.f32 $6.931471820e-01, v53  }
0x12e: {  	v60 =	vld [tilespmem:$0x4E0];
	v58 =	vadd.s32 $0xFFFFFF81, v57;
	v6 =	vadd.f32 $1.000000000e+00, v6;
	v3 =	vmul.f32 v3, v41  }
0x12f: {  	v4 =	vadd.f32 v54, v4;
	v12 =	vcvt.s32.f32 v58;
	v1 =	vadd.f32 v1, v5  }
0x130: {  	v62 =	vld [tilespmem:$0x4F0];
	v59 =	vadd.f32 v18, v18;
	v6 =	vmul.f32 v6, v55;
	v3 =	vadd.f32 $1.000000000e+00, v3  }
0x131: {  	v0 =	vadd.f32 v11, v0;
	v4 =	vadd.f32 v56, v4;
	v61 =	vmul.f32 $6.931471820e-01, v12  }
0x132: {  	v1 =	vadd.f32 v1, v2;
	v6 =	vadd.f32 v6, v8;
	v3 =	vmul.f32 v3, v59  }
0x133: {  	v0 =	vadd.f32 v7, v0;
	v2 =	vadd.f32 v60, v4  }
0x134: {  	v63 =	vimm.f32 $0.0e+00;
	v1 =	vadd.f32 v6, v1;
	v3 =	vadd.f32 v3, v61  }
0x135: {  	[tilespmem:$0x680] =	vst v63;
	v2 =	vadd.f32 v62, v2  }
0x136: {  	[tilespmem:$0x580] =	vst v0;
	v1 =	vadd.f32 v3, v1  }
0x137: {  	s30 =	sshll.u32 s4, $0x6;
	[tilespmem:$0x600] =	vst v2  }
0x138: {  	s31 =	simm.s32 $0x500;
	s5 =	sadd.s32 s30, s3;
	[tilespmem:$0x500] =	vst v1  }
0x139: {  	[hbm4b:s5+s2] =	stream.linear.scatter [tilespmem:s31], [sflag:$0x3], $0x200, $0x38;
	[tilespmem:$0x2780] =	vst v63  }
0x13a: {  	s5 =	simm.s32 $0x3  }
0x13b: {  	_ =	swait.ge [sflag:s5], $0x200  }
0x13c: {  	[sflag:s5] =	ssyncset.done $0x0  }
0x13d: {  	[sflag:s5] =	ssyncadd.s32 $0xFFFFFE00  }
0x13e: {  	p0 =	sne.s32 s4, $0x0;
	[bflag:$0x0] =	sbarrier.arrive $0xFFFF  }
0x13f: {  	_ =	sfence.sel @p0 $0x180000  }
0x140: {  	[bflag:$0x0] =	sbarrier.arrive @p0 $0xFFFF  }
0x141: {  	_ =	strace @p0 $0x90000047  }
0x142: {  	[bflag:$0x2] =	sbarrier.arrive @p0 $0xFFFF  }
0x143: {  	_ =	shalt @p0  }
.LBB2_1:
0x144: {  	s4 =	simm.s32 $0x700  }
0x145: {  	[tilespmem:s4], [sflag:$0x3] =	stream.linear.gather [hbm4b:s3+s2], $0x2000, $0x38;
	[tilespmem:$0x2780] =	vst v63  }
0x146: {  	_ =	swait.ge [sflag:s5], $0x2000  }
0x147: {  	[sflag:s5] =	ssyncset.done $0x0  }
0x148: {  	[sflag:s5] =	ssyncadd.s32 $0xFFFFE000  }
0x149: {  	v0 =	vld [tilespmem:$0x700]  }
0x14a: {  	v1 =	vld [tilespmem:$0x780]  }
0x14b: {  	v2 =	vld [tilespmem:$0x800]  }
0x14c: {  	v3 =	vld [tilespmem:$0x900]  }
0x14d: {  	v4 =	vld [tilespmem:$0x980]  }
0x14e: {  	v5 =	vld [tilespmem:$0xA00]  }
0x14f: {  	v6 =	vld [tilespmem:$0xB00]  }
0x150: {  	v7 =	vld [tilespmem:$0xB80]  }
0x151: {  	v8 =	vld [tilespmem:$0xC00]  }
0x152: {  	v9 =	vld [tilespmem:$0xD00]  }
0x153: {  	v10 =	vld [tilespmem:$0xD80]  }
0x154: {  	v11 =	vld [tilespmem:$0xE00]  }
0x155: {  	v12 =	vld [tilespmem:$0xF00]  }
0x156: {  	v13 =	vld [tilespmem:$0xF80]  }
0x157: {  	v14 =	vld [tilespmem:$0x1000]  }
0x158: {  	v15 =	vld [tilespmem:$0x1100]  }
0x159: {  	v16 =	vld [tilespmem:$0x1180]  }
0x15a: {  	v17 =	vld [tilespmem:$0x1200]  }
0x15b: {  	v18 =	vld [tilespmem:$0x1300]  }
0x15c: {  	v19 =	vld [tilespmem:$0x1380]  }
0x15d: {  	v20 =	vld [tilespmem:$0x1400];
	v0 =	vadd.f32 $0.0e+00, v0  }
0x15e: {  	v21 =	vld [tilespmem:$0x1500];
	v1 =	vadd.f32 $0.0e+00, v1  }
0x15f: {  	v37 =	vld [tilespmem:$0x1580];
	v2 =	vadd.f32 $0.0e+00, v2;
	v0 =	vadd.f32 v3, v0  }
0x160: {  	v38 =	vld [tilespmem:$0x1600];
	v1 =	vadd.f32 v4, v1  }
0x161: {  	v39 =	vld [tilespmem:$0x1700];
	v2 =	vadd.f32 v5, v2;
	v0 =	vadd.f32 v6, v0  }
0x162: {  	v40 =	vld [tilespmem:$0x1780];
	v1 =	vadd.f32 v7, v1  }
0x163: {  	v41 =	vld [tilespmem:$0x1800];
	v2 =	vadd.f32 v8, v2;
	v0 =	vadd.f32 v9, v0  }
0x164: {  	v42 =	vld [tilespmem:$0x1900];
	v1 =	vadd.f32 v10, v1  }
0x165: {  	v43 =	vld [tilespmem:$0x1980];
	v2 =	vadd.f32 v11, v2;
	v0 =	vadd.f32 v12, v0  }
0x166: {  	v44 =	vld [tilespmem:$0x1A00];
	v1 =	vadd.f32 v13, v1  }
0x167: {  	v45 =	vld [tilespmem:$0x1B00];
	v2 =	vadd.f32 v14, v2;
	v0 =	vadd.f32 v15, v0  }
0x168: {  	v46 =	vld [tilespmem:$0x1B80];
	v1 =	vadd.f32 v16, v1  }
0x169: {  	v47 =	vld [tilespmem:$0x1C00];
	v2 =	vadd.f32 v17, v2;
	v0 =	vadd.f32 v18, v0  }
0x16a: {  	v48 =	vld [tilespmem:$0x1D00];
	v1 =	vadd.f32 v19, v1  }
0x16b: {  	v49 =	vld [tilespmem:$0x1D80];
	v2 =	vadd.f32 v20, v2;
	v0 =	vadd.f32 v21, v0  }
0x16c: {  	v50 =	vld [tilespmem:$0x1E00];
	v1 =	vadd.f32 v37, v1  }
0x16d: {  	v51 =	vld [tilespmem:$0x1F00];
	v2 =	vadd.f32 v38, v2;
	v0 =	vadd.f32 v39, v0  }
0x16e: {  	v52 =	vld [tilespmem:$0x1F80];
	v1 =	vadd.f32 v40, v1  }
0x16f: {  	v53 =	vld [tilespmem:$0x2000];
	v2 =	vadd.f32 v41, v2;
	v0 =	vadd.f32 v42, v0  }
0x170: {  	v54 =	vld [tilespmem:$0x2100];
	v1 =	vadd.f32 v43, v1  }
0x171: {  	v55 =	vld [tilespmem:$0x2180];
	v2 =	vadd.f32 v44, v2;
	v0 =	vadd.f32 v45, v0  }
0x172: {  	v56 =	vld [tilespmem:$0x2200];
	v1 =	vadd.f32 v46, v1  }
0x173: {  	v57 =	vld [tilespmem:$0x2300];
	v2 =	vadd.f32 v47, v2;
	v0 =	vadd.f32 v48, v0  }
0x174: {  	v58 =	vld [tilespmem:$0x2380];
	v1 =	vadd.f32 v49, v1  }
0x175: {  	v59 =	vld [tilespmem:$0x2400];
	v2 =	vadd.f32 v50, v2;
	v0 =	vadd.f32 v51, v0  }
0x176: {  	v60 =	vld [tilespmem:$0x2500];
	v1 =	vadd.f32 v52, v1  }
0x177: {  	v61 =	vld [tilespmem:$0x2580];
	v2 =	vadd.f32 v53, v2;
	v0 =	vadd.f32 v54, v0  }
0x178: {  	v62 =	vld [tilespmem:$0x2600];
	v1 =	vadd.f32 v55, v1  }
0x179: {  	v2 =	vadd.f32 v56, v2;
	v0 =	vadd.f32 v57, v0  }
0x17a: {  	v1 =	vadd.f32 v58, v1  }
0x17b: {  	v2 =	vadd.f32 v59, v2;
	v0 =	vadd.f32 v60, v0  }
0x17c: {  	v1 =	vadd.f32 v61, v1  }
0x17d: {  	v2 =	vadd.f32 v62, v2;
	(v2sf) =	vpush v0, $0x0  }
0x17e: {  	(v2sf) =	vpush v1, $0x0  }
0x17f: {  	(v2sf) =	vpush v2, $0x0  }
0x180: {  	(v2sf) =	vpush v0, $0x1  }
0x181: {  	(v2sf) =	vpush v1, $0x1  }
0x182: {  	(v2sf) =	vpush v2, $0x1  }
0x183: {  	(v2sf) =	vpush v0, $0x2  }
0x184: {  	(v2sf) =	vpush v1, $0x2  }
0x185: {  	(v2sf) =	vpush v2, $0x2  }
0x186: {  	(v2sf) =	vpush v0, $0x3  }
0x187: {  	(v2sf) =	vpush v1, $0x3  }
0x188: {  	(v2sf) =	vpush v2, $0x3  }
0x189: {  	(v2sf) =	vpush v0, $0x4  }
0x18a: {  	(v2sf) =	vpush v1, $0x4  }
0x18b: {  	(v2sf) =	vpush v2, $0x4  }
0x18c: {  	s29 =	spop (v2sf);
	(v2sf) =	vpush v0, $0x5  }
0x18d: {  	s30 =	spop (v2sf);
	(v2sf) =	vpush v1, $0x5  }
0x18e: {  	s3 =	sadd.f32 $0.0e+00, s29;
	s6 =	spop (v2sf);
	(v2sf) =	vpush v2, $0x5  }
0x18f: {  	s4 =	sadd.f32 $0.0e+00, s30;
	s7 =	spop (v2sf);
	(v2sf) =	vpush v0, $0x6  }
0x190: {  	s6 =	sadd.f32 $0.0e+00, s6;
	s8 =	spop (v2sf);
	(v2sf) =	vpush v1, $0x6  }
0x191: {  	s3 =	sadd.f32 s3, s7;
	s9 =	spop (v2sf);
	(v2sf) =	vpush v2, $0x6  }
0x192: {  	s4 =	sadd.f32 s4, s8;
	s31 =	spop (v2sf);
	(v2sf) =	vpush v0, $0x7  }
0x193: {  	s6 =	sadd.f32 s6, s9;
	s10 =	spop (v2sf);
	(v2sf) =	vpush v1, $0x7  }
0x194: {  	s3 =	sadd.f32 s3, s31;
	s11 =	spop (v2sf);
	(v2sf) =	vpush v2, $0x7  }
0x195: {  	s4 =	sadd.f32 s4, s10;
	s12 =	spop (v2sf);
	(v2sf) =	vpush v0, $0x8  }
0x196: {  	s6 =	sadd.f32 s6, s11;
	s13 =	spop (v2sf);
	(v2sf) =	vpush v1, $0x8  }
0x197: {  	s3 =	sadd.f32 s3, s12;
	s14 =	spop (v2sf);
	(v2sf) =	vpush v2, $0x8  }
0x198: {  	s4 =	sadd.f32 s4, s13;
	s15 =	spop (v2sf);
	(v2sf) =	vpush v0, $0x9  }
0x199: {  	s6 =	sadd.f32 s6, s14;
	s16 =	spop (v2sf);
	(v2sf) =	vpush v1, $0x9  }
0x19a: {  	s3 =	sadd.f32 s3, s15;
	s17 =	spop (v2sf);
	(v2sf) =	vpush v2, $0x9  }
0x19b: {  	s4 =	sadd.f32 s4, s16;
	s18 =	spop (v2sf);
	(v2sf) =	vpush v0, $0xA  }
0x19c: {  	s6 =	sadd.f32 s6, s17;
	s19 =	spop (v2sf);
	(v2sf) =	vpush v1, $0xA  }
0x19d: {  	s3 =	sadd.f32 s3, s18;
	s20 =	spop (v2sf);
	(v2sf) =	vpush v2, $0xA  }
0x19e: {  	s4 =	sadd.f32 s4, s19;
	s21 =	spop (v2sf);
	(v2sf) =	vpush v0, $0xB  }
0x19f: {  	s6 =	sadd.f32 s6, s20;
	s22 =	spop (v2sf);
	(v2sf) =	vpush v1, $0xB  }
0x1a0: {  	s3 =	sadd.f32 s3, s21;
	s23 =	spop (v2sf);
	(v2sf) =	vpush v2, $0xB  }
0x1a1: {  	s4 =	sadd.f32 s4, s22;
	s24 =	spop (v2sf);
	(v2sf) =	vpush v0, $0xC  }
0x1a2: {  	s6 =	sadd.f32 s6, s23;
	s25 =	spop (v2sf);
	(v2sf) =	vpush v1, $0xC  }
0x1a3: {  	s3 =	sadd.f32 s3, s24;
	s26 =	spop (v2sf);
	(v2sf) =	vpush v2, $0xC  }
0x1a4: {  	s4 =	sadd.f32 s4, s25;
	s28 =	spop (v2sf);
	(v2sf) =	vpush v0, $0xD  }
0x1a5: {  	s6 =	sadd.f32 s6, s26;
	s29 =	spop (v2sf);
	(v2sf) =	vpush v1, $0xD  }
0x1a6: {  	s3 =	sadd.f32 s3, s28;
	s30 =	spop (v2sf);
	(v2sf) =	vpush v2, $0xD  }
0x1a7: {  	s4 =	sadd.f32 s4, s29;
	s31 =	spop (v2sf);
	(v2sf) =	vpush v0, $0xE  }
0x1a8: {  	s6 =	sadd.f32 s6, s30;
	s10 =	spop (v2sf);
	(v2sf) =	vpush v1, $0xE  }
0x1a9: {  	s3 =	sadd.f32 s3, s31;
	s11 =	spop (v2sf);
	(v2sf) =	vpush v2, $0xE  }
0x1aa: {  	s4 =	sadd.f32 s4, s10;
	s12 =	spop (v2sf);
	(v2sf) =	vpush v0, $0xF  }
0x1ab: {  	s6 =	sadd.f32 s6, s11;
	s13 =	spop (v2sf);
	(v2sf) =	vpush v1, $0xF  }
0x1ac: {  	s3 =	sadd.f32 s3, s12;
	s14 =	spop (v2sf);
	(v2sf) =	vpush v2, $0xF  }
0x1ad: {  	s4 =	sadd.f32 s4, s13;
	s15 =	spop (v2sf)  }
0x1ae: {  	s6 =	sadd.f32 s6, s14;
	s16 =	spop (v2sf)  }
0x1af: {  	s3 =	sadd.f32 s3, s15;
	s17 =	spop (v2sf)  }
0x1b0: {  	s4 =	sadd.f32 s4, s16;
	s18 =	spop (v2sf)  }
0x1b1: {  	s6 =	sadd.f32 s6, s17;
	s19 =	spop (v2sf)  }
0x1b2: {  	s3 =	sadd.f32 s3, s18;
	s20 =	spop (v2sf)  }
0x1b3: {  	s4 =	sadd.f32 s4, s19;
	s21 =	spop (v2sf)  }
0x1b4: {  	s6 =	sadd.f32 s6, s20;
	s22 =	spop (v2sf)  }
0x1b5: {  	s3 =	sadd.f32 s3, s21;
	s23 =	spop (v2sf)  }
0x1b6: {  	s4 =	sadd.f32 s4, s22;
	s24 =	spop (v2sf)  }
0x1b7: {  	s6 =	sadd.f32 s6, s23;
	s25 =	spop (v2sf)  }
0x1b8: {  	s3 =	sadd.f32 s3, s24;
	s26 =	spop (v2sf)  }
0x1b9: {  	s4 =	sadd.f32 s4, s25;
	s28 =	spop (v2sf)  }
0x1ba: {  	s6 =	sadd.f32 s6, s26;
	s29 =	spop (v2sf)  }
0x1bb: {  	s30 =	spop (v2sf);
	s4 =	sadd.f32 s4, s29  }
0x1bc: {  	s6 =	sadd.f32 s6, s30  }
0x1bd: {  	s3 =	sadd.f32 s3, s28;
	s4 =	smul.f32 $2.441406250e-04, s4  }
0x1be: {  	s6 =	smul.f32 $2.441406250e-04, s6  }
0x1bf: {  	s3 =	smul.f32 $2.441406250e-04, s3  }
0x1c0: {  	s4 =	smul.f32 s6, s4;
	_ =	sdelay $0x1  }
0x1c1: {  	s3 =	ssub.f32 s3, s4;
	_ =	sdelay $0x1  }
0x1c2: {  	v63 =	vmov s3  }
0x1c3: {  	s31 =	simm.s32 $0x2700;
	[tilespmem:$0x2700] =	vst v63  }
0x1c4: {  	[hbm4b:s1+s2] =	stream.linear.scatter [tilespmem:s31], [sflag:$0x3], $0x80, $0x38;
	[tilespmem:$0x2780] =	vst v63  }
0x1c5: {  	_ =	swait.ge [sflag:s5], $0x80  }
0x1c6: {  	[sflag:s5] =	ssyncset.done $0x0  }
0x1c7: {  	[sflag:s5] =	ssyncadd.s32 $0xFFFFFF80  }
0x1c8: {  	_ =	sfence.sel $0x180000  }
0x1c9: {  	[bflag:$0x0] =	sbarrier.arrive $0xFFFF  }
0x1ca: {  	_ =	strace $0x90000047  }
0x1cb: {  	s0 =	sadd.s32 $0x100000, s0;
	[bflag:$0x2] =	sbarrier.arrive $0xFFFF  }
0x1cc: {  	[sflag:s0] =	ssyncadd.tile.s32 $0x1;
	_ =	shalt  }
.Lfunc_end2:
_tile_overlayer_lowered:
.L_overlay_start_2:
0x1cd: {  	(tag) =	ssettag $0x2  }
0x1ce: {  	s0 =	rddreg [dreg:$0x0];
	s2 =	stileid.u32  }
0x1cf: {  	s1 =	rddreg [dreg:$0x1];
	p0 =	sne.s32 s2, $0x0  }
0x1d0: {  	s3 =	rddreg [dreg:$0x2];
	[bflag:$0x3] =	sbarrier.arrive $0xFFFF;
	s2 =	simm.s32 @!p0 $0x1C03  }
0x1d1: {  	[timem:s3], [sflag:s2] =	dma.local @!p0 [hbm:s0], s1  }
0x1d2: {  	s0 =	simm.s32 @!p0 $0x3  }
0x1d3: {  	_ =	swait.ge @!p0 [sflag:s0], s1  }
0x1d4: {  	s1 =	ssub.s32 @!p0 $0x0, s1;
	[sflag:s0] =	ssyncset.done @!p0 $0x0  }
0x1d5: {  	[sflag:s0] =	ssyncadd.s32 @!p0 s1  }
0x1d6: {  	[bflag:$0x3] =	sbarrier.arrive $0xFFFF  }
0x1d7: {  	_ =	shalt  }

</sc_bundles>
